<compile_context>
chip_gen: v7x
topology: tpu7x:2x2x1
jax: 0.10.2.dev20260603
libtpu: 0.0.44.dev20260713+nightly
codegen_flags: <defaults>
</compile_context>

<pallas_src>
import functools

import jax
import jax.numpy as jnp
from jax import lax
from jax.experimental import pallas as pl
from jax.experimental.pallas import tpu as pltpu
from jax.experimental.pallas import tpu_sc as plsc

N_E = 8192
E_DIM = 256
N_TOK = 8192
BETA = 0.25

BM = 512
BN = 512
NT = N_TOK // BM


def _argmin_body(z_ref, sz_ref, sw_ref, wt_ref, idx_ref, dsum_ref):
    i = pl.program_id(0)
    z = z_ref[...]
    sz = sz_ref[...]

    lane = lax.broadcasted_iota(jnp.int32, (BM, 128), 1).astype(jnp.float32)
    vmin = jnp.full((BM, 128), jnp.inf, jnp.float32)
    iml = jnp.zeros((BM, 128), jnp.float32)
    for j in range(N_E // BN):
        wt2 = wt_ref[:, j * BN:(j + 1) * BN]
        mm2 = jnp.dot(z, wt2, preferred_element_type=jnp.float32)
        for c in range(BN // 128):
            col = j * BN + c * 128
            dcol = (sz + sw_ref[:, col:col + 128]) - mm2[:, c * 128:(c + 1) * 128]
            upd = dcol < vmin
            vmin = jnp.where(upd, dcol, vmin)
            iml = jnp.where(upd, lane + float(col), iml)
    dmin = jnp.min(vmin, axis=1, keepdims=True)
    imin = jnp.min(jnp.where(vmin == dmin, iml, float(N_E)), axis=1,
                   keepdims=True)
    idx_ref[...] = imin.astype(jnp.int32)
    s = jnp.sum(dmin).reshape(1, 1)

    @pl.when(i == 0)
    def _():
        dsum_ref[...] = s

    @pl.when(i != 0)
    def _():
        dsum_ref[...] += s


def _tc_argmin(z_flat, sz, sw, wt):
    return pl.pallas_call(
        _argmin_body,
        grid=(NT,),
        in_specs=[
            pl.BlockSpec((BM, E_DIM), lambda i: (i, 0)),
            pl.BlockSpec((BM, 1), lambda i: (i, 0)),
            pl.BlockSpec((1, N_E), lambda i: (0, 0)),
            pl.BlockSpec((E_DIM, N_E), lambda i: (0, 0)),
        ],
        out_specs=[
            pl.BlockSpec((BM, 1), lambda i: (i, 0)),
            pl.BlockSpec((1, 1), lambda i: (0, 0)),
        ],
        out_shape=[
            jax.ShapeDtypeStruct((N_TOK, 1), jnp.int32),
            jax.ShapeDtypeStruct((1, 1), jnp.float32),
        ],
    )(z_flat, sz, sw, wt)



_B_PER_W = N_TOK // 32
_IDX_ROWS = N_TOK // 128


def _sc_body(w_hbm, idx_hbm, zq_hbm, uniq_hbm,
             idx_v, rows_v, sidx_v, ones_v, zeros_v, slice_v, cnt_v,
             table_sh, sem):
    cid = lax.axis_index("c")
    sid = lax.axis_index("s")
    wid = cid * 16 + sid

    pltpu.sync_copy(idx_hbm.at[pl.ds(wid * 2, 2)], idx_v)
    c0 = pltpu.async_copy(w_hbm.at[idx_v.at[0]], rows_v.at[pl.ds(0, 128)],
                          sem)
    c1 = pltpu.async_copy(w_hbm.at[idx_v.at[1]], rows_v.at[pl.ds(128, 128)],
                          sem)
    c0.wait()
    c1.wait()
    pltpu.sync_copy(rows_v, zq_hbm.at[pl.ds(wid * _B_PER_W, _B_PER_W)])

    @pl.when(cid == 0)
    def _():
        for k in range(512 // 16):
            ones_v[pl.ds(k * 16, 16)] = jnp.ones((16,), jnp.int32)
            zeros_v[pl.ds(k * 16, 16)] = jnp.zeros((16,), jnp.int32)
        pltpu.sync_copy(zeros_v, table_sh.at[pl.ds(sid * 512, 512)])
        plsc.subcore_barrier()
        pltpu.sync_copy(idx_hbm.at[pl.ds(sid * 4, 4)], sidx_v)
        for j in range(4):
            pltpu.sync_copy(ones_v.at[pl.ds(j * 128, 128)],
                            table_sh.at[sidx_v.at[j]], add=True)
        plsc.subcore_barrier()
        pltpu.sync_copy(table_sh.at[pl.ds(sid * 512, 512)], slice_v)
        total = jnp.zeros((16,), jnp.int32)
        for k in range(512 // 16):
            x = slice_v[pl.ds(k * 16, 16)]
            total = total + jnp.minimum(x, jnp.ones((16,), jnp.int32))
        cnt_v[...] = total
        pltpu.sync_copy(cnt_v, uniq_hbm.at[sid])


@functools.cache
def _sc_gather_kernel():
    return pl.kernel(
        _sc_body,
        out_type=[
            jax.ShapeDtypeStruct((N_TOK, E_DIM), jnp.float32),
            jax.ShapeDtypeStruct((16, 16), jnp.int32),
        ],
        mesh=plsc.VectorSubcoreMesh(core_axis_name="c",
                                    subcore_axis_name="s"),
        scratch_types=[
            pltpu.VMEM((2, 128), jnp.int32),
            pltpu.VMEM((_B_PER_W, E_DIM), jnp.float32),
            pltpu.VMEM((4, 128), jnp.int32),
            pltpu.VMEM((512,), jnp.int32),
            pltpu.VMEM((512,), jnp.int32),
            pltpu.VMEM((512,), jnp.int32),
            pltpu.VMEM((16,), jnp.int32),
            pltpu.VMEM_SHARED((N_E,), jnp.int32),
            pltpu.SemaphoreType.DMA,
        ],
    )


def _sc_gather(w, idx2d):
    return _sc_gather_kernel()(w, idx2d)


def kernel(z, W):
    zp = jnp.transpose(z, (0, 2, 3, 4, 1))
    z_flat = zp.reshape(-1, E_DIM)
    sz = jnp.sum(z_flat ** 2, axis=1, keepdims=True)
    sw = jnp.sum(W ** 2, axis=1).reshape(1, N_E)
    z_bf = z_flat.astype(jnp.bfloat16)
    wt_bf = (2.0 * W).astype(jnp.bfloat16).T

    idx2d, dsum = _tc_argmin(z_bf, sz, sw, wt_bf)
    idx = idx2d.reshape(N_TOK)

    zq_flat, uniq_rows = _sc_gather(W, idx.reshape(_IDX_ROWS, 128))
    unique = jnp.sum(uniq_rows)

    m = dsum[0, 0] / jnp.float32(N_TOK * E_DIM)
    loss = jnp.float32(BETA) * m + m

    zq_st = z_flat + (zq_flat - z_flat)
    z_q = jnp.transpose(zq_st.reshape(zp.shape), (0, 4, 1, 2, 3))
    return (z_q, loss, unique, idx)

# --- scband reference (transcript-rebuilt; emitter-appended) ---
"""Pipeline reference for scband-vector-quantizer2-32074815767040 (READ-ONLY COPY).

The authoritative reference and input builder live on the scoring server;
editing this copy changes nothing except your own understanding.
"""

import jax, jax.numpy as jnp
import numpy as np

N_E = 8192
E_DIM = 256
BETA = 0.25


def setup_inputs(seed: int = 0) -> dict:
    key = jax.random.key(seed)
    k1, k2 = jax.random.split(key)
    z = jax.random.normal(k1, (2, 256, 4, 32, 32), dtype=jnp.float32)
    # embedding weight initialized uniform(-1/n_e, 1/n_e) as in the torch module
    W = jax.random.uniform(k2, (N_E, E_DIM), minval=-1.0 / N_E, maxval=1.0 / N_E, dtype=jnp.float32)
    return {"z": z, "W": W}


def reference(z, W):
    # rearrange 'b c l h w -> b l h w c'
    zp = jnp.transpose(z, (0, 2, 3, 4, 1))
    z_flat = zp.reshape(-1, E_DIM)
    # squared L2 distances to every codebook entry
    d = (jnp.sum(z_flat ** 2, axis=1, keepdims=True)
         + jnp.sum(W ** 2, axis=1)
         - 2.0 * jnp.einsum('bd,dn->bn', z_flat, W.T))
    min_encoding_indices = jnp.argmin(d, axis=1)
    z_q = jnp.take(W, min_encoding_indices, axis=0).reshape(zp.shape)
    # legacy=False branch of the commitment loss
    loss = (BETA * jnp.mean((jax.lax.stop_gradient(z_q) - zp) ** 2)
            + jnp.mean((z_q - jax.lax.stop_gradient(zp)) ** 2))
    # straight-through estimator
    z_q = zp + jax.lax.stop_gradient(z_q - zp)
    # rearrange 'b l h w c -> b c l h w'
    z_q = jnp.transpose(z_q, (0, 4, 1, 2, 3))
    # number of unique codes used (jit-friendly via bincount)
    unique = jnp.sum(jnp.bincount(min_encoding_indices, length=N_E) > 0)
    return (z_q, loss, unique, min_encoding_indices)

if __name__ == "__main__":
    import jax
    _d = setup_inputs()
    print(jax.jit(kernel)(*tuple(_d.values())))

</pallas_src>

<mosaic_0001>
#map = affine_map<(d0, d1) -> (0, 0)>
module attributes {stable_mosaic.version = 14 : i64} {
  func.func @_sc_body(%arg0: i32, %arg1: i32, %arg2: memref<8192x256xf32, #tpu.memory_space<hbm>>, %arg3: memref<64x128xi32, #tpu.memory_space<hbm>>, %arg4: memref<8192x256xf32, #tpu.memory_space<hbm>>, %arg5: memref<16x16xi32, #tpu.memory_space<hbm>>, %arg6: memref<2x128xi32, #tpu.memory_space<vmem>>, %arg7: memref<256x256xf32, #tpu.memory_space<vmem>>, %arg8: memref<4x128xi32, #tpu.memory_space<vmem>>, %arg9: memref<512xi32, #tpu.memory_space<vmem>>, %arg10: memref<512xi32, #tpu.memory_space<vmem>>, %arg11: memref<512xi32, #tpu.memory_space<vmem>>, %arg12: memref<16xi32, #tpu.memory_space<vmem>>, %arg13: memref<8192xi32, #tpu.memory_space<vmem_shared>>, %arg14: memref<!tpu.dma_semaphore, #tpu.memory_space<semaphore_mem>>) attributes {dimension_semantics = [#tpu.dimension_semantics<core_parallel>, #tpu.dimension_semantics<subcore_parallel>], iteration_bounds = array<i64: 2, 16>, scalar_prefetch = 0 : i64, scratch_operands = 9 : i64, tpu.core_type = #tpu.core_type<sc_vector_subcore>, window_params = [{transform_indices = #map}, {transform_indices = #map}, {transform_indices = #map}, {transform_indices = #map}]} {
    %mul3A = arith.constant 16 : i32
    %mul3A_0 = arith.muli %arg0, %mul3A : i32
    %add3A = arith.addi %mul3A_0, %arg1 : i32
    %mul3A_1 = arith.constant 2 : i32
    %mul3A_2 = arith.muli %add3A, %mul3A_1 : i32
    "tpu.region"() ({
      %run_scoped3A = tpu.sem_alloc : memref<!tpu.dma_semaphore, #tpu.memory_space<semaphore_mem>>
      %dma_start3A_45 = arith.constant 0 : i32
      %dma_start3A_46 = tpu.memref_slice %arg3[%mul3A_2, %dma_start3A_45] : memref<64x128xi32, #tpu.memory_space<hbm>> -> memref<2x128xi32, #tpu.memory_space<hbm>>
      %dma_start3A_47 = arith.constant 0 : i32
      %dma_start3A_48 = tpu.memref_slice %arg3[%mul3A_2, %dma_start3A_47] : memref<64x128xi32, #tpu.memory_space<hbm>> -> memref<2x128xi32, #tpu.memory_space<hbm>>
      tpu.enqueue_dma source(%dma_start3A_48 : memref<2x128xi32, #tpu.memory_space<hbm>>) target(%arg6 : memref<2x128xi32, #tpu.memory_space<vmem>>) target_semaphore(%run_scoped3A : memref<!tpu.dma_semaphore, #tpu.memory_space<semaphore_mem>>)
      %dma_wait3A_49 = arith.constant 0 : i32
      %dma_wait3A_50 = tpu.memref_slice %arg3[%mul3A_2, %dma_wait3A_49] : memref<64x128xi32, #tpu.memory_space<hbm>> -> memref<2x128xi32, #tpu.memory_space<hbm>>
      %dma_wait3A_51 = arith.constant 0 : i32
      %dma_wait3A_52 = tpu.memref_slice %arg3[%mul3A_2, %dma_wait3A_51] : memref<64x128xi32, #tpu.memory_space<hbm>> -> memref<2x128xi32, #tpu.memory_space<hbm>>
      tpu.wait_dma2 semaphore(%run_scoped3A : memref<!tpu.dma_semaphore, #tpu.memory_space<semaphore_mem>>) src(%dma_wait3A_52 : memref<2x128xi32, #tpu.memory_space<hbm>>) dst(%arg6 : memref<2x128xi32, #tpu.memory_space<vmem>>)
      tpu.yield
    }) : () -> ()
    %dma_start3A = arith.constant 0 : i32
    %dma_start3A_3 = arith.constant 0 : i32
    %dma_start3A_4 = arith.constant 0 : i32
    %dma_start3A_5 = tpu.memref_slice %arg7[%dma_start3A_3, %dma_start3A_4] : memref<256x256xf32, #tpu.memory_space<vmem>> -> memref<128x256xf32, #tpu.memory_space<vmem>>
    %dma_start3A_6 = arith.constant 0 : i32
    %dma_start3A_7 = tpu.memref_slice %arg6[%dma_start3A, %dma_start3A_6] : memref<2x128xi32, #tpu.memory_space<vmem>> -> memref<1x128xi32, #tpu.memory_space<vmem>>
    %dma_start3A_8 = tpu.memref_squeeze %dma_start3A_7 : memref<1x128xi32, #tpu.memory_space<vmem>> -> memref<128xi32, #tpu.memory_space<vmem>>
    %dma_start3A_9 = arith.constant 0 : i32
    %dma_start3A_10 = arith.constant 0 : i32
    %dma_start3A_11 = tpu.memref_slice %arg2[%dma_start3A_9, %dma_start3A_10] : memref<8192x256xf32, #tpu.memory_space<hbm>> -> memref<8192x256xf32, #tpu.memory_space<hbm>>
    tpu.enqueue_indirect_dma source(%dma_start3A_11 : memref<8192x256xf32, #tpu.memory_space<hbm>>) target(%dma_start3A_5 : memref<128x256xf32, #tpu.memory_space<vmem>>) offsets(%dma_start3A_8 : memref<128xi32, #tpu.memory_space<vmem>>) semaphore(%arg14 : memref<!tpu.dma_semaphore, #tpu.memory_space<semaphore_mem>>)
    %dma_start3A_12 = arith.constant 1 : i32
    %dma_start3A_13 = arith.constant 128 : i32
    %dma_start3A_14 = arith.constant 0 : i32
    %dma_start3A_15 = tpu.memref_slice %arg7[%dma_start3A_13, %dma_start3A_14] : memref<256x256xf32, #tpu.memory_space<vmem>> -> memref<128x256xf32, #tpu.memory_space<vmem>>
    %dma_start3A_16 = arith.constant 0 : i32
    %dma_start3A_17 = tpu.memref_slice %arg6[%dma_start3A_12, %dma_start3A_16] : memref<2x128xi32, #tpu.memory_space<vmem>> -> memref<1x128xi32, #tpu.memory_space<vmem>>
    %dma_start3A_18 = tpu.memref_squeeze %dma_start3A_17 : memref<1x128xi32, #tpu.memory_space<vmem>> -> memref<128xi32, #tpu.memory_space<vmem>>
    %dma_start3A_19 = arith.constant 0 : i32
    %dma_start3A_20 = arith.constant 0 : i32
    %dma_start3A_21 = tpu.memref_slice %arg2[%dma_start3A_19, %dma_start3A_20] : memref<8192x256xf32, #tpu.memory_space<hbm>> -> memref<8192x256xf32, #tpu.memory_space<hbm>>
    tpu.enqueue_indirect_dma source(%dma_start3A_21 : memref<8192x256xf32, #tpu.memory_space<hbm>>) target(%dma_start3A_15 : memref<128x256xf32, #tpu.memory_space<vmem>>) offsets(%dma_start3A_18 : memref<128xi32, #tpu.memory_space<vmem>>) semaphore(%arg14 : memref<!tpu.dma_semaphore, #tpu.memory_space<semaphore_mem>>)
    %dma_wait3A = arith.constant 0 : i32
    %dma_wait3A_22 = arith.constant 0 : i32
    %dma_wait3A_23 = arith.constant 0 : i32
    %dma_wait3A_24 = tpu.memref_slice %arg7[%dma_wait3A_22, %dma_wait3A_23] : memref<256x256xf32, #tpu.memory_space<vmem>> -> memref<128x256xf32, #tpu.memory_space<vmem>>
    %dma_wait3A_25 = arith.constant 0 : i32
    %dma_wait3A_26 = tpu.memref_slice %arg6[%dma_wait3A, %dma_wait3A_25] : memref<2x128xi32, #tpu.memory_space<vmem>> -> memref<1x128xi32, #tpu.memory_space<vmem>>
    %dma_wait3A_27 = tpu.memref_squeeze %dma_wait3A_26 : memref<1x128xi32, #tpu.memory_space<vmem>> -> memref<128xi32, #tpu.memory_space<vmem>>
    %dma_wait3A_28 = arith.constant 0 : i32
    %dma_wait3A_29 = arith.constant 0 : i32
    %dma_wait3A_30 = tpu.memref_slice %arg2[%dma_wait3A_28, %dma_wait3A_29] : memref<8192x256xf32, #tpu.memory_space<hbm>> -> memref<8192x256xf32, #tpu.memory_space<hbm>>
    tpu.wait_indirect_dma semaphore(%arg14 : memref<!tpu.dma_semaphore, #tpu.memory_space<semaphore_mem>>) src(%dma_wait3A_30 : memref<8192x256xf32, #tpu.memory_space<hbm>>) dst(%dma_wait3A_24 : memref<128x256xf32, #tpu.memory_space<vmem>>)
    %dma_wait3A_31 = arith.constant 1 : i32
    %dma_wait3A_32 = arith.constant 128 : i32
    %dma_wait3A_33 = arith.constant 0 : i32
    %dma_wait3A_34 = tpu.memref_slice %arg7[%dma_wait3A_32, %dma_wait3A_33] : memref<256x256xf32, #tpu.memory_space<vmem>> -> memref<128x256xf32, #tpu.memory_space<vmem>>
    %dma_wait3A_35 = arith.constant 0 : i32
    %dma_wait3A_36 = tpu.memref_slice %arg6[%dma_wait3A_31, %dma_wait3A_35] : memref<2x128xi32, #tpu.memory_space<vmem>> -> memref<1x128xi32, #tpu.memory_space<vmem>>
    %dma_wait3A_37 = tpu.memref_squeeze %dma_wait3A_36 : memref<1x128xi32, #tpu.memory_space<vmem>> -> memref<128xi32, #tpu.memory_space<vmem>>
    %dma_wait3A_38 = arith.constant 0 : i32
    %dma_wait3A_39 = arith.constant 0 : i32
    %dma_wait3A_40 = tpu.memref_slice %arg2[%dma_wait3A_38, %dma_wait3A_39] : memref<8192x256xf32, #tpu.memory_space<hbm>> -> memref<8192x256xf32, #tpu.memory_space<hbm>>
    tpu.wait_indirect_dma semaphore(%arg14 : memref<!tpu.dma_semaphore, #tpu.memory_space<semaphore_mem>>) src(%dma_wait3A_40 : memref<8192x256xf32, #tpu.memory_space<hbm>>) dst(%dma_wait3A_34 : memref<128x256xf32, #tpu.memory_space<vmem>>)
    %mul3A_41 = arith.constant 256 : i32
    %mul3A_42 = arith.muli %add3A, %mul3A_41 : i32
    "tpu.region"() ({
      %run_scoped3A = tpu.sem_alloc : memref<!tpu.dma_semaphore, #tpu.memory_space<semaphore_mem>>
      %dma_start3A_45 = arith.constant 0 : i32
      %dma_start3A_46 = tpu.memref_slice %arg4[%mul3A_42, %dma_start3A_45] : memref<8192x256xf32, #tpu.memory_space<hbm>> -> memref<256x256xf32, #tpu.memory_space<hbm>>
      %dma_start3A_47 = arith.constant 0 : i32
      %dma_start3A_48 = tpu.memref_slice %arg4[%mul3A_42, %dma_start3A_47] : memref<8192x256xf32, #tpu.memory_space<hbm>> -> memref<256x256xf32, #tpu.memory_space<hbm>>
      tpu.enqueue_dma source(%arg7 : memref<256x256xf32, #tpu.memory_space<vmem>>) target(%dma_start3A_48 : memref<256x256xf32, #tpu.memory_space<hbm>>) target_semaphore(%run_scoped3A : memref<!tpu.dma_semaphore, #tpu.memory_space<semaphore_mem>>)
      %dma_wait3A_49 = arith.constant 0 : i32
      %dma_wait3A_50 = tpu.memref_slice %arg4[%mul3A_42, %dma_wait3A_49] : memref<8192x256xf32, #tpu.memory_space<hbm>> -> memref<256x256xf32, #tpu.memory_space<hbm>>
      %dma_wait3A_51 = arith.constant 0 : i32
      %dma_wait3A_52 = tpu.memref_slice %arg4[%mul3A_42, %dma_wait3A_51] : memref<8192x256xf32, #tpu.memory_space<hbm>> -> memref<256x256xf32, #tpu.memory_space<hbm>>
      tpu.wait_dma2 semaphore(%run_scoped3A : memref<!tpu.dma_semaphore, #tpu.memory_space<semaphore_mem>>) src(%arg7 : memref<256x256xf32, #tpu.memory_space<vmem>>) dst(%dma_wait3A_52 : memref<256x256xf32, #tpu.memory_space<hbm>>)
      tpu.yield
    }) : () -> ()
    %eq3A = arith.constant 0 : i32
    %eq3A_43 = arith.cmpi eq, %arg0, %eq3A : i32
    %convert_element_type3A = arith.extui %eq3A_43 : i1 to i32
    %cond3A = arith.constant 0 : i32
    %cond3A_44 = arith.cmpi ne, %convert_element_type3A, %cond3A : i32
    scf.if %cond3A_44 {
      %broadcast_in_dim3A = arith.constant 1 : i32
      %broadcast_in_dim3A_45 = vector.broadcast %broadcast_in_dim3A : i32 to vector<16xi32>
      %swap3A = arith.constant 0 : index
      %swap3A_46 = tpu.vector_load %arg9[%swap3A] {strides = array<i32>} : memref<512xi32, #tpu.memory_space<vmem>>, vector<16xi32>,
      %swap3A_47 = vector.shape_cast %swap3A_46 : vector<16xi32> to vector<16xi32>
      %swap3A_48 = vector.shape_cast %broadcast_in_dim3A_45 : vector<16xi32> to vector<16xi32>
      tpu.vector_store %arg9[%swap3A], %swap3A_48 {strides = array<i32>} : memref<512xi32, #tpu.memory_space<vmem>>, vector<16xi32>,
      %broadcast_in_dim3A_49 = arith.constant 0 : i32
      %broadcast_in_dim3A_50 = vector.broadcast %broadcast_in_dim3A_49 : i32 to vector<16xi32>
      %swap3A_51 = arith.constant 0 : index
      %swap3A_52 = tpu.vector_load %arg10[%swap3A_51] {strides = array<i32>} : memref<512xi32, #tpu.memory_space<vmem>>, vector<16xi32>,
      %swap3A_53 = vector.shape_cast %swap3A_52 : vector<16xi32> to vector<16xi32>
      %swap3A_54 = vector.shape_cast %broadcast_in_dim3A_50 : vector<16xi32> to vector<16xi32>
      tpu.vector_store %arg10[%swap3A_51], %swap3A_54 {strides = array<i32>} : memref<512xi32, #tpu.memory_space<vmem>>, vector<16xi32>,
      %broadcast_in_dim3A_55 = arith.constant 1 : i32
      %broadcast_in_dim3A_56 = vector.broadcast %broadcast_in_dim3A_55 : i32 to vector<16xi32>
      %swap3A_57 = arith.constant 16 : index
      %swap3A_58 = tpu.vector_load %arg9[%swap3A_57] {strides = array<i32>} : memref<512xi32, #tpu.memory_space<vmem>>, vector<16xi32>,
      %swap3A_59 = vector.shape_cast %swap3A_58 : vector<16xi32> to vector<16xi32>
      %swap3A_60 = vector.shape_cast %broadcast_in_dim3A_56 : vector<16xi32> to vector<16xi32>
      tpu.vector_store %arg9[%swap3A_57], %swap3A_60 {strides = array<i32>} : memref<512xi32, #tpu.memory_space<vmem>>, vector<16xi32>,
      %broadcast_in_dim3A_61 = arith.constant 0 : i32
      %broadcast_in_dim3A_62 = vector.broadcast %broadcast_in_dim3A_61 : i32 to vector<16xi32>
      %swap3A_63 = arith.constant 16 : index
      %swap3A_64 = tpu.vector_load %arg10[%swap3A_63] {strides = array<i32>} : memref<512xi32, #tpu.memory_space<vmem>>, vector<16xi32>,
      %swap3A_65 = vector.shape_cast %swap3A_64 : vector<16xi32> to vector<16xi32>
      %swap3A_66 = vector.shape_cast %broadcast_in_dim3A_62 : vector<16xi32> to vector<16xi32>
      tpu.vector_store %arg10[%swap3A_63], %swap3A_66 {strides = array<i32>} : memref<512xi32, #tpu.memory_space<vmem>>, vector<16xi32>,
      %broadcast_in_dim3A_67 = arith.constant 1 : i32
      %broadcast_in_dim3A_68 = vector.broadcast %broadcast_in_dim3A_67 : i32 to vector<16xi32>
      %swap3A_69 = arith.constant 32 : index
      %swap3A_70 = tpu.vector_load %arg9[%swap3A_69] {strides = array<i32>} : memref<512xi32, #tpu.memory_space<vmem>>, vector<16xi32>,
      %swap3A_71 = vector.shape_cast %swap3A_70 : vector<16xi32> to vector<16xi32>
      %swap3A_72 = vector.shape_cast %broadcast_in_dim3A_68 : vector<16xi32> to vector<16xi32>
      tpu.vector_store %arg9[%swap3A_69], %swap3A_72 {strides = array<i32>} : memref<512xi32, #tpu.memory_space<vmem>>, vector<16xi32>,
      %broadcast_in_dim3A_73 = arith.constant 0 : i32
      %broadcast_in_dim3A_74 = vector.broadcast %broadcast_in_dim3A_73 : i32 to vector<16xi32>
      %swap3A_75 = arith.constant 32 : index
      %swap3A_76 = tpu.vector_load %arg10[%swap3A_75] {strides = array<i32>} : memref<512xi32, #tpu.memory_space<vmem>>, vector<16xi32>,
      %swap3A_77 = vector.shape_cast %swap3A_76 : vector<16xi32> to vector<16xi32>
      %swap3A_78 = vector.shape_cast %broadcast_in_dim3A_74 : vector<16xi32> to vector<16xi32>
      tpu.vector_store %arg10[%swap3A_75], %swap3A_78 {strides = array<i32>} : memref<512xi32, #tpu.memory_space<vmem>>, vector<16xi32>,
      %broadcast_in_dim3A_79 = arith.constant 1 : i32
      %broadcast_in_dim3A_80 = vector.broadcast %broadcast_in_dim3A_79 : i32 to vector<16xi32>
      %swap3A_81 = arith.constant 48 : index
      %swap3A_82 = tpu.vector_load %arg9[%swap3A_81] {strides = array<i32>} : memref<512xi32, #tpu.memory_space<vmem>>, vector<16xi32>,
      %swap3A_83 = vector.shape_cast %swap3A_82 : vector<16xi32> to vector<16xi32>
      %swap3A_84 = vector.shape_cast %broadcast_in_dim3A_80 : vector<16xi32> to vector<16xi32>
      tpu.vector_store %arg9[%swap3A_81], %swap3A_84 {strides = array<i32>} : memref<512xi32, #tpu.memory_space<vmem>>, vector<16xi32>,
      %broadcast_in_dim3A_85 = arith.constant 0 : i32
      %broadcast_in_dim3A_86 = vector.broadcast %broadcast_in_dim3A_85 : i32 to vector<16xi32>
      %swap3A_87 = arith.constant 48 : index
      %swap3A_88 = tpu.vector_load %arg10[%swap3A_87] {strides = array<i32>} : memref<512xi32, #tpu.memory_space<vmem>>, vector<16xi32>,
      %swap3A_89 = vector.shape_cast %swap3A_88 : vector<16xi32> to vector<16xi32>
      %swap3A_90 = vector.shape_cast %broadcast_in_dim3A_86 : vector<16xi32> to vector<16xi32>
      tpu.vector_store %arg10[%swap3A_87], %swap3A_90 {strides = array<i32>} : memref<512xi32, #tpu.memory_space<vmem>>, vector<16xi32>,
      %broadcast_in_dim3A_91 = arith.constant 1 : i32
      %broadcast_in_dim3A_92 = vector.broadcast %broadcast_in_dim3A_91 : i32 to vector<16xi32>
      %swap3A_93 = arith.constant 64 : index
      %swap3A_94 = tpu.vector_load %arg9[%swap3A_93] {strides = array<i32>} : memref<512xi32, #tpu.memory_space<vmem>>, vector<16xi32>,
      %swap3A_95 = vector.shape_cast %swap3A_94 : vector<16xi32> to vector<16xi32>
      %swap3A_96 = vector.shape_cast %broadcast_in_dim3A_92 : vector<16xi32> to vector<16xi32>
      tpu.vector_store %arg9[%swap3A_93], %swap3A_96 {strides = array<i32>} : memref<512xi32, #tpu.memory_space<vmem>>, vector<16xi32>,
      %broadcast_in_dim3A_97 = arith.constant 0 : i32
      %broadcast_in_dim3A_98 = vector.broadcast %broadcast_in_dim3A_97 : i32 to vector<16xi32>
      %swap3A_99 = arith.constant 64 : index
      %swap3A_100 = tpu.vector_load %arg10[%swap3A_99] {strides = array<i32>} : memref<512xi32, #tpu.memory_space<vmem>>, vector<16xi32>,
      %swap3A_101 = vector.shape_cast %swap3A_100 : vector<16xi32> to vector<16xi32>
      %swap3A_102 = vector.shape_cast %broadcast_in_dim3A_98 : vector<16xi32> to vector<16xi32>
      tpu.vector_store %arg10[%swap3A_99], %swap3A_102 {strides = array<i32>} : memref<512xi32, #tpu.memory_space<vmem>>, vector<16xi32>,
      %broadcast_in_dim3A_103 = arith.constant 1 : i32
      %broadcast_in_dim3A_104 = vector.broadcast %broadcast_in_dim3A_103 : i32 to vector<16xi32>
      %swap3A_105 = arith.constant 80 : index
      %swap3A_106 = tpu.vector_load %arg9[%swap3A_105] {strides = array<i32>} : memref<512xi32, #tpu.memory_space<vmem>>, vector<16xi32>,
      %swap3A_107 = vector.shape_cast %swap3A_106 : vector<16xi32> to vector<16xi32>
      %swap3A_108 = vector.shape_cast %broadcast_in_dim3A_104 : vector<16xi32> to vector<16xi32>
      tpu.vector_store %arg9[%swap3A_105], %swap3A_108 {strides = array<i32>} : memref<512xi32, #tpu.memory_space<vmem>>, vector<16xi32>,
      %broadcast_in_dim3A_109 = arith.constant 0 : i32
      %broadcast_in_dim3A_110 = vector.broadcast %broadcast_in_dim3A_109 : i32 to vector<16xi32>
      %swap3A_111 = arith.constant 80 : index
      %swap3A_112 = tpu.vector_load %arg10[%swap3A_111] {strides = array<i32>} : memref<512xi32, #tpu.memory_space<vmem>>, vector<16xi32>,
      %swap3A_113 = vector.shape_cast %swap3A_112 : vector<16xi32> to vector<16xi32>
      %swap3A_114 = vector.shape_cast %broadcast_in_dim3A_110 : vector<16xi32> to vector<16xi32>
      tpu.vector_store %arg10[%swap3A_111], %swap3A_114 {strides = array<i32>} : memref<512xi32, #tpu.memory_space<vmem>>, vector<16xi32>,
      %broadcast_in_dim3A_115 = arith.constant 1 : i32
      %broadcast_in_dim3A_116 = vector.broadcast %broadcast_in_dim3A_115 : i32 to vector<16xi32>
      %swap3A_117 = arith.constant 96 : index
      %swap3A_118 = tpu.vector_load %arg9[%swap3A_117] {strides = array<i32>} : memref<512xi32, #tpu.memory_space<vmem>>, vector<16xi32>,
      %swap3A_119 = vector.shape_cast %swap3A_118 : vector<16xi32> to vector<16xi32>
      %swap3A_120 = vector.shape_cast %broadcast_in_dim3A_116 : vector<16xi32> to vector<16xi32>
      tpu.vector_store %arg9[%swap3A_117], %swap3A_120 {strides = array<i32>} : memref<512xi32, #tpu.memory_space<vmem>>, vector<16xi32>,
      %broadcast_in_dim3A_121 = arith.constant 0 : i32
      %broadcast_in_dim3A_122 = vector.broadcast %broadcast_in_dim3A_121 : i32 to vector<16xi32>
      %swap3A_123 = arith.constant 96 : index
      %swap3A_124 = tpu.vector_load %arg10[%swap3A_123] {strides = array<i32>} : memref<512xi32, #tpu.memory_space<vmem>>, vector<16xi32>,
      %swap3A_125 = vector.shape_cast %swap3A_124 : vector<16xi32> to vector<16xi32>
      %swap3A_126 = vector.shape_cast %broadcast_in_dim3A_122 : vector<16xi32> to vector<16xi32>
      tpu.vector_store %arg10[%swap3A_123], %swap3A_126 {strides = array<i32>} : memref<512xi32, #tpu.memory_space<vmem>>, vector<16xi32>,
      %broadcast_in_dim3A_127 = arith.constant 1 : i32
      %broadcast_in_dim3A_128 = vector.broadcast %broadcast_in_dim3A_127 : i32 to vector<16xi32>
      %swap3A_129 = arith.constant 112 : index
      %swap3A_130 = tpu.vector_load %arg9[%swap3A_129] {strides = array<i32>} : memref<512xi32, #tpu.memory_space<vmem>>, vector<16xi32>,
      %swap3A_131 = vector.shape_cast %swap3A_130 : vector<16xi32> to vector<16xi32>
      %swap3A_132 = vector.shape_cast %broadcast_in_dim3A_128 : vector<16xi32> to vector<16xi32>
      tpu.vector_store %arg9[%swap3A_129], %swap3A_132 {strides = array<i32>} : memref<512xi32, #tpu.memory_space<vmem>>, vector<16xi32>,
      %broadcast_in_dim3A_133 = arith.constant 0 : i32
      %broadcast_in_dim3A_134 = vector.broadcast %broadcast_in_dim3A_133 : i32 to vector<16xi32>
      %swap3A_135 = arith.constant 112 : index
      %swap3A_136 = tpu.vector_load %arg10[%swap3A_135] {strides = array<i32>} : memref<512xi32, #tpu.memory_space<vmem>>, vector<16xi32>,
      %swap3A_137 = vector.shape_cast %swap3A_136 : vector<16xi32> to vector<16xi32>
      %swap3A_138 = vector.shape_cast %broadcast_in_dim3A_134 : vector<16xi32> to vector<16xi32>
      tpu.vector_store %arg10[%swap3A_135], %swap3A_138 {strides = array<i32>} : memref<512xi32, #tpu.memory_space<vmem>>, vector<16xi32>,
      %broadcast_in_dim3A_139 = arith.constant 1 : i32
      %broadcast_in_dim3A_140 = vector.broadcast %broadcast_in_dim3A_139 : i32 to vector<16xi32>
      %swap3A_141 = arith.constant 128 : index
      %swap3A_142 = tpu.vector_load %arg9[%swap3A_141] {strides = array<i32>} : memref<512xi32, #tpu.memory_space<vmem>>, vector<16xi32>,
      %swap3A_143 = vector.shape_cast %swap3A_142 : vector<16xi32> to vector<16xi32>
      %swap3A_144 = vector.shape_cast %broadcast_in_dim3A_140 : vector<16xi32> to vector<16xi32>
      tpu.vector_store %arg9[%swap3A_141], %swap3A_144 {strides = array<i32>} : memref<512xi32, #tpu.memory_space<vmem>>, vector<16xi32>,
      %broadcast_in_dim3A_145 = arith.constant 0 : i32
      %broadcast_in_dim3A_146 = vector.broadcast %broadcast_in_dim3A_145 : i32 to vector<16xi32>
      %swap3A_147 = arith.constant 128 : index
      %swap3A_148 = tpu.vector_load %arg10[%swap3A_147] {strides = array<i32>} : memref<512xi32, #tpu.memory_space<vmem>>, vector<16xi32>,
      %swap3A_149 = vector.shape_cast %swap3A_148 : vector<16xi32> to vector<16xi32>
      %swap3A_150 = vector.shape_cast %broadcast_in_dim3A_146 : vector<16xi32> to vector<16xi32>
      tpu.vector_store %arg10[%swap3A_147], %swap3A_150 {strides = array<i32>} : memref<512xi32, #tpu.memory_space<vmem>>, vector<16xi32>,
      %broadcast_in_dim3A_151 = arith.constant 1 : i32
      %broadcast_in_dim3A_152 = vector.broadcast %broadcast_in_dim3A_151 : i32 to vector<16xi32>
      %swap3A_153 = arith.constant 144 : index
      %swap3A_154 = tpu.vector_load %arg9[%swap3A_153] {strides = array<i32>} : memref<512xi32, #tpu.memory_space<vmem>>, vector<16xi32>,
      %swap3A_155 = vector.shape_cast %swap3A_154 : vector<16xi32> to vector<16xi32>
      %swap3A_156 = vector.shape_cast %broadcast_in_dim3A_152 : vector<16xi32> to vector<16xi32>
      tpu.vector_store %arg9[%swap3A_153], %swap3A_156 {strides = array<i32>} : memref<512xi32, #tpu.memory_space<vmem>>, vector<16xi32>,
      %broadcast_in_dim3A_157 = arith.constant 0 : i32
      %broadcast_in_dim3A_158 = vector.broadcast %broadcast_in_dim3A_157 : i32 to vector<16xi32>
      %swap3A_159 = arith.constant 144 : index
      %swap3A_160 = tpu.vector_load %arg10[%swap3A_159] {strides = array<i32>} : memref<512xi32, #tpu.memory_space<vmem>>, vector<16xi32>,
      %swap3A_161 = vector.shape_cast %swap3A_160 : vector<16xi32> to vector<16xi32>
      %swap3A_162 = vector.shape_cast %broadcast_in_dim3A_158 : vector<16xi32> to vector<16xi32>
      tpu.vector_store %arg10[%swap3A_159], %swap3A_162 {strides = array<i32>} : memref<512xi32, #tpu.memory_space<vmem>>, vector<16xi32>,
      %broadcast_in_dim3A_163 = arith.constant 1 : i32
      %broadcast_in_dim3A_164 = vector.broadcast %broadcast_in_dim3A_163 : i32 to vector<16xi32>
      %swap3A_165 = arith.constant 160 : index
      %swap3A_166 = tpu.vector_load %arg9[%swap3A_165] {strides = array<i32>} : memref<512xi32, #tpu.memory_space<vmem>>, vector<16xi32>,
      %swap3A_167 = vector.shape_cast %swap3A_166 : vector<16xi32> to vector<16xi32>
      %swap3A_168 = vector.shape_cast %broadcast_in_dim3A_164 : vector<16xi32> to vector<16xi32>
      tpu.vector_store %arg9[%swap3A_165], %swap3A_168 {strides = array<i32>} : memref<512xi32, #tpu.memory_space<vmem>>, vector<16xi32>,
      %broadcast_in_dim3A_169 = arith.constant 0 : i32
      %broadcast_in_dim3A_170 = vector.broadcast %broadcast_in_dim3A_169 : i32 to vector<16xi32>
      %swap3A_171 = arith.constant 160 : index
      %swap3A_172 = tpu.vector_load %arg10[%swap3A_171] {strides = array<i32>} : memref<512xi32, #tpu.memory_space<vmem>>, vector<16xi32>,
      %swap3A_173 = vector.shape_cast %swap3A_172 : vector<16xi32> to vector<16xi32>
      %swap3A_174 = vector.shape_cast %broadcast_in_dim3A_170 : vector<16xi32> to vector<16xi32>
      tpu.vector_store %arg10[%swap3A_171], %swap3A_174 {strides = array<i32>} : memref<512xi32, #tpu.memory_space<vmem>>, vector<16xi32>,
      %broadcast_in_dim3A_175 = arith.constant 1 : i32
      %broadcast_in_dim3A_176 = vector.broadcast %broadcast_in_dim3A_175 : i32 to vector<16xi32>
      %swap3A_177 = arith.constant 176 : index
      %swap3A_178 = tpu.vector_load %arg9[%swap3A_177] {strides = array<i32>} : memref<512xi32, #tpu.memory_space<vmem>>, vector<16xi32>,
      %swap3A_179 = vector.shape_cast %swap3A_178 : vector<16xi32> to vector<16xi32>
      %swap3A_180 = vector.shape_cast %broadcast_in_dim3A_176 : vector<16xi32> to vector<16xi32>
      tpu.vector_store %arg9[%swap3A_177], %swap3A_180 {strides = array<i32>} : memref<512xi32, #tpu.memory_space<vmem>>, vector<16xi32>,
      %broadcast_in_dim3A_181 = arith.constant 0 : i32
      %broadcast_in_dim3A_182 = vector.broadcast %broadcast_in_dim3A_181 : i32 to vector<16xi32>
      %swap3A_183 = arith.constant 176 : index
      %swap3A_184 = tpu.vector_load %arg10[%swap3A_183] {strides = array<i32>} : memref<512xi32, #tpu.memory_space<vmem>>, vector<16xi32>,
      %swap3A_185 = vector.shape_cast %swap3A_184 : vector<16xi32> to vector<16xi32>
      %swap3A_186 = vector.shape_cast %broadcast_in_dim3A_182 : vector<16xi32> to vector<16xi32>
      tpu.vector_store %arg10[%swap3A_183], %swap3A_186 {strides = array<i32>} : memref<512xi32, #tpu.memory_space<vmem>>, vector<16xi32>,
      %broadcast_in_dim3A_187 = arith.constant 1 : i32
      %broadcast_in_dim3A_188 = vector.broadcast %broadcast_in_dim3A_187 : i32 to vector<16xi32>
      %swap3A_189 = arith.constant 192 : index
      %swap3A_190 = tpu.vector_load %arg9[%swap3A_189] {strides = array<i32>} : memref<512xi32, #tpu.memory_space<vmem>>, vector<16xi32>,
      %swap3A_191 = vector.shape_cast %swap3A_190 : vector<16xi32> to vector<16xi32>
      %swap3A_192 = vector.shape_cast %broadcast_in_dim3A_188 : vector<16xi32> to vector<16xi32>
      tpu.vector_store %arg9[%swap3A_189], %swap3A_192 {strides = array<i32>} : memref<512xi32, #tpu.memory_space<vmem>>, vector<16xi32>,
      %broadcast_in_dim3A_193 = arith.constant 0 : i32
      %broadcast_in_dim3A_194 = vector.broadcast %broadcast_in_dim3A_193 : i32 to vector<16xi32>
      %swap3A_195 = arith.constant 192 : index
      %swap3A_196 = tpu.vector_load %arg10[%swap3A_195] {strides = array<i32>} : memref<512xi32, #tpu.memory_space<vmem>>, vector<16xi32>,
      %swap3A_197 = vector.shape_cast %swap3A_196 : vector<16xi32> to vector<16xi32>
      %swap3A_198 = vector.shape_cast %broadcast_in_dim3A_194 : vector<16xi32> to vector<16xi32>
      tpu.vector_store %arg10[%swap3A_195], %swap3A_198 {strides = array<i32>} : memref<512xi32, #tpu.memory_space<vmem>>, vector<16xi32>,
      %broadcast_in_dim3A_199 = arith.constant 1 : i32
      %broadcast_in_dim3A_200 = vector.broadcast %broadcast_in_dim3A_199 : i32 to vector<16xi32>
      %swap3A_201 = arith.constant 208 : index
      %swap3A_202 = tpu.vector_load %arg9[%swap3A_201] {strides = array<i32>} : memref<512xi32, #tpu.memory_space<vmem>>, vector<16xi32>,
      %swap3A_203 = vector.shape_cast %swap3A_202 : vector<16xi32> to vector<16xi32>
      %swap3A_204 = vector.shape_cast %broadcast_in_dim3A_200 : vector<16xi32> to vector<16xi32>
      tpu.vector_store %arg9[%swap3A_201], %swap3A_204 {strides = array<i32>} : memref<512xi32, #tpu.memory_space<vmem>>, vector<16xi32>,
      %broadcast_in_dim3A_205 = arith.constant 0 : i32
      %broadcast_in_dim3A_206 = vector.broadcast %broadcast_in_dim3A_205 : i32 to vector<16xi32>
      %swap3A_207 = arith.constant 208 : index
      %swap3A_208 = tpu.vector_load %arg10[%swap3A_207] {strides = array<i32>} : memref<512xi32, #tpu.memory_space<vmem>>, vector<16xi32>,
      %swap3A_209 = vector.shape_cast %swap3A_208 : vector<16xi32> to vector<16xi32>
      %swap3A_210 = vector.shape_cast %broadcast_in_dim3A_206 : vector<16xi32> to vector<16xi32>
      tpu.vector_store %arg10[%swap3A_207], %swap3A_210 {strides = array<i32>} : memref<512xi32, #tpu.memory_space<vmem>>, vector<16xi32>,
      %broadcast_in_dim3A_211 = arith.constant 1 : i32
      %broadcast_in_dim3A_212 = vector.broadcast %broadcast_in_dim3A_211 : i32 to vector<16xi32>
      %swap3A_213 = arith.constant 224 : index
      %swap3A_214 = tpu.vector_load %arg9[%swap3A_213] {strides = array<i32>} : memref<512xi32, #tpu.memory_space<vmem>>, vector<16xi32>,
      %swap3A_215 = vector.shape_cast %swap3A_214 : vector<16xi32> to vector<16xi32>
      %swap3A_216 = vector.shape_cast %broadcast_in_dim3A_212 : vector<16xi32> to vector<16xi32>
      tpu.vector_store %arg9[%swap3A_213], %swap3A_216 {strides = array<i32>} : memref<512xi32, #tpu.memory_space<vmem>>, vector<16xi32>,
      %broadcast_in_dim3A_217 = arith.constant 0 : i32
      %broadcast_in_dim3A_218 = vector.broadcast %broadcast_in_dim3A_217 : i32 to vector<16xi32>
      %swap3A_219 = arith.constant 224 : index
      %swap3A_220 = tpu.vector_load %arg10[%swap3A_219] {strides = array<i32>} : memref<512xi32, #tpu.memory_space<vmem>>, vector<16xi32>,
      %swap3A_221 = vector.shape_cast %swap3A_220 : vector<16xi32> to vector<16xi32>
      %swap3A_222 = vector.shape_cast %broadcast_in_dim3A_218 : vector<16xi32> to vector<16xi32>
      tpu.vector_store %arg10[%swap3A_219], %swap3A_222 {strides = array<i32>} : memref<512xi32, #tpu.memory_space<vmem>>, vector<16xi32>,
      %broadcast_in_dim3A_223 = arith.constant 1 : i32
      %broadcast_in_dim3A_224 = vector.broadcast %broadcast_in_dim3A_223 : i32 to vector<16xi32>
      %swap3A_225 = arith.constant 240 : index
      %swap3A_226 = tpu.vector_load %arg9[%swap3A_225] {strides = array<i32>} : memref<512xi32, #tpu.memory_space<vmem>>, vector<16xi32>,
      %swap3A_227 = vector.shape_cast %swap3A_226 : vector<16xi32> to vector<16xi32>
      %swap3A_228 = vector.shape_cast %broadcast_in_dim3A_224 : vector<16xi32> to vector<16xi32>
      tpu.vector_store %arg9[%swap3A_225], %swap3A_228 {strides = array<i32>} : memref<512xi32, #tpu.memory_space<vmem>>, vector<16xi32>,
      %broadcast_in_dim3A_229 = arith.constant 0 : i32
      %broadcast_in_dim3A_230 = vector.broadcast %broadcast_in_dim3A_229 : i32 to vector<16xi32>
      %swap3A_231 = arith.constant 240 : index
      %swap3A_232 = tpu.vector_load %arg10[%swap3A_231] {strides = array<i32>} : memref<512xi32, #tpu.memory_space<vmem>>, vector<16xi32>,
      %swap3A_233 = vector.shape_cast %swap3A_232 : vector<16xi32> to vector<16xi32>
      %swap3A_234 = vector.shape_cast %broadcast_in_dim3A_230 : vector<16xi32> to vector<16xi32>
      tpu.vector_store %arg10[%swap3A_231], %swap3A_234 {strides = array<i32>} : memref<512xi32, #tpu.memory_space<vmem>>, vector<16xi32>,
      %broadcast_in_dim3A_235 = arith.constant 1 : i32
      %broadcast_in_dim3A_236 = vector.broadcast %broadcast_in_dim3A_235 : i32 to vector<16xi32>
      %swap3A_237 = arith.constant 256 : index
      %swap3A_238 = tpu.vector_load %arg9[%swap3A_237] {strides = array<i32>} : memref<512xi32, #tpu.memory_space<vmem>>, vector<16xi32>,
      %swap3A_239 = vector.shape_cast %swap3A_238 : vector<16xi32> to vector<16xi32>
      %swap3A_240 = vector.shape_cast %broadcast_in_dim3A_236 : vector<16xi32> to vector<16xi32>
      tpu.vector_store %arg9[%swap3A_237], %swap3A_240 {strides = array<i32>} : memref<512xi32, #tpu.memory_space<vmem>>, vector<16xi32>,
      %broadcast_in_dim3A_241 = arith.constant 0 : i32
      %broadcast_in_dim3A_242 = vector.broadcast %broadcast_in_dim3A_241 : i32 to vector<16xi32>
      %swap3A_243 = arith.constant 256 : index
      %swap3A_244 = tpu.vector_load %arg10[%swap3A_243] {strides = array<i32>} : memref<512xi32, #tpu.memory_space<vmem>>, vector<16xi32>,
      %swap3A_245 = vector.shape_cast %swap3A_244 : vector<16xi32> to vector<16xi32>
      %swap3A_246 = vector.shape_cast %broadcast_in_dim3A_242 : vector<16xi32> to vector<16xi32>
      tpu.vector_store %arg10[%swap3A_243], %swap3A_246 {strides = array<i32>} : memref<512xi32, #tpu.memory_space<vmem>>, vector<16xi32>,
      %broadcast_in_dim3A_247 = arith.constant 1 : i32
      %broadcast_in_dim3A_248 = vector.broadcast %broadcast_in_dim3A_247 : i32 to vector<16xi32>
      %swap3A_249 = arith.constant 272 : index
      %swap3A_250 = tpu.vector_load %arg9[%swap3A_249] {strides = array<i32>} : memref<512xi32, #tpu.memory_space<vmem>>, vector<16xi32>,
      %swap3A_251 = vector.shape_cast %swap3A_250 : vector<16xi32> to vector<16xi32>
      %swap3A_252 = vector.shape_cast %broadcast_in_dim3A_248 : vector<16xi32> to vector<16xi32>
      tpu.vector_store %arg9[%swap3A_249], %swap3A_252 {strides = array<i32>} : memref<512xi32, #tpu.memory_space<vmem>>, vector<16xi32>,
      %broadcast_in_dim3A_253 = arith.constant 0 : i32
      %broadcast_in_dim3A_254 = vector.broadcast %broadcast_in_dim3A_253 : i32 to vector<16xi32>
      %swap3A_255 = arith.constant 272 : index
      %swap3A_256 = tpu.vector_load %arg10[%swap3A_255] {strides = array<i32>} : memref<512xi32, #tpu.memory_space<vmem>>, vector<16xi32>,
      %swap3A_257 = vector.shape_cast %swap3A_256 : vector<16xi32> to vector<16xi32>
      %swap3A_258 = vector.shape_cast %broadcast_in_dim3A_254 : vector<16xi32> to vector<16xi32>
      tpu.vector_store %arg10[%swap3A_255], %swap3A_258 {strides = array<i32>} : memref<512xi32, #tpu.memory_space<vmem>>, vector<16xi32>,
      %broadcast_in_dim3A_259 = arith.constant 1 : i32
      %broadcast_in_dim3A_260 = vector.broadcast %broadcast_in_dim3A_259 : i32 to vector<16xi32>
      %swap3A_261 = arith.constant 288 : index
      %swap3A_262 = tpu.vector_load %arg9[%swap3A_261] {strides = array<i32>} : memref<512xi32, #tpu.memory_space<vmem>>, vector<16xi32>,
      %swap3A_263 = vector.shape_cast %swap3A_262 : vector<16xi32> to vector<16xi32>
      %swap3A_264 = vector.shape_cast %broadcast_in_dim3A_260 : vector<16xi32> to vector<16xi32>
      tpu.vector_store %arg9[%swap3A_261], %swap3A_264 {strides = array<i32>} : memref<512xi32, #tpu.memory_space<vmem>>, vector<16xi32>,
      %broadcast_in_dim3A_265 = arith.constant 0 : i32
      %broadcast_in_dim3A_266 = vector.broadcast %broadcast_in_dim3A_265 : i32 to vector<16xi32>
      %swap3A_267 = arith.constant 288 : index
      %swap3A_268 = tpu.vector_load %arg10[%swap3A_267] {strides = array<i32>} : memref<512xi32, #tpu.memory_space<vmem>>, vector<16xi32>,
      %swap3A_269 = vector.shape_cast %swap3A_268 : vector<16xi32> to vector<16xi32>
      %swap3A_270 = vector.shape_cast %broadcast_in_dim3A_266 : vector<16xi32> to vector<16xi32>
      tpu.vector_store %arg10[%swap3A_267], %swap3A_270 {strides = array<i32>} : memref<512xi32, #tpu.memory_space<vmem>>, vector<16xi32>,
      %broadcast_in_dim3A_271 = arith.constant 1 : i32
      %broadcast_in_dim3A_272 = vector.broadcast %broadcast_in_dim3A_271 : i32 to vector<16xi32>
      %swap3A_273 = arith.constant 304 : index
      %swap3A_274 = tpu.vector_load %arg9[%swap3A_273] {strides = array<i32>} : memref<512xi32, #tpu.memory_space<vmem>>, vector<16xi32>,
      %swap3A_275 = vector.shape_cast %swap3A_274 : vector<16xi32> to vector<16xi32>
      %swap3A_276 = vector.shape_cast %broadcast_in_dim3A_272 : vector<16xi32> to vector<16xi32>
      tpu.vector_store %arg9[%swap3A_273], %swap3A_276 {strides = array<i32>} : memref<512xi32, #tpu.memory_space<vmem>>, vector<16xi32>,
      %broadcast_in_dim3A_277 = arith.constant 0 : i32
      %broadcast_in_dim3A_278 = vector.broadcast %broadcast_in_dim3A_277 : i32 to vector<16xi32>
      %swap3A_279 = arith.constant 304 : index
      %swap3A_280 = tpu.vector_load %arg10[%swap3A_279] {strides = array<i32>} : memref<512xi32, #tpu.memory_space<vmem>>, vector<16xi32>,
      %swap3A_281 = vector.shape_cast %swap3A_280 : vector<16xi32> to vector<16xi32>
      %swap3A_282 = vector.shape_cast %broadcast_in_dim3A_278 : vector<16xi32> to vector<16xi32>
      tpu.vector_store %arg10[%swap3A_279], %swap3A_282 {strides = array<i32>} : memref<512xi32, #tpu.memory_space<vmem>>, vector<16xi32>,
      %broadcast_in_dim3A_283 = arith.constant 1 : i32
      %broadcast_in_dim3A_284 = vector.broadcast %broadcast_in_dim3A_283 : i32 to vector<16xi32>
      %swap3A_285 = arith.constant 320 : index
      %swap3A_286 = tpu.vector_load %arg9[%swap3A_285] {strides = array<i32>} : memref<512xi32, #tpu.memory_space<vmem>>, vector<16xi32>,
      %swap3A_287 = vector.shape_cast %swap3A_286 : vector<16xi32> to vector<16xi32>
      %swap3A_288 = vector.shape_cast %broadcast_in_dim3A_284 : vector<16xi32> to vector<16xi32>
      tpu.vector_store %arg9[%swap3A_285], %swap3A_288 {strides = array<i32>} : memref<512xi32, #tpu.memory_space<vmem>>, vector<16xi32>,
      %broadcast_in_dim3A_289 = arith.constant 0 : i32
      %broadcast_in_dim3A_290 = vector.broadcast %broadcast_in_dim3A_289 : i32 to vector<16xi32>
      %swap3A_291 = arith.constant 320 : index
      %swap3A_292 = tpu.vector_load %arg10[%swap3A_291] {strides = array<i32>} : memref<512xi32, #tpu.memory_space<vmem>>, vector<16xi32>,
      %swap3A_293 = vector.shape_cast %swap3A_292 : vector<16xi32> to vector<16xi32>
      %swap3A_294 = vector.shape_cast %broadcast_in_dim3A_290 : vector<16xi32> to vector<16xi32>
      tpu.vector_store %arg10[%swap3A_291], %swap3A_294 {strides = array<i32>} : memref<512xi32, #tpu.memory_space<vmem>>, vector<16xi32>,
      %broadcast_in_dim3A_295 = arith.constant 1 : i32
      %broadcast_in_dim3A_296 = vector.broadcast %broadcast_in_dim3A_295 : i32 to vector<16xi32>
      %swap3A_297 = arith.constant 336 : index
      %swap3A_298 = tpu.vector_load %arg9[%swap3A_297] {strides = array<i32>} : memref<512xi32, #tpu.memory_space<vmem>>, vector<16xi32>,
      %swap3A_299 = vector.shape_cast %swap3A_298 : vector<16xi32> to vector<16xi32>
      %swap3A_300 = vector.shape_cast %broadcast_in_dim3A_296 : vector<16xi32> to vector<16xi32>
      tpu.vector_store %arg9[%swap3A_297], %swap3A_300 {strides = array<i32>} : memref<512xi32, #tpu.memory_space<vmem>>, vector<16xi32>,
      %broadcast_in_dim3A_301 = arith.constant 0 : i32
      %broadcast_in_dim3A_302 = vector.broadcast %broadcast_in_dim3A_301 : i32 to vector<16xi32>
      %swap3A_303 = arith.constant 336 : index
      %swap3A_304 = tpu.vector_load %arg10[%swap3A_303] {strides = array<i32>} : memref<512xi32, #tpu.memory_space<vmem>>, vector<16xi32>,
      %swap3A_305 = vector.shape_cast %swap3A_304 : vector<16xi32> to vector<16xi32>
      %swap3A_306 = vector.shape_cast %broadcast_in_dim3A_302 : vector<16xi32> to vector<16xi32>
      tpu.vector_store %arg10[%swap3A_303], %swap3A_306 {strides = array<i32>} : memref<512xi32, #tpu.memory_space<vmem>>, vector<16xi32>,
      %broadcast_in_dim3A_307 = arith.constant 1 : i32
      %broadcast_in_dim3A_308 = vector.broadcast %broadcast_in_dim3A_307 : i32 to vector<16xi32>
      %swap3A_309 = arith.constant 352 : index
      %swap3A_310 = tpu.vector_load %arg9[%swap3A_309] {strides = array<i32>} : memref<512xi32, #tpu.memory_space<vmem>>, vector<16xi32>,
      %swap3A_311 = vector.shape_cast %swap3A_310 : vector<16xi32> to vector<16xi32>
      %swap3A_312 = vector.shape_cast %broadcast_in_dim3A_308 : vector<16xi32> to vector<16xi32>
      tpu.vector_store %arg9[%swap3A_309], %swap3A_312 {strides = array<i32>} : memref<512xi32, #tpu.memory_space<vmem>>, vector<16xi32>,
      %broadcast_in_dim3A_313 = arith.constant 0 : i32
      %broadcast_in_dim3A_314 = vector.broadcast %broadcast_in_dim3A_313 : i32 to vector<16xi32>
      %swap3A_315 = arith.constant 352 : index
      %swap3A_316 = tpu.vector_load %arg10[%swap3A_315] {strides = array<i32>} : memref<512xi32, #tpu.memory_space<vmem>>, vector<16xi32>,
      %swap3A_317 = vector.shape_cast %swap3A_316 : vector<16xi32> to vector<16xi32>
      %swap3A_318 = vector.shape_cast %broadcast_in_dim3A_314 : vector<16xi32> to vector<16xi32>
      tpu.vector_store %arg10[%swap3A_315], %swap3A_318 {strides = array<i32>} : memref<512xi32, #tpu.memory_space<vmem>>, vector<16xi32>,
      %broadcast_in_dim3A_319 = arith.constant 1 : i32
      %broadcast_in_dim3A_320 = vector.broadcast %broadcast_in_dim3A_319 : i32 to vector<16xi32>
      %swap3A_321 = arith.constant 368 : index
      %swap3A_322 = tpu.vector_load %arg9[%swap3A_321] {strides = array<i32>} : memref<512xi32, #tpu.memory_space<vmem>>, vector<16xi32>,
      %swap3A_323 = vector.shape_cast %swap3A_322 : vector<16xi32> to vector<16xi32>
      %swap3A_324 = vector.shape_cast %broadcast_in_dim3A_320 : vector<16xi32> to vector<16xi32>
      tpu.vector_store %arg9[%swap3A_321], %swap3A_324 {strides = array<i32>} : memref<512xi32, #tpu.memory_space<vmem>>, vector<16xi32>,
      %broadcast_in_dim3A_325 = arith.constant 0 : i32
      %broadcast_in_dim3A_326 = vector.broadcast %broadcast_in_dim3A_325 : i32 to vector<16xi32>
      %swap3A_327 = arith.constant 368 : index
      %swap3A_328 = tpu.vector_load %arg10[%swap3A_327] {strides = array<i32>} : memref<512xi32, #tpu.memory_space<vmem>>, vector<16xi32>,
      %swap3A_329 = vector.shape_cast %swap3A_328 : vector<16xi32> to vector<16xi32>
      %swap3A_330 = vector.shape_cast %broadcast_in_dim3A_326 : vector<16xi32> to vector<16xi32>
      tpu.vector_store %arg10[%swap3A_327], %swap3A_330 {strides = array<i32>} : memref<512xi32, #tpu.memory_space<vmem>>, vector<16xi32>,
      %broadcast_in_dim3A_331 = arith.constant 1 : i32
      %broadcast_in_dim3A_332 = vector.broadcast %broadcast_in_dim3A_331 : i32 to vector<16xi32>
      %swap3A_333 = arith.constant 384 : index
      %swap3A_334 = tpu.vector_load %arg9[%swap3A_333] {strides = array<i32>} : memref<512xi32, #tpu.memory_space<vmem>>, vector<16xi32>,
      %swap3A_335 = vector.shape_cast %swap3A_334 : vector<16xi32> to vector<16xi32>
      %swap3A_336 = vector.shape_cast %broadcast_in_dim3A_332 : vector<16xi32> to vector<16xi32>
      tpu.vector_store %arg9[%swap3A_333], %swap3A_336 {strides = array<i32>} : memref<512xi32, #tpu.memory_space<vmem>>, vector<16xi32>,
      %broadcast_in_dim3A_337 = arith.constant 0 : i32
      %broadcast_in_dim3A_338 = vector.broadcast %broadcast_in_dim3A_337 : i32 to vector<16xi32>
      %swap3A_339 = arith.constant 384 : index
      %swap3A_340 = tpu.vector_load %arg10[%swap3A_339] {strides = array<i32>} : memref<512xi32, #tpu.memory_space<vmem>>, vector<16xi32>,
      %swap3A_341 = vector.shape_cast %swap3A_340 : vector<16xi32> to vector<16xi32>
      %swap3A_342 = vector.shape_cast %broadcast_in_dim3A_338 : vector<16xi32> to vector<16xi32>
      tpu.vector_store %arg10[%swap3A_339], %swap3A_342 {strides = array<i32>} : memref<512xi32, #tpu.memory_space<vmem>>, vector<16xi32>,
      %broadcast_in_dim3A_343 = arith.constant 1 : i32
      %broadcast_in_dim3A_344 = vector.broadcast %broadcast_in_dim3A_343 : i32 to vector<16xi32>
      %swap3A_345 = arith.constant 400 : index
      %swap3A_346 = tpu.vector_load %arg9[%swap3A_345] {strides = array<i32>} : memref<512xi32, #tpu.memory_space<vmem>>, vector<16xi32>,
      %swap3A_347 = vector.shape_cast %swap3A_346 : vector<16xi32> to vector<16xi32>
      %swap3A_348 = vector.shape_cast %broadcast_in_dim3A_344 : vector<16xi32> to vector<16xi32>
      tpu.vector_store %arg9[%swap3A_345], %swap3A_348 {strides = array<i32>} : memref<512xi32, #tpu.memory_space<vmem>>, vector<16xi32>,
      %broadcast_in_dim3A_349 = arith.constant 0 : i32
      %broadcast_in_dim3A_350 = vector.broadcast %broadcast_in_dim3A_349 : i32 to vector<16xi32>
      %swap3A_351 = arith.constant 400 : index
      %swap3A_352 = tpu.vector_load %arg10[%swap3A_351] {strides = array<i32>} : memref<512xi32, #tpu.memory_space<vmem>>, vector<16xi32>,
      %swap3A_353 = vector.shape_cast %swap3A_352 : vector<16xi32> to vector<16xi32>
      %swap3A_354 = vector.shape_cast %broadcast_in_dim3A_350 : vector<16xi32> to vector<16xi32>
      tpu.vector_store %arg10[%swap3A_351], %swap3A_354 {strides = array<i32>} : memref<512xi32, #tpu.memory_space<vmem>>, vector<16xi32>,
      %broadcast_in_dim3A_355 = arith.constant 1 : i32
      %broadcast_in_dim3A_356 = vector.broadcast %broadcast_in_dim3A_355 : i32 to vector<16xi32>
      %swap3A_357 = arith.constant 416 : index
      %swap3A_358 = tpu.vector_load %arg9[%swap3A_357] {strides = array<i32>} : memref<512xi32, #tpu.memory_space<vmem>>, vector<16xi32>,
      %swap3A_359 = vector.shape_cast %swap3A_358 : vector<16xi32> to vector<16xi32>
      %swap3A_360 = vector.shape_cast %broadcast_in_dim3A_356 : vector<16xi32> to vector<16xi32>
      tpu.vector_store %arg9[%swap3A_357], %swap3A_360 {strides = array<i32>} : memref<512xi32, #tpu.memory_space<vmem>>, vector<16xi32>,
      %broadcast_in_dim3A_361 = arith.constant 0 : i32
      %broadcast_in_dim3A_362 = vector.broadcast %broadcast_in_dim3A_361 : i32 to vector<16xi32>
      %swap3A_363 = arith.constant 416 : index
      %swap3A_364 = tpu.vector_load %arg10[%swap3A_363] {strides = array<i32>} : memref<512xi32, #tpu.memory_space<vmem>>, vector<16xi32>,
      %swap3A_365 = vector.shape_cast %swap3A_364 : vector<16xi32> to vector<16xi32>
      %swap3A_366 = vector.shape_cast %broadcast_in_dim3A_362 : vector<16xi32> to vector<16xi32>
      tpu.vector_store %arg10[%swap3A_363], %swap3A_366 {strides = array<i32>} : memref<512xi32, #tpu.memory_space<vmem>>, vector<16xi32>,
      %broadcast_in_dim3A_367 = arith.constant 1 : i32
      %broadcast_in_dim3A_368 = vector.broadcast %broadcast_in_dim3A_367 : i32 to vector<16xi32>
      %swap3A_369 = arith.constant 432 : index
      %swap3A_370 = tpu.vector_load %arg9[%swap3A_369] {strides = array<i32>} : memref<512xi32, #tpu.memory_space<vmem>>, vector<16xi32>,
      %swap3A_371 = vector.shape_cast %swap3A_370 : vector<16xi32> to vector<16xi32>
      %swap3A_372 = vector.shape_cast %broadcast_in_dim3A_368 : vector<16xi32> to vector<16xi32>
      tpu.vector_store %arg9[%swap3A_369], %swap3A_372 {strides = array<i32>} : memref<512xi32, #tpu.memory_space<vmem>>, vector<16xi32>,
      %broadcast_in_dim3A_373 = arith.constant 0 : i32
      %broadcast_in_dim3A_374 = vector.broadcast %broadcast_in_dim3A_373 : i32 to vector<16xi32>
      %swap3A_375 = arith.constant 432 : index
      %swap3A_376 = tpu.vector_load %arg10[%swap3A_375] {strides = array<i32>} : memref<512xi32, #tpu.memory_space<vmem>>, vector<16xi32>,
      %swap3A_377 = vector.shape_cast %swap3A_376 : vector<16xi32> to vector<16xi32>
      %swap3A_378 = vector.shape_cast %broadcast_in_dim3A_374 : vector<16xi32> to vector<16xi32>
      tpu.vector_store %arg10[%swap3A_375], %swap3A_378 {strides = array<i32>} : memref<512xi32, #tpu.memory_space<vmem>>, vector<16xi32>,
      %broadcast_in_dim3A_379 = arith.constant 1 : i32
      %broadcast_in_dim3A_380 = vector.broadcast %broadcast_in_dim3A_379 : i32 to vector<16xi32>
      %swap3A_381 = arith.constant 448 : index
      %swap3A_382 = tpu.vector_load %arg9[%swap3A_381] {strides = array<i32>} : memref<512xi32, #tpu.memory_space<vmem>>, vector<16xi32>,
      %swap3A_383 = vector.shape_cast %swap3A_382 : vector<16xi32> to vector<16xi32>
      %swap3A_384 = vector.shape_cast %broadcast_in_dim3A_380 : vector<16xi32> to vector<16xi32>
      tpu.vector_store %arg9[%swap3A_381], %swap3A_384 {strides = array<i32>} : memref<512xi32, #tpu.memory_space<vmem>>, vector<16xi32>,
      %broadcast_in_dim3A_385 = arith.constant 0 : i32
      %broadcast_in_dim3A_386 = vector.broadcast %broadcast_in_dim3A_385 : i32 to vector<16xi32>
      %swap3A_387 = arith.constant 448 : index
      %swap3A_388 = tpu.vector_load %arg10[%swap3A_387] {strides = array<i32>} : memref<512xi32, #tpu.memory_space<vmem>>, vector<16xi32>,
      %swap3A_389 = vector.shape_cast %swap3A_388 : vector<16xi32> to vector<16xi32>
      %swap3A_390 = vector.shape_cast %broadcast_in_dim3A_386 : vector<16xi32> to vector<16xi32>
      tpu.vector_store %arg10[%swap3A_387], %swap3A_390 {strides = array<i32>} : memref<512xi32, #tpu.memory_space<vmem>>, vector<16xi32>,
      %broadcast_in_dim3A_391 = arith.constant 1 : i32
      %broadcast_in_dim3A_392 = vector.broadcast %broadcast_in_dim3A_391 : i32 to vector<16xi32>
      %swap3A_393 = arith.constant 464 : index
      %swap3A_394 = tpu.vector_load %arg9[%swap3A_393] {strides = array<i32>} : memref<512xi32, #tpu.memory_space<vmem>>, vector<16xi32>,
      %swap3A_395 = vector.shape_cast %swap3A_394 : vector<16xi32> to vector<16xi32>
      %swap3A_396 = vector.shape_cast %broadcast_in_dim3A_392 : vector<16xi32> to vector<16xi32>
      tpu.vector_store %arg9[%swap3A_393], %swap3A_396 {strides = array<i32>} : memref<512xi32, #tpu.memory_space<vmem>>, vector<16xi32>,
      %broadcast_in_dim3A_397 = arith.constant 0 : i32
      %broadcast_in_dim3A_398 = vector.broadcast %broadcast_in_dim3A_397 : i32 to vector<16xi32>
      %swap3A_399 = arith.constant 464 : index
      %swap3A_400 = tpu.vector_load %arg10[%swap3A_399] {strides = array<i32>} : memref<512xi32, #tpu.memory_space<vmem>>, vector<16xi32>,
      %swap3A_401 = vector.shape_cast %swap3A_400 : vector<16xi32> to vector<16xi32>
      %swap3A_402 = vector.shape_cast %broadcast_in_dim3A_398 : vector<16xi32> to vector<16xi32>
      tpu.vector_store %arg10[%swap3A_399], %swap3A_402 {strides = array<i32>} : memref<512xi32, #tpu.memory_space<vmem>>, vector<16xi32>,
      %broadcast_in_dim3A_403 = arith.constant 1 : i32
      %broadcast_in_dim3A_404 = vector.broadcast %broadcast_in_dim3A_403 : i32 to vector<16xi32>
      %swap3A_405 = arith.constant 480 : index
      %swap3A_406 = tpu.vector_load %arg9[%swap3A_405] {strides = array<i32>} : memref<512xi32, #tpu.memory_space<vmem>>, vector<16xi32>,
      %swap3A_407 = vector.shape_cast %swap3A_406 : vector<16xi32> to vector<16xi32>
      %swap3A_408 = vector.shape_cast %broadcast_in_dim3A_404 : vector<16xi32> to vector<16xi32>
      tpu.vector_store %arg9[%swap3A_405], %swap3A_408 {strides = array<i32>} : memref<512xi32, #tpu.memory_space<vmem>>, vector<16xi32>,
      %broadcast_in_dim3A_409 = arith.constant 0 : i32
      %broadcast_in_dim3A_410 = vector.broadcast %broadcast_in_dim3A_409 : i32 to vector<16xi32>
      %swap3A_411 = arith.constant 480 : index
      %swap3A_412 = tpu.vector_load %arg10[%swap3A_411] {strides = array<i32>} : memref<512xi32, #tpu.memory_space<vmem>>, vector<16xi32>,
      %swap3A_413 = vector.shape_cast %swap3A_412 : vector<16xi32> to vector<16xi32>
      %swap3A_414 = vector.shape_cast %broadcast_in_dim3A_410 : vector<16xi32> to vector<16xi32>
      tpu.vector_store %arg10[%swap3A_411], %swap3A_414 {strides = array<i32>} : memref<512xi32, #tpu.memory_space<vmem>>, vector<16xi32>,
      %broadcast_in_dim3A_415 = arith.constant 1 : i32
      %broadcast_in_dim3A_416 = vector.broadcast %broadcast_in_dim3A_415 : i32 to vector<16xi32>
      %swap3A_417 = arith.constant 496 : index
      %swap3A_418 = tpu.vector_load %arg9[%swap3A_417] {strides = array<i32>} : memref<512xi32, #tpu.memory_space<vmem>>, vector<16xi32>,
      %swap3A_419 = vector.shape_cast %swap3A_418 : vector<16xi32> to vector<16xi32>
      %swap3A_420 = vector.shape_cast %broadcast_in_dim3A_416 : vector<16xi32> to vector<16xi32>
      tpu.vector_store %arg9[%swap3A_417], %swap3A_420 {strides = array<i32>} : memref<512xi32, #tpu.memory_space<vmem>>, vector<16xi32>,
      %broadcast_in_dim3A_421 = arith.constant 0 : i32
      %broadcast_in_dim3A_422 = vector.broadcast %broadcast_in_dim3A_421 : i32 to vector<16xi32>
      %swap3A_423 = arith.constant 496 : index
      %swap3A_424 = tpu.vector_load %arg10[%swap3A_423] {strides = array<i32>} : memref<512xi32, #tpu.memory_space<vmem>>, vector<16xi32>,
      %swap3A_425 = vector.shape_cast %swap3A_424 : vector<16xi32> to vector<16xi32>
      %swap3A_426 = vector.shape_cast %broadcast_in_dim3A_422 : vector<16xi32> to vector<16xi32>
      tpu.vector_store %arg10[%swap3A_423], %swap3A_426 {strides = array<i32>} : memref<512xi32, #tpu.memory_space<vmem>>, vector<16xi32>,
      %mul3A_427 = arith.constant 512 : i32
      %mul3A_428 = arith.muli %arg1, %mul3A_427 : i32
      "tpu.region"() ({
        %run_scoped3A_665 = tpu.sem_alloc : memref<!tpu.dma_semaphore, #tpu.memory_space<semaphore_mem>>
        %dma_start3A_666 = tpu.memref_slice %arg13[%mul3A_428] : memref<8192xi32, #tpu.memory_space<vmem_shared>> -> memref<512xi32, #tpu.memory_space<vmem_shared>>
        %dma_start3A_667 = tpu.memref_slice %arg13[%mul3A_428] : memref<8192xi32, #tpu.memory_space<vmem_shared>> -> memref<512xi32, #tpu.memory_space<vmem_shared>>
        tpu.enqueue_dma source(%arg10 : memref<512xi32, #tpu.memory_space<vmem>>) target(%dma_start3A_667 : memref<512xi32, #tpu.memory_space<vmem_shared>>) target_semaphore(%run_scoped3A_665 : memref<!tpu.dma_semaphore, #tpu.memory_space<semaphore_mem>>)
        %dma_wait3A_668 = tpu.memref_slice %arg13[%mul3A_428] : memref<8192xi32, #tpu.memory_space<vmem_shared>> -> memref<512xi32, #tpu.memory_space<vmem_shared>>
        %dma_wait3A_669 = tpu.memref_slice %arg13[%mul3A_428] : memref<8192xi32, #tpu.memory_space<vmem_shared>> -> memref<512xi32, #tpu.memory_space<vmem_shared>>
        tpu.wait_dma2 semaphore(%run_scoped3A_665 : memref<!tpu.dma_semaphore, #tpu.memory_space<semaphore_mem>>) src(%arg10 : memref<512xi32, #tpu.memory_space<vmem>>) dst(%dma_wait3A_669 : memref<512xi32, #tpu.memory_space<vmem_shared>>)
        tpu.yield
      }) : () -> ()
      %barrier3A = arith.constant 0 : index
      tpu.barrier barrier_id(%barrier3A)
      %mul3A_429 = arith.constant 4 : i32
      %mul3A_430 = arith.muli %arg1, %mul3A_429 : i32
      "tpu.region"() ({
        %run_scoped3A_665 = tpu.sem_alloc : memref<!tpu.dma_semaphore, #tpu.memory_space<semaphore_mem>>
        %dma_start3A_666 = arith.constant 0 : i32
        %dma_start3A_667 = tpu.memref_slice %arg3[%mul3A_430, %dma_start3A_666] : memref<64x128xi32, #tpu.memory_space<hbm>> -> memref<4x128xi32, #tpu.memory_space<hbm>>
        %dma_start3A_668 = arith.constant 0 : i32
        %dma_start3A_669 = tpu.memref_slice %arg3[%mul3A_430, %dma_start3A_668] : memref<64x128xi32, #tpu.memory_space<hbm>> -> memref<4x128xi32, #tpu.memory_space<hbm>>
        tpu.enqueue_dma source(%dma_start3A_669 : memref<4x128xi32, #tpu.memory_space<hbm>>) target(%arg8 : memref<4x128xi32, #tpu.memory_space<vmem>>) target_semaphore(%run_scoped3A_665 : memref<!tpu.dma_semaphore, #tpu.memory_space<semaphore_mem>>)
        %dma_wait3A_670 = arith.constant 0 : i32
        %dma_wait3A_671 = tpu.memref_slice %arg3[%mul3A_430, %dma_wait3A_670] : memref<64x128xi32, #tpu.memory_space<hbm>> -> memref<4x128xi32, #tpu.memory_space<hbm>>
        %dma_wait3A_672 = arith.constant 0 : i32
        %dma_wait3A_673 = tpu.memref_slice %arg3[%mul3A_430, %dma_wait3A_672] : memref<64x128xi32, #tpu.memory_space<hbm>> -> memref<4x128xi32, #tpu.memory_space<hbm>>
        tpu.wait_dma2 semaphore(%run_scoped3A_665 : memref<!tpu.dma_semaphore, #tpu.memory_space<semaphore_mem>>) src(%dma_wait3A_673 : memref<4x128xi32, #tpu.memory_space<hbm>>) dst(%arg8 : memref<4x128xi32, #tpu.memory_space<vmem>>)
        tpu.yield
      }) : () -> ()
      %run_scoped3A = arith.constant 0 : i32
      "tpu.region"() ({
        %run_scoped3A_665 = tpu.sem_alloc : memref<!tpu.dma_semaphore, #tpu.memory_space<semaphore_mem>>
        %dma_start3A_666 = arith.constant 0 : i32
        %dma_start3A_667 = tpu.memref_slice %arg9[%dma_start3A_666] : memref<512xi32, #tpu.memory_space<vmem>> -> memref<128xi32, #tpu.memory_space<vmem>>
        %dma_start3A_668 = arith.constant 0 : i32
        %dma_start3A_669 = tpu.memref_slice %arg8[%run_scoped3A, %dma_start3A_668] : memref<4x128xi32, #tpu.memory_space<vmem>> -> memref<1x128xi32, #tpu.memory_space<vmem>>
        %dma_start3A_670 = tpu.memref_squeeze %dma_start3A_669 : memref<1x128xi32, #tpu.memory_space<vmem>> -> memref<128xi32, #tpu.memory_space<vmem>>
        %dma_start3A_671 = arith.constant 0 : i32
        %dma_start3A_672 = tpu.memref_slice %arg13[%dma_start3A_671] : memref<8192xi32, #tpu.memory_space<vmem_shared>> -> memref<8192xi32, #tpu.memory_space<vmem_shared>>
        tpu.enqueue_indirect_dma source(%dma_start3A_667 : memref<128xi32, #tpu.memory_space<vmem>>) target(%dma_start3A_672 : memref<8192xi32, #tpu.memory_space<vmem_shared>>) offsets(%dma_start3A_670 : memref<128xi32, #tpu.memory_space<vmem>>) semaphore(%run_scoped3A_665 : memref<!tpu.dma_semaphore, #tpu.memory_space<semaphore_mem>>) {add = true}
        %dma_wait3A_673 = arith.constant 0 : i32
        %dma_wait3A_674 = tpu.memref_slice %arg9[%dma_wait3A_673] : memref<512xi32, #tpu.memory_space<vmem>> -> memref<128xi32, #tpu.memory_space<vmem>>
        %dma_wait3A_675 = arith.constant 0 : i32
        %dma_wait3A_676 = tpu.memref_slice %arg8[%run_scoped3A, %dma_wait3A_675] : memref<4x128xi32, #tpu.memory_space<vmem>> -> memref<1x128xi32, #tpu.memory_space<vmem>>
        %dma_wait3A_677 = tpu.memref_squeeze %dma_wait3A_676 : memref<1x128xi32, #tpu.memory_space<vmem>> -> memref<128xi32, #tpu.memory_space<vmem>>
        %dma_wait3A_678 = arith.constant 0 : i32
        %dma_wait3A_679 = tpu.memref_slice %arg13[%dma_wait3A_678] : memref<8192xi32, #tpu.memory_space<vmem_shared>> -> memref<8192xi32, #tpu.memory_space<vmem_shared>>
        tpu.wait_indirect_dma semaphore(%run_scoped3A_665 : memref<!tpu.dma_semaphore, #tpu.memory_space<semaphore_mem>>) src(%dma_wait3A_674 : memref<128xi32, #tpu.memory_space<vmem>>) dst(%dma_wait3A_679 : memref<8192xi32, #tpu.memory_space<vmem_shared>>)
        tpu.yield
      }) : () -> ()
      %run_scoped3A_431 = arith.constant 1 : i32
      "tpu.region"() ({
        %run_scoped3A_665 = tpu.sem_alloc : memref<!tpu.dma_semaphore, #tpu.memory_space<semaphore_mem>>
        %dma_start3A_666 = arith.constant 128 : i32
        %dma_start3A_667 = tpu.memref_slice %arg9[%dma_start3A_666] : memref<512xi32, #tpu.memory_space<vmem>> -> memref<128xi32, #tpu.memory_space<vmem>>
        %dma_start3A_668 = arith.constant 0 : i32
        %dma_start3A_669 = tpu.memref_slice %arg8[%run_scoped3A_431, %dma_start3A_668] : memref<4x128xi32, #tpu.memory_space<vmem>> -> memref<1x128xi32, #tpu.memory_space<vmem>>
        %dma_start3A_670 = tpu.memref_squeeze %dma_start3A_669 : memref<1x128xi32, #tpu.memory_space<vmem>> -> memref<128xi32, #tpu.memory_space<vmem>>
        %dma_start3A_671 = arith.constant 0 : i32
        %dma_start3A_672 = tpu.memref_slice %arg13[%dma_start3A_671] : memref<8192xi32, #tpu.memory_space<vmem_shared>> -> memref<8192xi32, #tpu.memory_space<vmem_shared>>
        tpu.enqueue_indirect_dma source(%dma_start3A_667 : memref<128xi32, #tpu.memory_space<vmem>>) target(%dma_start3A_672 : memref<8192xi32, #tpu.memory_space<vmem_shared>>) offsets(%dma_start3A_670 : memref<128xi32, #tpu.memory_space<vmem>>) semaphore(%run_scoped3A_665 : memref<!tpu.dma_semaphore, #tpu.memory_space<semaphore_mem>>) {add = true}
        %dma_wait3A_673 = arith.constant 128 : i32
        %dma_wait3A_674 = tpu.memref_slice %arg9[%dma_wait3A_673] : memref<512xi32, #tpu.memory_space<vmem>> -> memref<128xi32, #tpu.memory_space<vmem>>
        %dma_wait3A_675 = arith.constant 0 : i32
        %dma_wait3A_676 = tpu.memref_slice %arg8[%run_scoped3A_431, %dma_wait3A_675] : memref<4x128xi32, #tpu.memory_space<vmem>> -> memref<1x128xi32, #tpu.memory_space<vmem>>
        %dma_wait3A_677 = tpu.memref_squeeze %dma_wait3A_676 : memref<1x128xi32, #tpu.memory_space<vmem>> -> memref<128xi32, #tpu.memory_space<vmem>>
        %dma_wait3A_678 = arith.constant 0 : i32
        %dma_wait3A_679 = tpu.memref_slice %arg13[%dma_wait3A_678] : memref<8192xi32, #tpu.memory_space<vmem_shared>> -> memref<8192xi32, #tpu.memory_space<vmem_shared>>
        tpu.wait_indirect_dma semaphore(%run_scoped3A_665 : memref<!tpu.dma_semaphore, #tpu.memory_space<semaphore_mem>>) src(%dma_wait3A_674 : memref<128xi32, #tpu.memory_space<vmem>>) dst(%dma_wait3A_679 : memref<8192xi32, #tpu.memory_space<vmem_shared>>)
        tpu.yield
      }) : () -> ()
      %run_scoped3A_432 = arith.constant 2 : i32
      "tpu.region"() ({
        %run_scoped3A_665 = tpu.sem_alloc : memref<!tpu.dma_semaphore, #tpu.memory_space<semaphore_mem>>
        %dma_start3A_666 = arith.constant 256 : i32
        %dma_start3A_667 = tpu.memref_slice %arg9[%dma_start3A_666] : memref<512xi32, #tpu.memory_space<vmem>> -> memref<128xi32, #tpu.memory_space<vmem>>
        %dma_start3A_668 = arith.constant 0 : i32
        %dma_start3A_669 = tpu.memref_slice %arg8[%run_scoped3A_432, %dma_start3A_668] : memref<4x128xi32, #tpu.memory_space<vmem>> -> memref<1x128xi32, #tpu.memory_space<vmem>>
        %dma_start3A_670 = tpu.memref_squeeze %dma_start3A_669 : memref<1x128xi32, #tpu.memory_space<vmem>> -> memref<128xi32, #tpu.memory_space<vmem>>
        %dma_start3A_671 = arith.constant 0 : i32
        %dma_start3A_672 = tpu.memref_slice %arg13[%dma_start3A_671] : memref<8192xi32, #tpu.memory_space<vmem_shared>> -> memref<8192xi32, #tpu.memory_space<vmem_shared>>
        tpu.enqueue_indirect_dma source(%dma_start3A_667 : memref<128xi32, #tpu.memory_space<vmem>>) target(%dma_start3A_672 : memref<8192xi32, #tpu.memory_space<vmem_shared>>) offsets(%dma_start3A_670 : memref<128xi32, #tpu.memory_space<vmem>>) semaphore(%run_scoped3A_665 : memref<!tpu.dma_semaphore, #tpu.memory_space<semaphore_mem>>) {add = true}
        %dma_wait3A_673 = arith.constant 256 : i32
        %dma_wait3A_674 = tpu.memref_slice %arg9[%dma_wait3A_673] : memref<512xi32, #tpu.memory_space<vmem>> -> memref<128xi32, #tpu.memory_space<vmem>>
        %dma_wait3A_675 = arith.constant 0 : i32
        %dma_wait3A_676 = tpu.memref_slice %arg8[%run_scoped3A_432, %dma_wait3A_675] : memref<4x128xi32, #tpu.memory_space<vmem>> -> memref<1x128xi32, #tpu.memory_space<vmem>>
        %dma_wait3A_677 = tpu.memref_squeeze %dma_wait3A_676 : memref<1x128xi32, #tpu.memory_space<vmem>> -> memref<128xi32, #tpu.memory_space<vmem>>
        %dma_wait3A_678 = arith.constant 0 : i32
        %dma_wait3A_679 = tpu.memref_slice %arg13[%dma_wait3A_678] : memref<8192xi32, #tpu.memory_space<vmem_shared>> -> memref<8192xi32, #tpu.memory_space<vmem_shared>>
        tpu.wait_indirect_dma semaphore(%run_scoped3A_665 : memref<!tpu.dma_semaphore, #tpu.memory_space<semaphore_mem>>) src(%dma_wait3A_674 : memref<128xi32, #tpu.memory_space<vmem>>) dst(%dma_wait3A_679 : memref<8192xi32, #tpu.memory_space<vmem_shared>>)
        tpu.yield
      }) : () -> ()
      %run_scoped3A_433 = arith.constant 3 : i32
      "tpu.region"() ({
        %run_scoped3A_665 = tpu.sem_alloc : memref<!tpu.dma_semaphore, #tpu.memory_space<semaphore_mem>>
        %dma_start3A_666 = arith.constant 384 : i32
        %dma_start3A_667 = tpu.memref_slice %arg9[%dma_start3A_666] : memref<512xi32, #tpu.memory_space<vmem>> -> memref<128xi32, #tpu.memory_space<vmem>>
        %dma_start3A_668 = arith.constant 0 : i32
        %dma_start3A_669 = tpu.memref_slice %arg8[%run_scoped3A_433, %dma_start3A_668] : memref<4x128xi32, #tpu.memory_space<vmem>> -> memref<1x128xi32, #tpu.memory_space<vmem>>
        %dma_start3A_670 = tpu.memref_squeeze %dma_start3A_669 : memref<1x128xi32, #tpu.memory_space<vmem>> -> memref<128xi32, #tpu.memory_space<vmem>>
        %dma_start3A_671 = arith.constant 0 : i32
        %dma_start3A_672 = tpu.memref_slice %arg13[%dma_start3A_671] : memref<8192xi32, #tpu.memory_space<vmem_shared>> -> memref<8192xi32, #tpu.memory_space<vmem_shared>>
        tpu.enqueue_indirect_dma source(%dma_start3A_667 : memref<128xi32, #tpu.memory_space<vmem>>) target(%dma_start3A_672 : memref<8192xi32, #tpu.memory_space<vmem_shared>>) offsets(%dma_start3A_670 : memref<128xi32, #tpu.memory_space<vmem>>) semaphore(%run_scoped3A_665 : memref<!tpu.dma_semaphore, #tpu.memory_space<semaphore_mem>>) {add = true}
        %dma_wait3A_673 = arith.constant 384 : i32
        %dma_wait3A_674 = tpu.memref_slice %arg9[%dma_wait3A_673] : memref<512xi32, #tpu.memory_space<vmem>> -> memref<128xi32, #tpu.memory_space<vmem>>
        %dma_wait3A_675 = arith.constant 0 : i32
        %dma_wait3A_676 = tpu.memref_slice %arg8[%run_scoped3A_433, %dma_wait3A_675] : memref<4x128xi32, #tpu.memory_space<vmem>> -> memref<1x128xi32, #tpu.memory_space<vmem>>
        %dma_wait3A_677 = tpu.memref_squeeze %dma_wait3A_676 : memref<1x128xi32, #tpu.memory_space<vmem>> -> memref<128xi32, #tpu.memory_space<vmem>>
        %dma_wait3A_678 = arith.constant 0 : i32
        %dma_wait3A_679 = tpu.memref_slice %arg13[%dma_wait3A_678] : memref<8192xi32, #tpu.memory_space<vmem_shared>> -> memref<8192xi32, #tpu.memory_space<vmem_shared>>
        tpu.wait_indirect_dma semaphore(%run_scoped3A_665 : memref<!tpu.dma_semaphore, #tpu.memory_space<semaphore_mem>>) src(%dma_wait3A_674 : memref<128xi32, #tpu.memory_space<vmem>>) dst(%dma_wait3A_679 : memref<8192xi32, #tpu.memory_space<vmem_shared>>)
        tpu.yield
      }) : () -> ()
      %barrier3A_434 = arith.constant 0 : index
      tpu.barrier barrier_id(%barrier3A_434)
      %mul3A_435 = arith.constant 512 : i32
      %mul3A_436 = arith.muli %arg1, %mul3A_435 : i32
      "tpu.region"() ({
        %run_scoped3A_665 = tpu.sem_alloc : memref<!tpu.dma_semaphore, #tpu.memory_space<semaphore_mem>>
        %dma_start3A_666 = tpu.memref_slice %arg13[%mul3A_436] : memref<8192xi32, #tpu.memory_space<vmem_shared>> -> memref<512xi32, #tpu.memory_space<vmem_shared>>
        %dma_start3A_667 = tpu.memref_slice %arg13[%mul3A_436] : memref<8192xi32, #tpu.memory_space<vmem_shared>> -> memref<512xi32, #tpu.memory_space<vmem_shared>>
        tpu.enqueue_dma source(%dma_start3A_667 : memref<512xi32, #tpu.memory_space<vmem_shared>>) target(%arg11 : memref<512xi32, #tpu.memory_space<vmem>>) target_semaphore(%run_scoped3A_665 : memref<!tpu.dma_semaphore, #tpu.memory_space<semaphore_mem>>)
        %dma_wait3A_668 = tpu.memref_slice %arg13[%mul3A_436] : memref<8192xi32, #tpu.memory_space<vmem_shared>> -> memref<512xi32, #tpu.memory_space<vmem_shared>>
        %dma_wait3A_669 = tpu.memref_slice %arg13[%mul3A_436] : memref<8192xi32, #tpu.memory_space<vmem_shared>> -> memref<512xi32, #tpu.memory_space<vmem_shared>>
        tpu.wait_dma2 semaphore(%run_scoped3A_665 : memref<!tpu.dma_semaphore, #tpu.memory_space<semaphore_mem>>) src(%dma_wait3A_669 : memref<512xi32, #tpu.memory_space<vmem_shared>>) dst(%arg11 : memref<512xi32, #tpu.memory_space<vmem>>)
        tpu.yield
      }) : () -> ()
      %broadcast_in_dim3A_437 = arith.constant 0 : i32
      %broadcast_in_dim3A_438 = vector.broadcast %broadcast_in_dim3A_437 : i32 to vector<16xi32>
      %get3A = arith.constant 0 : index
      %get3A_439 = tpu.vector_load %arg11[%get3A] {strides = array<i32>} : memref<512xi32, #tpu.memory_space<vmem>>, vector<16xi32>,
      %get3A_440 = vector.shape_cast %get3A_439 : vector<16xi32> to vector<16xi32>
      %broadcast_in_dim3A_441 = arith.constant 1 : i32
      %broadcast_in_dim3A_442 = vector.broadcast %broadcast_in_dim3A_441 : i32 to vector<16xi32>
      %min3A = arith.minsi %get3A_440, %broadcast_in_dim3A_442 : vector<16xi32>
      %add3A_443 = arith.addi %broadcast_in_dim3A_438, %min3A : vector<16xi32>
      %get3A_444 = arith.constant 16 : index
      %get3A_445 = tpu.vector_load %arg11[%get3A_444] {strides = array<i32>} : memref<512xi32, #tpu.memory_space<vmem>>, vector<16xi32>,
      %get3A_446 = vector.shape_cast %get3A_445 : vector<16xi32> to vector<16xi32>
      %broadcast_in_dim3A_447 = arith.constant 1 : i32
      %broadcast_in_dim3A_448 = vector.broadcast %broadcast_in_dim3A_447 : i32 to vector<16xi32>
      %min3A_449 = arith.minsi %get3A_446, %broadcast_in_dim3A_448 : vector<16xi32>
      %add3A_450 = arith.addi %add3A_443, %min3A_449 : vector<16xi32>
      %get3A_451 = arith.constant 32 : index
      %get3A_452 = tpu.vector_load %arg11[%get3A_451] {strides = array<i32>} : memref<512xi32, #tpu.memory_space<vmem>>, vector<16xi32>,
      %get3A_453 = vector.shape_cast %get3A_452 : vector<16xi32> to vector<16xi32>
      %broadcast_in_dim3A_454 = arith.constant 1 : i32
      %broadcast_in_dim3A_455 = vector.broadcast %broadcast_in_dim3A_454 : i32 to vector<16xi32>
      %min3A_456 = arith.minsi %get3A_453, %broadcast_in_dim3A_455 : vector<16xi32>
      %add3A_457 = arith.addi %add3A_450, %min3A_456 : vector<16xi32>
      %get3A_458 = arith.constant 48 : index
      %get3A_459 = tpu.vector_load %arg11[%get3A_458] {strides = array<i32>} : memref<512xi32, #tpu.memory_space<vmem>>, vector<16xi32>,
      %get3A_460 = vector.shape_cast %get3A_459 : vector<16xi32> to vector<16xi32>
      %broadcast_in_dim3A_461 = arith.constant 1 : i32
      %broadcast_in_dim3A_462 = vector.broadcast %broadcast_in_dim3A_461 : i32 to vector<16xi32>
      %min3A_463 = arith.minsi %get3A_460, %broadcast_in_dim3A_462 : vector<16xi32>
      %add3A_464 = arith.addi %add3A_457, %min3A_463 : vector<16xi32>
      %get3A_465 = arith.constant 64 : index
      %get3A_466 = tpu.vector_load %arg11[%get3A_465] {strides = array<i32>} : memref<512xi32, #tpu.memory_space<vmem>>, vector<16xi32>,
      %get3A_467 = vector.shape_cast %get3A_466 : vector<16xi32> to vector<16xi32>
      %broadcast_in_dim3A_468 = arith.constant 1 : i32
      %broadcast_in_dim3A_469 = vector.broadcast %broadcast_in_dim3A_468 : i32 to vector<16xi32>
      %min3A_470 = arith.minsi %get3A_467, %broadcast_in_dim3A_469 : vector<16xi32>
      %add3A_471 = arith.addi %add3A_464, %min3A_470 : vector<16xi32>
      %get3A_472 = arith.constant 80 : index
      %get3A_473 = tpu.vector_load %arg11[%get3A_472] {strides = array<i32>} : memref<512xi32, #tpu.memory_space<vmem>>, vector<16xi32>,
      %get3A_474 = vector.shape_cast %get3A_473 : vector<16xi32> to vector<16xi32>
      %broadcast_in_dim3A_475 = arith.constant 1 : i32
      %broadcast_in_dim3A_476 = vector.broadcast %broadcast_in_dim3A_475 : i32 to vector<16xi32>
      %min3A_477 = arith.minsi %get3A_474, %broadcast_in_dim3A_476 : vector<16xi32>
      %add3A_478 = arith.addi %add3A_471, %min3A_477 : vector<16xi32>
      %get3A_479 = arith.constant 96 : index
      %get3A_480 = tpu.vector_load %arg11[%get3A_479] {strides = array<i32>} : memref<512xi32, #tpu.memory_space<vmem>>, vector<16xi32>,
      %get3A_481 = vector.shape_cast %get3A_480 : vector<16xi32> to vector<16xi32>
      %broadcast_in_dim3A_482 = arith.constant 1 : i32
      %broadcast_in_dim3A_483 = vector.broadcast %broadcast_in_dim3A_482 : i32 to vector<16xi32>
      %min3A_484 = arith.minsi %get3A_481, %broadcast_in_dim3A_483 : vector<16xi32>
      %add3A_485 = arith.addi %add3A_478, %min3A_484 : vector<16xi32>
      %get3A_486 = arith.constant 112 : index
      %get3A_487 = tpu.vector_load %arg11[%get3A_486] {strides = array<i32>} : memref<512xi32, #tpu.memory_space<vmem>>, vector<16xi32>,
      %get3A_488 = vector.shape_cast %get3A_487 : vector<16xi32> to vector<16xi32>
      %broadcast_in_dim3A_489 = arith.constant 1 : i32
      %broadcast_in_dim3A_490 = vector.broadcast %broadcast_in_dim3A_489 : i32 to vector<16xi32>
      %min3A_491 = arith.minsi %get3A_488, %broadcast_in_dim3A_490 : vector<16xi32>
      %add3A_492 = arith.addi %add3A_485, %min3A_491 : vector<16xi32>
      %get3A_493 = arith.constant 128 : index
      %get3A_494 = tpu.vector_load %arg11[%get3A_493] {strides = array<i32>} : memref<512xi32, #tpu.memory_space<vmem>>, vector<16xi32>,
      %get3A_495 = vector.shape_cast %get3A_494 : vector<16xi32> to vector<16xi32>
      %broadcast_in_dim3A_496 = arith.constant 1 : i32
      %broadcast_in_dim3A_497 = vector.broadcast %broadcast_in_dim3A_496 : i32 to vector<16xi32>
      %min3A_498 = arith.minsi %get3A_495, %broadcast_in_dim3A_497 : vector<16xi32>
      %add3A_499 = arith.addi %add3A_492, %min3A_498 : vector<16xi32>
      %get3A_500 = arith.constant 144 : index
      %get3A_501 = tpu.vector_load %arg11[%get3A_500] {strides = array<i32>} : memref<512xi32, #tpu.memory_space<vmem>>, vector<16xi32>,
      %get3A_502 = vector.shape_cast %get3A_501 : vector<16xi32> to vector<16xi32>
      %broadcast_in_dim3A_503 = arith.constant 1 : i32
      %broadcast_in_dim3A_504 = vector.broadcast %broadcast_in_dim3A_503 : i32 to vector<16xi32>
      %min3A_505 = arith.minsi %get3A_502, %broadcast_in_dim3A_504 : vector<16xi32>
      %add3A_506 = arith.addi %add3A_499, %min3A_505 : vector<16xi32>
      %get3A_507 = arith.constant 160 : index
      %get3A_508 = tpu.vector_load %arg11[%get3A_507] {strides = array<i32>} : memref<512xi32, #tpu.memory_space<vmem>>, vector<16xi32>,
      %get3A_509 = vector.shape_cast %get3A_508 : vector<16xi32> to vector<16xi32>
      %broadcast_in_dim3A_510 = arith.constant 1 : i32
      %broadcast_in_dim3A_511 = vector.broadcast %broadcast_in_dim3A_510 : i32 to vector<16xi32>
      %min3A_512 = arith.minsi %get3A_509, %broadcast_in_dim3A_511 : vector<16xi32>
      %add3A_513 = arith.addi %add3A_506, %min3A_512 : vector<16xi32>
      %get3A_514 = arith.constant 176 : index
      %get3A_515 = tpu.vector_load %arg11[%get3A_514] {strides = array<i32>} : memref<512xi32, #tpu.memory_space<vmem>>, vector<16xi32>,
      %get3A_516 = vector.shape_cast %get3A_515 : vector<16xi32> to vector<16xi32>
      %broadcast_in_dim3A_517 = arith.constant 1 : i32
      %broadcast_in_dim3A_518 = vector.broadcast %broadcast_in_dim3A_517 : i32 to vector<16xi32>
      %min3A_519 = arith.minsi %get3A_516, %broadcast_in_dim3A_518 : vector<16xi32>
      %add3A_520 = arith.addi %add3A_513, %min3A_519 : vector<16xi32>
      %get3A_521 = arith.constant 192 : index
      %get3A_522 = tpu.vector_load %arg11[%get3A_521] {strides = array<i32>} : memref<512xi32, #tpu.memory_space<vmem>>, vector<16xi32>,
      %get3A_523 = vector.shape_cast %get3A_522 : vector<16xi32> to vector<16xi32>
      %broadcast_in_dim3A_524 = arith.constant 1 : i32
      %broadcast_in_dim3A_525 = vector.broadcast %broadcast_in_dim3A_524 : i32 to vector<16xi32>
      %min3A_526 = arith.minsi %get3A_523, %broadcast_in_dim3A_525 : vector<16xi32>
      %add3A_527 = arith.addi %add3A_520, %min3A_526 : vector<16xi32>
      %get3A_528 = arith.constant 208 : index
      %get3A_529 = tpu.vector_load %arg11[%get3A_528] {strides = array<i32>} : memref<512xi32, #tpu.memory_space<vmem>>, vector<16xi32>,
      %get3A_530 = vector.shape_cast %get3A_529 : vector<16xi32> to vector<16xi32>
      %broadcast_in_dim3A_531 = arith.constant 1 : i32
      %broadcast_in_dim3A_532 = vector.broadcast %broadcast_in_dim3A_531 : i32 to vector<16xi32>
      %min3A_533 = arith.minsi %get3A_530, %broadcast_in_dim3A_532 : vector<16xi32>
      %add3A_534 = arith.addi %add3A_527, %min3A_533 : vector<16xi32>
      %get3A_535 = arith.constant 224 : index
      %get3A_536 = tpu.vector_load %arg11[%get3A_535] {strides = array<i32>} : memref<512xi32, #tpu.memory_space<vmem>>, vector<16xi32>,
      %get3A_537 = vector.shape_cast %get3A_536 : vector<16xi32> to vector<16xi32>
      %broadcast_in_dim3A_538 = arith.constant 1 : i32
      %broadcast_in_dim3A_539 = vector.broadcast %broadcast_in_dim3A_538 : i32 to vector<16xi32>
      %min3A_540 = arith.minsi %get3A_537, %broadcast_in_dim3A_539 : vector<16xi32>
      %add3A_541 = arith.addi %add3A_534, %min3A_540 : vector<16xi32>
      %get3A_542 = arith.constant 240 : index
      %get3A_543 = tpu.vector_load %arg11[%get3A_542] {strides = array<i32>} : memref<512xi32, #tpu.memory_space<vmem>>, vector<16xi32>,
      %get3A_544 = vector.shape_cast %get3A_543 : vector<16xi32> to vector<16xi32>
      %broadcast_in_dim3A_545 = arith.constant 1 : i32
      %broadcast_in_dim3A_546 = vector.broadcast %broadcast_in_dim3A_545 : i32 to vector<16xi32>
      %min3A_547 = arith.minsi %get3A_544, %broadcast_in_dim3A_546 : vector<16xi32>
      %add3A_548 = arith.addi %add3A_541, %min3A_547 : vector<16xi32>
      %get3A_549 = arith.constant 256 : index
      %get3A_550 = tpu.vector_load %arg11[%get3A_549] {strides = array<i32>} : memref<512xi32, #tpu.memory_space<vmem>>, vector<16xi32>,
      %get3A_551 = vector.shape_cast %get3A_550 : vector<16xi32> to vector<16xi32>
      %broadcast_in_dim3A_552 = arith.constant 1 : i32
      %broadcast_in_dim3A_553 = vector.broadcast %broadcast_in_dim3A_552 : i32 to vector<16xi32>
      %min3A_554 = arith.minsi %get3A_551, %broadcast_in_dim3A_553 : vector<16xi32>
      %add3A_555 = arith.addi %add3A_548, %min3A_554 : vector<16xi32>
      %get3A_556 = arith.constant 272 : index
      %get3A_557 = tpu.vector_load %arg11[%get3A_556] {strides = array<i32>} : memref<512xi32, #tpu.memory_space<vmem>>, vector<16xi32>,
      %get3A_558 = vector.shape_cast %get3A_557 : vector<16xi32> to vector<16xi32>
      %broadcast_in_dim3A_559 = arith.constant 1 : i32
      %broadcast_in_dim3A_560 = vector.broadcast %broadcast_in_dim3A_559 : i32 to vector<16xi32>
      %min3A_561 = arith.minsi %get3A_558, %broadcast_in_dim3A_560 : vector<16xi32>
      %add3A_562 = arith.addi %add3A_555, %min3A_561 : vector<16xi32>
      %get3A_563 = arith.constant 288 : index
      %get3A_564 = tpu.vector_load %arg11[%get3A_563] {strides = array<i32>} : memref<512xi32, #tpu.memory_space<vmem>>, vector<16xi32>,
      %get3A_565 = vector.shape_cast %get3A_564 : vector<16xi32> to vector<16xi32>
      %broadcast_in_dim3A_566 = arith.constant 1 : i32
      %broadcast_in_dim3A_567 = vector.broadcast %broadcast_in_dim3A_566 : i32 to vector<16xi32>
      %min3A_568 = arith.minsi %get3A_565, %broadcast_in_dim3A_567 : vector<16xi32>
      %add3A_569 = arith.addi %add3A_562, %min3A_568 : vector<16xi32>
      %get3A_570 = arith.constant 304 : index
      %get3A_571 = tpu.vector_load %arg11[%get3A_570] {strides = array<i32>} : memref<512xi32, #tpu.memory_space<vmem>>, vector<16xi32>,
      %get3A_572 = vector.shape_cast %get3A_571 : vector<16xi32> to vector<16xi32>
      %broadcast_in_dim3A_573 = arith.constant 1 : i32
      %broadcast_in_dim3A_574 = vector.broadcast %broadcast_in_dim3A_573 : i32 to vector<16xi32>
      %min3A_575 = arith.minsi %get3A_572, %broadcast_in_dim3A_574 : vector<16xi32>
      %add3A_576 = arith.addi %add3A_569, %min3A_575 : vector<16xi32>
      %get3A_577 = arith.constant 320 : index
      %get3A_578 = tpu.vector_load %arg11[%get3A_577] {strides = array<i32>} : memref<512xi32, #tpu.memory_space<vmem>>, vector<16xi32>,
      %get3A_579 = vector.shape_cast %get3A_578 : vector<16xi32> to vector<16xi32>
      %broadcast_in_dim3A_580 = arith.constant 1 : i32
      %broadcast_in_dim3A_581 = vector.broadcast %broadcast_in_dim3A_580 : i32 to vector<16xi32>
      %min3A_582 = arith.minsi %get3A_579, %broadcast_in_dim3A_581 : vector<16xi32>
      %add3A_583 = arith.addi %add3A_576, %min3A_582 : vector<16xi32>
      %get3A_584 = arith.constant 336 : index
      %get3A_585 = tpu.vector_load %arg11[%get3A_584] {strides = array<i32>} : memref<512xi32, #tpu.memory_space<vmem>>, vector<16xi32>,
      %get3A_586 = vector.shape_cast %get3A_585 : vector<16xi32> to vector<16xi32>
      %broadcast_in_dim3A_587 = arith.constant 1 : i32
      %broadcast_in_dim3A_588 = vector.broadcast %broadcast_in_dim3A_587 : i32 to vector<16xi32>
      %min3A_589 = arith.minsi %get3A_586, %broadcast_in_dim3A_588 : vector<16xi32>
      %add3A_590 = arith.addi %add3A_583, %min3A_589 : vector<16xi32>
      %get3A_591 = arith.constant 352 : index
      %get3A_592 = tpu.vector_load %arg11[%get3A_591] {strides = array<i32>} : memref<512xi32, #tpu.memory_space<vmem>>, vector<16xi32>,
      %get3A_593 = vector.shape_cast %get3A_592 : vector<16xi32> to vector<16xi32>
      %broadcast_in_dim3A_594 = arith.constant 1 : i32
      %broadcast_in_dim3A_595 = vector.broadcast %broadcast_in_dim3A_594 : i32 to vector<16xi32>
      %min3A_596 = arith.minsi %get3A_593, %broadcast_in_dim3A_595 : vector<16xi32>
      %add3A_597 = arith.addi %add3A_590, %min3A_596 : vector<16xi32>
      %get3A_598 = arith.constant 368 : index
      %get3A_599 = tpu.vector_load %arg11[%get3A_598] {strides = array<i32>} : memref<512xi32, #tpu.memory_space<vmem>>, vector<16xi32>,
      %get3A_600 = vector.shape_cast %get3A_599 : vector<16xi32> to vector<16xi32>
      %broadcast_in_dim3A_601 = arith.constant 1 : i32
      %broadcast_in_dim3A_602 = vector.broadcast %broadcast_in_dim3A_601 : i32 to vector<16xi32>
      %min3A_603 = arith.minsi %get3A_600, %broadcast_in_dim3A_602 : vector<16xi32>
      %add3A_604 = arith.addi %add3A_597, %min3A_603 : vector<16xi32>
      %get3A_605 = arith.constant 384 : index
      %get3A_606 = tpu.vector_load %arg11[%get3A_605] {strides = array<i32>} : memref<512xi32, #tpu.memory_space<vmem>>, vector<16xi32>,
      %get3A_607 = vector.shape_cast %get3A_606 : vector<16xi32> to vector<16xi32>
      %broadcast_in_dim3A_608 = arith.constant 1 : i32
      %broadcast_in_dim3A_609 = vector.broadcast %broadcast_in_dim3A_608 : i32 to vector<16xi32>
      %min3A_610 = arith.minsi %get3A_607, %broadcast_in_dim3A_609 : vector<16xi32>
      %add3A_611 = arith.addi %add3A_604, %min3A_610 : vector<16xi32>
      %get3A_612 = arith.constant 400 : index
      %get3A_613 = tpu.vector_load %arg11[%get3A_612] {strides = array<i32>} : memref<512xi32, #tpu.memory_space<vmem>>, vector<16xi32>,
      %get3A_614 = vector.shape_cast %get3A_613 : vector<16xi32> to vector<16xi32>
      %broadcast_in_dim3A_615 = arith.constant 1 : i32
      %broadcast_in_dim3A_616 = vector.broadcast %broadcast_in_dim3A_615 : i32 to vector<16xi32>
      %min3A_617 = arith.minsi %get3A_614, %broadcast_in_dim3A_616 : vector<16xi32>
      %add3A_618 = arith.addi %add3A_611, %min3A_617 : vector<16xi32>
      %get3A_619 = arith.constant 416 : index
      %get3A_620 = tpu.vector_load %arg11[%get3A_619] {strides = array<i32>} : memref<512xi32, #tpu.memory_space<vmem>>, vector<16xi32>,
      %get3A_621 = vector.shape_cast %get3A_620 : vector<16xi32> to vector<16xi32>
      %broadcast_in_dim3A_622 = arith.constant 1 : i32
      %broadcast_in_dim3A_623 = vector.broadcast %broadcast_in_dim3A_622 : i32 to vector<16xi32>
      %min3A_624 = arith.minsi %get3A_621, %broadcast_in_dim3A_623 : vector<16xi32>
      %add3A_625 = arith.addi %add3A_618, %min3A_624 : vector<16xi32>
      %get3A_626 = arith.constant 432 : index
      %get3A_627 = tpu.vector_load %arg11[%get3A_626] {strides = array<i32>} : memref<512xi32, #tpu.memory_space<vmem>>, vector<16xi32>,
      %get3A_628 = vector.shape_cast %get3A_627 : vector<16xi32> to vector<16xi32>
      %broadcast_in_dim3A_629 = arith.constant 1 : i32
      %broadcast_in_dim3A_630 = vector.broadcast %broadcast_in_dim3A_629 : i32 to vector<16xi32>
      %min3A_631 = arith.minsi %get3A_628, %broadcast_in_dim3A_630 : vector<16xi32>
      %add3A_632 = arith.addi %add3A_625, %min3A_631 : vector<16xi32>
      %get3A_633 = arith.constant 448 : index
      %get3A_634 = tpu.vector_load %arg11[%get3A_633] {strides = array<i32>} : memref<512xi32, #tpu.memory_space<vmem>>, vector<16xi32>,
      %get3A_635 = vector.shape_cast %get3A_634 : vector<16xi32> to vector<16xi32>
      %broadcast_in_dim3A_636 = arith.constant 1 : i32
      %broadcast_in_dim3A_637 = vector.broadcast %broadcast_in_dim3A_636 : i32 to vector<16xi32>
      %min3A_638 = arith.minsi %get3A_635, %broadcast_in_dim3A_637 : vector<16xi32>
      %add3A_639 = arith.addi %add3A_632, %min3A_638 : vector<16xi32>
      %get3A_640 = arith.constant 464 : index
      %get3A_641 = tpu.vector_load %arg11[%get3A_640] {strides = array<i32>} : memref<512xi32, #tpu.memory_space<vmem>>, vector<16xi32>,
      %get3A_642 = vector.shape_cast %get3A_641 : vector<16xi32> to vector<16xi32>
      %broadcast_in_dim3A_643 = arith.constant 1 : i32
      %broadcast_in_dim3A_644 = vector.broadcast %broadcast_in_dim3A_643 : i32 to vector<16xi32>
      %min3A_645 = arith.minsi %get3A_642, %broadcast_in_dim3A_644 : vector<16xi32>
      %add3A_646 = arith.addi %add3A_639, %min3A_645 : vector<16xi32>
      %get3A_647 = arith.constant 480 : index
      %get3A_648 = tpu.vector_load %arg11[%get3A_647] {strides = array<i32>} : memref<512xi32, #tpu.memory_space<vmem>>, vector<16xi32>,
      %get3A_649 = vector.shape_cast %get3A_648 : vector<16xi32> to vector<16xi32>
      %broadcast_in_dim3A_650 = arith.constant 1 : i32
      %broadcast_in_dim3A_651 = vector.broadcast %broadcast_in_dim3A_650 : i32 to vector<16xi32>
      %min3A_652 = arith.minsi %get3A_649, %broadcast_in_dim3A_651 : vector<16xi32>
      %add3A_653 = arith.addi %add3A_646, %min3A_652 : vector<16xi32>
      %get3A_654 = arith.constant 496 : index
      %get3A_655 = tpu.vector_load %arg11[%get3A_654] {strides = array<i32>} : memref<512xi32, #tpu.memory_space<vmem>>, vector<16xi32>,
      %get3A_656 = vector.shape_cast %get3A_655 : vector<16xi32> to vector<16xi32>
      %broadcast_in_dim3A_657 = arith.constant 1 : i32
      %broadcast_in_dim3A_658 = vector.broadcast %broadcast_in_dim3A_657 : i32 to vector<16xi32>
      %min3A_659 = arith.minsi %get3A_656, %broadcast_in_dim3A_658 : vector<16xi32>
      %add3A_660 = arith.addi %add3A_653, %min3A_659 : vector<16xi32>
      %swap3A_661 = arith.constant 0 : index
      %swap3A_662 = tpu.vector_load %arg12[%swap3A_661] {strides = array<i32>} : memref<16xi32, #tpu.memory_space<vmem>>, vector<16xi32>,
      %swap3A_663 = vector.shape_cast %swap3A_662 : vector<16xi32> to vector<16xi32>
      %swap3A_664 = vector.shape_cast %add3A_660 : vector<16xi32> to vector<16xi32>
      tpu.vector_store %arg12[%swap3A_661], %swap3A_664 {strides = array<i32>} : memref<16xi32, #tpu.memory_space<vmem>>, vector<16xi32>,
      "tpu.region"() ({
        %run_scoped3A_665 = tpu.sem_alloc : memref<!tpu.dma_semaphore, #tpu.memory_space<semaphore_mem>>
        %dma_start3A_666 = arith.constant 0 : i32
        %dma_start3A_667 = tpu.memref_slice %arg5[%arg1, %dma_start3A_666] : memref<16x16xi32, #tpu.memory_space<hbm>> -> memref<1x16xi32, #tpu.memory_space<hbm>>
        %dma_start3A_668 = tpu.memref_squeeze %dma_start3A_667 : memref<1x16xi32, #tpu.memory_space<hbm>> -> memref<16xi32, #tpu.memory_space<hbm>>
        %dma_start3A_669 = arith.constant 0 : i32
        %dma_start3A_670 = tpu.memref_slice %arg5[%arg1, %dma_start3A_669] : memref<16x16xi32, #tpu.memory_space<hbm>> -> memref<1x16xi32, #tpu.memory_space<hbm>>
        %dma_start3A_671 = tpu.memref_squeeze %dma_start3A_670 : memref<1x16xi32, #tpu.memory_space<hbm>> -> memref<16xi32, #tpu.memory_space<hbm>>
        tpu.enqueue_dma source(%arg12 : memref<16xi32, #tpu.memory_space<vmem>>) target(%dma_start3A_671 : memref<16xi32, #tpu.memory_space<hbm>>) target_semaphore(%run_scoped3A_665 : memref<!tpu.dma_semaphore, #tpu.memory_space<semaphore_mem>>)
        %dma_wait3A_672 = arith.constant 0 : i32
        %dma_wait3A_673 = tpu.memref_slice %arg5[%arg1, %dma_wait3A_672] : memref<16x16xi32, #tpu.memory_space<hbm>> -> memref<1x16xi32, #tpu.memory_space<hbm>>
        %dma_wait3A_674 = tpu.memref_squeeze %dma_wait3A_673 : memref<1x16xi32, #tpu.memory_space<hbm>> -> memref<16xi32, #tpu.memory_space<hbm>>
        %dma_wait3A_675 = arith.constant 0 : i32
        %dma_wait3A_676 = tpu.memref_slice %arg5[%arg1, %dma_wait3A_675] : memref<16x16xi32, #tpu.memory_space<hbm>> -> memref<1x16xi32, #tpu.memory_space<hbm>>
        %dma_wait3A_677 = tpu.memref_squeeze %dma_wait3A_676 : memref<1x16xi32, #tpu.memory_space<hbm>> -> memref<16xi32, #tpu.memory_space<hbm>>
        tpu.wait_dma2 semaphore(%run_scoped3A_665 : memref<!tpu.dma_semaphore, #tpu.memory_space<semaphore_mem>>) src(%arg12 : memref<16xi32, #tpu.memory_space<vmem>>) dst(%dma_wait3A_677 : memref<16xi32, #tpu.memory_space<hbm>>)
        tpu.yield
      }) : () -> ()
    } else {
    }
    return
  }
}

module attributes {stable_mosaic.version = 14 : i64} {
  func.func @_argmin_body(%arg0: i32, %arg1: memref<512x256xbf16, #tpu.memory_space<vmem>>, %arg2: memref<512x1xf32, #tpu.memory_space<vmem>>, %arg3: memref<1x8192xf32, #tpu.memory_space<vmem>>, %arg4: memref<256x8192xbf16, #tpu.memory_space<vmem>>, %arg5: memref<512x1xi32, #tpu.memory_space<vmem>>, %arg6: memref<1x1xf32, #tpu.memory_space<vmem>>) attributes {dimension_semantics = [#tpu.dimension_semantics<arbitrary>], iteration_bounds = array<i64: 16>, scalar_prefetch = 0 : i64, scratch_operands = 0 : i64, tpu.core_type = #tpu.core_type<tc>, window_params = [{transform_indices = @transform_0, window_bounds = array<i64: 512, 256>}, {transform_indices = @transform_1, window_bounds = array<i64: 512, 1>}, {pipeline_mode = #tpu.pipeline_mode<synchronous>, transform_indices = @transform_2, window_bounds = array<i64: 1, 8192>}, {pipeline_mode = #tpu.pipeline_mode<synchronous>, transform_indices = @transform_3, window_bounds = array<i64: 256, 8192>}, {transform_indices = @transform_4, window_bounds = array<i64: 512, 1>}, {pipeline_mode = #tpu.pipeline_mode<synchronous>, transform_indices = @transform_5, window_bounds = array<i64: 1, 1>}]} {
    %get3A = arith.constant 0 : index
    %get3A_0 = arith.constant 0 : index
    %get3A_1 = vector.load %arg1[%get3A, %get3A_0] : memref<512x256xbf16, #tpu.memory_space<vmem>>, vector<512x256xbf16>
    %get3A_2 = arith.constant 0 : index
    %get3A_3 = arith.constant 0 : index
    %get3A_4 = vector.load %arg2[%get3A_2, %get3A_3] : memref<512x1xf32, #tpu.memory_space<vmem>>, vector<512x1xf32>
    %iota3A = tpu.iota {dimensions = array<i32: 1>} : vector<512x128xi32>
    %convert_element_type3A = arith.sitofp %iota3A : vector<512x128xi32> to vector<512x128xf32>
    %broadcast_in_dim3A = arith.constant 0x7F800000 : f32
    %broadcast_in_dim3A_5 = vector.broadcast %broadcast_in_dim3A : f32 to vector<512x128xf32>
    %broadcast_in_dim3A_6 = arith.constant 0.000000e+00 : f32
    %broadcast_in_dim3A_7 = vector.broadcast %broadcast_in_dim3A_6 : f32 to vector<512x128xf32>
    %get3A_8 = arith.constant 0 : index
    %get3A_9 = arith.constant 0 : index
    %get3A_10 = vector.load %arg4[%get3A_8, %get3A_9] : memref<256x8192xbf16, #tpu.memory_space<vmem>>, vector<256x512xbf16>
    %dot_general3A = arith.constant dense<0.000000e+00> : vector<512x512xf32>
    %dot_general3A_11 = tpu.matmul %get3A_1, %get3A_10, %dot_general3A {dimension_numbers = #tpu.dot_dimension_numbers<[1], [0], [0], [1], [0, 0, 1, 1], [], []>, transpose_lhs_hint = false} : vector<512x256xbf16>, vector<256x512xbf16>, vector<512x512xf32> -> vector<512x512xf32>
    %get3A_12 = arith.constant 0 : index
    %get3A_13 = arith.constant 0 : index
    %get3A_14 = vector.load %arg3[%get3A_12, %get3A_13] : memref<1x8192xf32, #tpu.memory_space<vmem>>, vector<1x128xf32>
    %add3A = vector.broadcast %get3A_4 : vector<512x1xf32> to vector<512x128xf32>
    %add3A_15 = vector.broadcast %get3A_14 : vector<1x128xf32> to vector<512x128xf32>
    %add3A_16 = arith.addf %add3A, %add3A_15 : vector<512x128xf32>
    %slice3A = vector.extract_strided_slice %dot_general3A_11 {offsets = [0, 0], sizes = [512, 128], strides = [1, 1]} : vector<512x512xf32> to vector<512x128xf32>
    %sub3A = arith.subf %add3A_16, %slice3A : vector<512x128xf32>
    %lt3A = arith.cmpf olt, %sub3A, %broadcast_in_dim3A_5 : vector<512x128xf32>
    %select_n3A = arith.select %lt3A, %sub3A, %broadcast_in_dim3A_5 : vector<512x128xi1>, vector<512x128xf32>
    %add3A_17 = arith.constant 0.000000e+00 : f32
    %add3A_18 = vector.broadcast %add3A_17 : f32 to vector<512x128xf32>
    %add3A_19 = arith.addf %convert_element_type3A, %add3A_18 : vector<512x128xf32>
    %select_n3A_20 = arith.select %lt3A, %add3A_19, %broadcast_in_dim3A_7 : vector<512x128xi1>, vector<512x128xf32>
    %get3A_21 = arith.constant 0 : index
    %get3A_22 = arith.constant 128 : index
    %get3A_23 = vector.load %arg3[%get3A_21, %get3A_22] : memref<1x8192xf32, #tpu.memory_space<vmem>>, vector<1x128xf32>
    %add3A_24 = vector.broadcast %get3A_4 : vector<512x1xf32> to vector<512x128xf32>
    %add3A_25 = vector.broadcast %get3A_23 : vector<1x128xf32> to vector<512x128xf32>
    %add3A_26 = arith.addf %add3A_24, %add3A_25 : vector<512x128xf32>
    %slice3A_27 = vector.extract_strided_slice %dot_general3A_11 {offsets = [0, 128], sizes = [512, 128], strides = [1, 1]} : vector<512x512xf32> to vector<512x128xf32>
    %sub3A_28 = arith.subf %add3A_26, %slice3A_27 : vector<512x128xf32>
    %lt3A_29 = arith.cmpf olt, %sub3A_28, %select_n3A : vector<512x128xf32>
    %select_n3A_30 = arith.select %lt3A_29, %sub3A_28, %select_n3A : vector<512x128xi1>, vector<512x128xf32>
    %add3A_31 = arith.constant 1.280000e+02 : f32
    %add3A_32 = vector.broadcast %add3A_31 : f32 to vector<512x128xf32>
    %add3A_33 = arith.addf %convert_element_type3A, %add3A_32 : vector<512x128xf32>
    %select_n3A_34 = arith.select %lt3A_29, %add3A_33, %select_n3A_20 : vector<512x128xi1>, vector<512x128xf32>
    %get3A_35 = arith.constant 0 : index
    %get3A_36 = arith.constant 256 : index
    %get3A_37 = vector.load %arg3[%get3A_35, %get3A_36] : memref<1x8192xf32, #tpu.memory_space<vmem>>, vector<1x128xf32>
    %add3A_38 = vector.broadcast %get3A_4 : vector<512x1xf32> to vector<512x128xf32>
    %add3A_39 = vector.broadcast %get3A_37 : vector<1x128xf32> to vector<512x128xf32>
    %add3A_40 = arith.addf %add3A_38, %add3A_39 : vector<512x128xf32>
    %slice3A_41 = vector.extract_strided_slice %dot_general3A_11 {offsets = [0, 256], sizes = [512, 128], strides = [1, 1]} : vector<512x512xf32> to vector<512x128xf32>
    %sub3A_42 = arith.subf %add3A_40, %slice3A_41 : vector<512x128xf32>
    %lt3A_43 = arith.cmpf olt, %sub3A_42, %select_n3A_30 : vector<512x128xf32>
    %select_n3A_44 = arith.select %lt3A_43, %sub3A_42, %select_n3A_30 : vector<512x128xi1>, vector<512x128xf32>
    %add3A_45 = arith.constant 2.560000e+02 : f32
    %add3A_46 = vector.broadcast %add3A_45 : f32 to vector<512x128xf32>
    %add3A_47 = arith.addf %convert_element_type3A, %add3A_46 : vector<512x128xf32>
    %select_n3A_48 = arith.select %lt3A_43, %add3A_47, %select_n3A_34 : vector<512x128xi1>, vector<512x128xf32>
    %get3A_49 = arith.constant 0 : index
    %get3A_50 = arith.constant 384 : index
    %get3A_51 = vector.load %arg3[%get3A_49, %get3A_50] : memref<1x8192xf32, #tpu.memory_space<vmem>>, vector<1x128xf32>
    %add3A_52 = vector.broadcast %get3A_4 : vector<512x1xf32> to vector<512x128xf32>
    %add3A_53 = vector.broadcast %get3A_51 : vector<1x128xf32> to vector<512x128xf32>
    %add3A_54 = arith.addf %add3A_52, %add3A_53 : vector<512x128xf32>
    %slice3A_55 = vector.extract_strided_slice %dot_general3A_11 {offsets = [0, 384], sizes = [512, 128], strides = [1, 1]} : vector<512x512xf32> to vector<512x128xf32>
    %sub3A_56 = arith.subf %add3A_54, %slice3A_55 : vector<512x128xf32>
    %lt3A_57 = arith.cmpf olt, %sub3A_56, %select_n3A_44 : vector<512x128xf32>
    %select_n3A_58 = arith.select %lt3A_57, %sub3A_56, %select_n3A_44 : vector<512x128xi1>, vector<512x128xf32>
    %add3A_59 = arith.constant 3.840000e+02 : f32
    %add3A_60 = vector.broadcast %add3A_59 : f32 to vector<512x128xf32>
    %add3A_61 = arith.addf %convert_element_type3A, %add3A_60 : vector<512x128xf32>
    %select_n3A_62 = arith.select %lt3A_57, %add3A_61, %select_n3A_48 : vector<512x128xi1>, vector<512x128xf32>
    %get3A_63 = arith.constant 0 : index
    %get3A_64 = arith.constant 512 : index
    %get3A_65 = vector.load %arg4[%get3A_63, %get3A_64] : memref<256x8192xbf16, #tpu.memory_space<vmem>>, vector<256x512xbf16>
    %dot_general3A_66 = arith.constant dense<0.000000e+00> : vector<512x512xf32>
    %dot_general3A_67 = tpu.matmul %get3A_1, %get3A_65, %dot_general3A_66 {dimension_numbers = #tpu.dot_dimension_numbers<[1], [0], [0], [1], [0, 0, 1, 1], [], []>, transpose_lhs_hint = false} : vector<512x256xbf16>, vector<256x512xbf16>, vector<512x512xf32> -> vector<512x512xf32>
    %get3A_68 = arith.constant 0 : index
    %get3A_69 = arith.constant 512 : index
    %get3A_70 = vector.load %arg3[%get3A_68, %get3A_69] : memref<1x8192xf32, #tpu.memory_space<vmem>>, vector<1x128xf32>
    %add3A_71 = vector.broadcast %get3A_4 : vector<512x1xf32> to vector<512x128xf32>
    %add3A_72 = vector.broadcast %get3A_70 : vector<1x128xf32> to vector<512x128xf32>
    %add3A_73 = arith.addf %add3A_71, %add3A_72 : vector<512x128xf32>
    %slice3A_74 = vector.extract_strided_slice %dot_general3A_67 {offsets = [0, 0], sizes = [512, 128], strides = [1, 1]} : vector<512x512xf32> to vector<512x128xf32>
    %sub3A_75 = arith.subf %add3A_73, %slice3A_74 : vector<512x128xf32>
    %lt3A_76 = arith.cmpf olt, %sub3A_75, %select_n3A_58 : vector<512x128xf32>
    %select_n3A_77 = arith.select %lt3A_76, %sub3A_75, %select_n3A_58 : vector<512x128xi1>, vector<512x128xf32>
    %add3A_78 = arith.constant 5.120000e+02 : f32
    %add3A_79 = vector.broadcast %add3A_78 : f32 to vector<512x128xf32>
    %add3A_80 = arith.addf %convert_element_type3A, %add3A_79 : vector<512x128xf32>
    %select_n3A_81 = arith.select %lt3A_76, %add3A_80, %select_n3A_62 : vector<512x128xi1>, vector<512x128xf32>
    %get3A_82 = arith.constant 0 : index
    %get3A_83 = arith.constant 640 : index
    %get3A_84 = vector.load %arg3[%get3A_82, %get3A_83] : memref<1x8192xf32, #tpu.memory_space<vmem>>, vector<1x128xf32>
    %add3A_85 = vector.broadcast %get3A_4 : vector<512x1xf32> to vector<512x128xf32>
    %add3A_86 = vector.broadcast %get3A_84 : vector<1x128xf32> to vector<512x128xf32>
    %add3A_87 = arith.addf %add3A_85, %add3A_86 : vector<512x128xf32>
    %slice3A_88 = vector.extract_strided_slice %dot_general3A_67 {offsets = [0, 128], sizes = [512, 128], strides = [1, 1]} : vector<512x512xf32> to vector<512x128xf32>
    %sub3A_89 = arith.subf %add3A_87, %slice3A_88 : vector<512x128xf32>
    %lt3A_90 = arith.cmpf olt, %sub3A_89, %select_n3A_77 : vector<512x128xf32>
    %select_n3A_91 = arith.select %lt3A_90, %sub3A_89, %select_n3A_77 : vector<512x128xi1>, vector<512x128xf32>
    %add3A_92 = arith.constant 6.400000e+02 : f32
    %add3A_93 = vector.broadcast %add3A_92 : f32 to vector<512x128xf32>
    %add3A_94 = arith.addf %convert_element_type3A, %add3A_93 : vector<512x128xf32>
    %select_n3A_95 = arith.select %lt3A_90, %add3A_94, %select_n3A_81 : vector<512x128xi1>, vector<512x128xf32>
    %get3A_96 = arith.constant 0 : index
    %get3A_97 = arith.constant 768 : index
    %get3A_98 = vector.load %arg3[%get3A_96, %get3A_97] : memref<1x8192xf32, #tpu.memory_space<vmem>>, vector<1x128xf32>
    %add3A_99 = vector.broadcast %get3A_4 : vector<512x1xf32> to vector<512x128xf32>
    %add3A_100 = vector.broadcast %get3A_98 : vector<1x128xf32> to vector<512x128xf32>
    %add3A_101 = arith.addf %add3A_99, %add3A_100 : vector<512x128xf32>
    %slice3A_102 = vector.extract_strided_slice %dot_general3A_67 {offsets = [0, 256], sizes = [512, 128], strides = [1, 1]} : vector<512x512xf32> to vector<512x128xf32>
    %sub3A_103 = arith.subf %add3A_101, %slice3A_102 : vector<512x128xf32>
    %lt3A_104 = arith.cmpf olt, %sub3A_103, %select_n3A_91 : vector<512x128xf32>
    %select_n3A_105 = arith.select %lt3A_104, %sub3A_103, %select_n3A_91 : vector<512x128xi1>, vector<512x128xf32>
    %add3A_106 = arith.constant 7.680000e+02 : f32
    %add3A_107 = vector.broadcast %add3A_106 : f32 to vector<512x128xf32>
    %add3A_108 = arith.addf %convert_element_type3A, %add3A_107 : vector<512x128xf32>
    %select_n3A_109 = arith.select %lt3A_104, %add3A_108, %select_n3A_95 : vector<512x128xi1>, vector<512x128xf32>
    %get3A_110 = arith.constant 0 : index
    %get3A_111 = arith.constant 896 : index
    %get3A_112 = vector.load %arg3[%get3A_110, %get3A_111] : memref<1x8192xf32, #tpu.memory_space<vmem>>, vector<1x128xf32>
    %add3A_113 = vector.broadcast %get3A_4 : vector<512x1xf32> to vector<512x128xf32>
    %add3A_114 = vector.broadcast %get3A_112 : vector<1x128xf32> to vector<512x128xf32>
    %add3A_115 = arith.addf %add3A_113, %add3A_114 : vector<512x128xf32>
    %slice3A_116 = vector.extract_strided_slice %dot_general3A_67 {offsets = [0, 384], sizes = [512, 128], strides = [1, 1]} : vector<512x512xf32> to vector<512x128xf32>
    %sub3A_117 = arith.subf %add3A_115, %slice3A_116 : vector<512x128xf32>
    %lt3A_118 = arith.cmpf olt, %sub3A_117, %select_n3A_105 : vector<512x128xf32>
    %select_n3A_119 = arith.select %lt3A_118, %sub3A_117, %select_n3A_105 : vector<512x128xi1>, vector<512x128xf32>
    %add3A_120 = arith.constant 8.960000e+02 : f32
    %add3A_121 = vector.broadcast %add3A_120 : f32 to vector<512x128xf32>
    %add3A_122 = arith.addf %convert_element_type3A, %add3A_121 : vector<512x128xf32>
    %select_n3A_123 = arith.select %lt3A_118, %add3A_122, %select_n3A_109 : vector<512x128xi1>, vector<512x128xf32>
    %get3A_124 = arith.constant 0 : index
    %get3A_125 = arith.constant 1024 : index
    %get3A_126 = vector.load %arg4[%get3A_124, %get3A_125] : memref<256x8192xbf16, #tpu.memory_space<vmem>>, vector<256x512xbf16>
    %dot_general3A_127 = arith.constant dense<0.000000e+00> : vector<512x512xf32>
    %dot_general3A_128 = tpu.matmul %get3A_1, %get3A_126, %dot_general3A_127 {dimension_numbers = #tpu.dot_dimension_numbers<[1], [0], [0], [1], [0, 0, 1, 1], [], []>, transpose_lhs_hint = false} : vector<512x256xbf16>, vector<256x512xbf16>, vector<512x512xf32> -> vector<512x512xf32>
    %get3A_129 = arith.constant 0 : index
    %get3A_130 = arith.constant 1024 : index
    %get3A_131 = vector.load %arg3[%get3A_129, %get3A_130] : memref<1x8192xf32, #tpu.memory_space<vmem>>, vector<1x128xf32>
    %add3A_132 = vector.broadcast %get3A_4 : vector<512x1xf32> to vector<512x128xf32>
    %add3A_133 = vector.broadcast %get3A_131 : vector<1x128xf32> to vector<512x128xf32>
    %add3A_134 = arith.addf %add3A_132, %add3A_133 : vector<512x128xf32>
    %slice3A_135 = vector.extract_strided_slice %dot_general3A_128 {offsets = [0, 0], sizes = [512, 128], strides = [1, 1]} : vector<512x512xf32> to vector<512x128xf32>
    %sub3A_136 = arith.subf %add3A_134, %slice3A_135 : vector<512x128xf32>
    %lt3A_137 = arith.cmpf olt, %sub3A_136, %select_n3A_119 : vector<512x128xf32>
    %select_n3A_138 = arith.select %lt3A_137, %sub3A_136, %select_n3A_119 : vector<512x128xi1>, vector<512x128xf32>
    %add3A_139 = arith.constant 1.024000e+03 : f32
    %add3A_140 = vector.broadcast %add3A_139 : f32 to vector<512x128xf32>
    %add3A_141 = arith.addf %convert_element_type3A, %add3A_140 : vector<512x128xf32>
    %select_n3A_142 = arith.select %lt3A_137, %add3A_141, %select_n3A_123 : vector<512x128xi1>, vector<512x128xf32>
    %get3A_143 = arith.constant 0 : index
    %get3A_144 = arith.constant 1152 : index
    %get3A_145 = vector.load %arg3[%get3A_143, %get3A_144] : memref<1x8192xf32, #tpu.memory_space<vmem>>, vector<1x128xf32>
    %add3A_146 = vector.broadcast %get3A_4 : vector<512x1xf32> to vector<512x128xf32>
    %add3A_147 = vector.broadcast %get3A_145 : vector<1x128xf32> to vector<512x128xf32>
    %add3A_148 = arith.addf %add3A_146, %add3A_147 : vector<512x128xf32>
    %slice3A_149 = vector.extract_strided_slice %dot_general3A_128 {offsets = [0, 128], sizes = [512, 128], strides = [1, 1]} : vector<512x512xf32> to vector<512x128xf32>
    %sub3A_150 = arith.subf %add3A_148, %slice3A_149 : vector<512x128xf32>
    %lt3A_151 = arith.cmpf olt, %sub3A_150, %select_n3A_138 : vector<512x128xf32>
    %select_n3A_152 = arith.select %lt3A_151, %sub3A_150, %select_n3A_138 : vector<512x128xi1>, vector<512x128xf32>
    %add3A_153 = arith.constant 1.152000e+03 : f32
    %add3A_154 = vector.broadcast %add3A_153 : f32 to vector<512x128xf32>
    %add3A_155 = arith.addf %convert_element_type3A, %add3A_154 : vector<512x128xf32>
    %select_n3A_156 = arith.select %lt3A_151, %add3A_155, %select_n3A_142 : vector<512x128xi1>, vector<512x128xf32>
    %get3A_157 = arith.constant 0 : index
    %get3A_158 = arith.constant 1280 : index
    %get3A_159 = vector.load %arg3[%get3A_157, %get3A_158] : memref<1x8192xf32, #tpu.memory_space<vmem>>, vector<1x128xf32>
    %add3A_160 = vector.broadcast %get3A_4 : vector<512x1xf32> to vector<512x128xf32>
    %add3A_161 = vector.broadcast %get3A_159 : vector<1x128xf32> to vector<512x128xf32>
    %add3A_162 = arith.addf %add3A_160, %add3A_161 : vector<512x128xf32>
    %slice3A_163 = vector.extract_strided_slice %dot_general3A_128 {offsets = [0, 256], sizes = [512, 128], strides = [1, 1]} : vector<512x512xf32> to vector<512x128xf32>
    %sub3A_164 = arith.subf %add3A_162, %slice3A_163 : vector<512x128xf32>
    %lt3A_165 = arith.cmpf olt, %sub3A_164, %select_n3A_152 : vector<512x128xf32>
    %select_n3A_166 = arith.select %lt3A_165, %sub3A_164, %select_n3A_152 : vector<512x128xi1>, vector<512x128xf32>
    %add3A_167 = arith.constant 1.280000e+03 : f32
    %add3A_168 = vector.broadcast %add3A_167 : f32 to vector<512x128xf32>
    %add3A_169 = arith.addf %convert_element_type3A, %add3A_168 : vector<512x128xf32>
    %select_n3A_170 = arith.select %lt3A_165, %add3A_169, %select_n3A_156 : vector<512x128xi1>, vector<512x128xf32>
    %get3A_171 = arith.constant 0 : index
    %get3A_172 = arith.constant 1408 : index
    %get3A_173 = vector.load %arg3[%get3A_171, %get3A_172] : memref<1x8192xf32, #tpu.memory_space<vmem>>, vector<1x128xf32>
    %add3A_174 = vector.broadcast %get3A_4 : vector<512x1xf32> to vector<512x128xf32>
    %add3A_175 = vector.broadcast %get3A_173 : vector<1x128xf32> to vector<512x128xf32>
    %add3A_176 = arith.addf %add3A_174, %add3A_175 : vector<512x128xf32>
    %slice3A_177 = vector.extract_strided_slice %dot_general3A_128 {offsets = [0, 384], sizes = [512, 128], strides = [1, 1]} : vector<512x512xf32> to vector<512x128xf32>
    %sub3A_178 = arith.subf %add3A_176, %slice3A_177 : vector<512x128xf32>
    %lt3A_179 = arith.cmpf olt, %sub3A_178, %select_n3A_166 : vector<512x128xf32>
    %select_n3A_180 = arith.select %lt3A_179, %sub3A_178, %select_n3A_166 : vector<512x128xi1>, vector<512x128xf32>
    %add3A_181 = arith.constant 1.408000e+03 : f32
    %add3A_182 = vector.broadcast %add3A_181 : f32 to vector<512x128xf32>
    %add3A_183 = arith.addf %convert_element_type3A, %add3A_182 : vector<512x128xf32>
    %select_n3A_184 = arith.select %lt3A_179, %add3A_183, %select_n3A_170 : vector<512x128xi1>, vector<512x128xf32>
    %get3A_185 = arith.constant 0 : index
    %get3A_186 = arith.constant 1536 : index
    %get3A_187 = vector.load %arg4[%get3A_185, %get3A_186] : memref<256x8192xbf16, #tpu.memory_space<vmem>>, vector<256x512xbf16>
    %dot_general3A_188 = arith.constant dense<0.000000e+00> : vector<512x512xf32>
    %dot_general3A_189 = tpu.matmul %get3A_1, %get3A_187, %dot_general3A_188 {dimension_numbers = #tpu.dot_dimension_numbers<[1], [0], [0], [1], [0, 0, 1, 1], [], []>, transpose_lhs_hint = false} : vector<512x256xbf16>, vector<256x512xbf16>, vector<512x512xf32> -> vector<512x512xf32>
    %get3A_190 = arith.constant 0 : index
    %get3A_191 = arith.constant 1536 : index
    %get3A_192 = vector.load %arg3[%get3A_190, %get3A_191] : memref<1x8192xf32, #tpu.memory_space<vmem>>, vector<1x128xf32>
    %add3A_193 = vector.broadcast %get3A_4 : vector<512x1xf32> to vector<512x128xf32>
    %add3A_194 = vector.broadcast %get3A_192 : vector<1x128xf32> to vector<512x128xf32>
    %add3A_195 = arith.addf %add3A_193, %add3A_194 : vector<512x128xf32>
    %slice3A_196 = vector.extract_strided_slice %dot_general3A_189 {offsets = [0, 0], sizes = [512, 128], strides = [1, 1]} : vector<512x512xf32> to vector<512x128xf32>
    %sub3A_197 = arith.subf %add3A_195, %slice3A_196 : vector<512x128xf32>
    %lt3A_198 = arith.cmpf olt, %sub3A_197, %select_n3A_180 : vector<512x128xf32>
    %select_n3A_199 = arith.select %lt3A_198, %sub3A_197, %select_n3A_180 : vector<512x128xi1>, vector<512x128xf32>
    %add3A_200 = arith.constant 1.536000e+03 : f32
    %add3A_201 = vector.broadcast %add3A_200 : f32 to vector<512x128xf32>
    %add3A_202 = arith.addf %convert_element_type3A, %add3A_201 : vector<512x128xf32>
    %select_n3A_203 = arith.select %lt3A_198, %add3A_202, %select_n3A_184 : vector<512x128xi1>, vector<512x128xf32>
    %get3A_204 = arith.constant 0 : index
    %get3A_205 = arith.constant 1664 : index
    %get3A_206 = vector.load %arg3[%get3A_204, %get3A_205] : memref<1x8192xf32, #tpu.memory_space<vmem>>, vector<1x128xf32>
    %add3A_207 = vector.broadcast %get3A_4 : vector<512x1xf32> to vector<512x128xf32>
    %add3A_208 = vector.broadcast %get3A_206 : vector<1x128xf32> to vector<512x128xf32>
    %add3A_209 = arith.addf %add3A_207, %add3A_208 : vector<512x128xf32>
    %slice3A_210 = vector.extract_strided_slice %dot_general3A_189 {offsets = [0, 128], sizes = [512, 128], strides = [1, 1]} : vector<512x512xf32> to vector<512x128xf32>
    %sub3A_211 = arith.subf %add3A_209, %slice3A_210 : vector<512x128xf32>
    %lt3A_212 = arith.cmpf olt, %sub3A_211, %select_n3A_199 : vector<512x128xf32>
    %select_n3A_213 = arith.select %lt3A_212, %sub3A_211, %select_n3A_199 : vector<512x128xi1>, vector<512x128xf32>
    %add3A_214 = arith.constant 1.664000e+03 : f32
    %add3A_215 = vector.broadcast %add3A_214 : f32 to vector<512x128xf32>
    %add3A_216 = arith.addf %convert_element_type3A, %add3A_215 : vector<512x128xf32>
    %select_n3A_217 = arith.select %lt3A_212, %add3A_216, %select_n3A_203 : vector<512x128xi1>, vector<512x128xf32>
    %get3A_218 = arith.constant 0 : index
    %get3A_219 = arith.constant 1792 : index
    %get3A_220 = vector.load %arg3[%get3A_218, %get3A_219] : memref<1x8192xf32, #tpu.memory_space<vmem>>, vector<1x128xf32>
    %add3A_221 = vector.broadcast %get3A_4 : vector<512x1xf32> to vector<512x128xf32>
    %add3A_222 = vector.broadcast %get3A_220 : vector<1x128xf32> to vector<512x128xf32>
    %add3A_223 = arith.addf %add3A_221, %add3A_222 : vector<512x128xf32>
    %slice3A_224 = vector.extract_strided_slice %dot_general3A_189 {offsets = [0, 256], sizes = [512, 128], strides = [1, 1]} : vector<512x512xf32> to vector<512x128xf32>
    %sub3A_225 = arith.subf %add3A_223, %slice3A_224 : vector<512x128xf32>
    %lt3A_226 = arith.cmpf olt, %sub3A_225, %select_n3A_213 : vector<512x128xf32>
    %select_n3A_227 = arith.select %lt3A_226, %sub3A_225, %select_n3A_213 : vector<512x128xi1>, vector<512x128xf32>
    %add3A_228 = arith.constant 1.792000e+03 : f32
    %add3A_229 = vector.broadcast %add3A_228 : f32 to vector<512x128xf32>
    %add3A_230 = arith.addf %convert_element_type3A, %add3A_229 : vector<512x128xf32>
    %select_n3A_231 = arith.select %lt3A_226, %add3A_230, %select_n3A_217 : vector<512x128xi1>, vector<512x128xf32>
    %get3A_232 = arith.constant 0 : index
    %get3A_233 = arith.constant 1920 : index
    %get3A_234 = vector.load %arg3[%get3A_232, %get3A_233] : memref<1x8192xf32, #tpu.memory_space<vmem>>, vector<1x128xf32>
    %add3A_235 = vector.broadcast %get3A_4 : vector<512x1xf32> to vector<512x128xf32>
    %add3A_236 = vector.broadcast %get3A_234 : vector<1x128xf32> to vector<512x128xf32>
    %add3A_237 = arith.addf %add3A_235, %add3A_236 : vector<512x128xf32>
    %slice3A_238 = vector.extract_strided_slice %dot_general3A_189 {offsets = [0, 384], sizes = [512, 128], strides = [1, 1]} : vector<512x512xf32> to vector<512x128xf32>
    %sub3A_239 = arith.subf %add3A_237, %slice3A_238 : vector<512x128xf32>
    %lt3A_240 = arith.cmpf olt, %sub3A_239, %select_n3A_227 : vector<512x128xf32>
    %select_n3A_241 = arith.select %lt3A_240, %sub3A_239, %select_n3A_227 : vector<512x128xi1>, vector<512x128xf32>
    %add3A_242 = arith.constant 1.920000e+03 : f32
    %add3A_243 = vector.broadcast %add3A_242 : f32 to vector<512x128xf32>
    %add3A_244 = arith.addf %convert_element_type3A, %add3A_243 : vector<512x128xf32>
    %select_n3A_245 = arith.select %lt3A_240, %add3A_244, %select_n3A_231 : vector<512x128xi1>, vector<512x128xf32>
    %get3A_246 = arith.constant 0 : index
    %get3A_247 = arith.constant 2048 : index
    %get3A_248 = vector.load %arg4[%get3A_246, %get3A_247] : memref<256x8192xbf16, #tpu.memory_space<vmem>>, vector<256x512xbf16>
    %dot_general3A_249 = arith.constant dense<0.000000e+00> : vector<512x512xf32>
    %dot_general3A_250 = tpu.matmul %get3A_1, %get3A_248, %dot_general3A_249 {dimension_numbers = #tpu.dot_dimension_numbers<[1], [0], [0], [1], [0, 0, 1, 1], [], []>, transpose_lhs_hint = false} : vector<512x256xbf16>, vector<256x512xbf16>, vector<512x512xf32> -> vector<512x512xf32>
    %get3A_251 = arith.constant 0 : index
    %get3A_252 = arith.constant 2048 : index
    %get3A_253 = vector.load %arg3[%get3A_251, %get3A_252] : memref<1x8192xf32, #tpu.memory_space<vmem>>, vector<1x128xf32>
    %add3A_254 = vector.broadcast %get3A_4 : vector<512x1xf32> to vector<512x128xf32>
    %add3A_255 = vector.broadcast %get3A_253 : vector<1x128xf32> to vector<512x128xf32>
    %add3A_256 = arith.addf %add3A_254, %add3A_255 : vector<512x128xf32>
    %slice3A_257 = vector.extract_strided_slice %dot_general3A_250 {offsets = [0, 0], sizes = [512, 128], strides = [1, 1]} : vector<512x512xf32> to vector<512x128xf32>
    %sub3A_258 = arith.subf %add3A_256, %slice3A_257 : vector<512x128xf32>
    %lt3A_259 = arith.cmpf olt, %sub3A_258, %select_n3A_241 : vector<512x128xf32>
    %select_n3A_260 = arith.select %lt3A_259, %sub3A_258, %select_n3A_241 : vector<512x128xi1>, vector<512x128xf32>
    %add3A_261 = arith.constant 2.048000e+03 : f32
    %add3A_262 = vector.broadcast %add3A_261 : f32 to vector<512x128xf32>
    %add3A_263 = arith.addf %convert_element_type3A, %add3A_262 : vector<512x128xf32>
    %select_n3A_264 = arith.select %lt3A_259, %add3A_263, %select_n3A_245 : vector<512x128xi1>, vector<512x128xf32>
    %get3A_265 = arith.constant 0 : index
    %get3A_266 = arith.constant 2176 : index
    %get3A_267 = vector.load %arg3[%get3A_265, %get3A_266] : memref<1x8192xf32, #tpu.memory_space<vmem>>, vector<1x128xf32>
    %add3A_268 = vector.broadcast %get3A_4 : vector<512x1xf32> to vector<512x128xf32>
    %add3A_269 = vector.broadcast %get3A_267 : vector<1x128xf32> to vector<512x128xf32>
    %add3A_270 = arith.addf %add3A_268, %add3A_269 : vector<512x128xf32>
    %slice3A_271 = vector.extract_strided_slice %dot_general3A_250 {offsets = [0, 128], sizes = [512, 128], strides = [1, 1]} : vector<512x512xf32> to vector<512x128xf32>
    %sub3A_272 = arith.subf %add3A_270, %slice3A_271 : vector<512x128xf32>
    %lt3A_273 = arith.cmpf olt, %sub3A_272, %select_n3A_260 : vector<512x128xf32>
    %select_n3A_274 = arith.select %lt3A_273, %sub3A_272, %select_n3A_260 : vector<512x128xi1>, vector<512x128xf32>
    %add3A_275 = arith.constant 2.176000e+03 : f32
    %add3A_276 = vector.broadcast %add3A_275 : f32 to vector<512x128xf32>
    %add3A_277 = arith.addf %convert_element_type3A, %add3A_276 : vector<512x128xf32>
    %select_n3A_278 = arith.select %lt3A_273, %add3A_277, %select_n3A_264 : vector<512x128xi1>, vector<512x128xf32>
    %get3A_279 = arith.constant 0 : index
    %get3A_280 = arith.constant 2304 : index
    %get3A_281 = vector.load %arg3[%get3A_279, %get3A_280] : memref<1x8192xf32, #tpu.memory_space<vmem>>, vector<1x128xf32>
    %add3A_282 = vector.broadcast %get3A_4 : vector<512x1xf32> to vector<512x128xf32>
    %add3A_283 = vector.broadcast %get3A_281 : vector<1x128xf32> to vector<512x128xf32>
    %add3A_284 = arith.addf %add3A_282, %add3A_283 : vector<512x128xf32>
    %slice3A_285 = vector.extract_strided_slice %dot_general3A_250 {offsets = [0, 256], sizes = [512, 128], strides = [1, 1]} : vector<512x512xf32> to vector<512x128xf32>
    %sub3A_286 = arith.subf %add3A_284, %slice3A_285 : vector<512x128xf32>
    %lt3A_287 = arith.cmpf olt, %sub3A_286, %select_n3A_274 : vector<512x128xf32>
    %select_n3A_288 = arith.select %lt3A_287, %sub3A_286, %select_n3A_274 : vector<512x128xi1>, vector<512x128xf32>
    %add3A_289 = arith.constant 2.304000e+03 : f32
    %add3A_290 = vector.broadcast %add3A_289 : f32 to vector<512x128xf32>
    %add3A_291 = arith.addf %convert_element_type3A, %add3A_290 : vector<512x128xf32>
    %select_n3A_292 = arith.select %lt3A_287, %add3A_291, %select_n3A_278 : vector<512x128xi1>, vector<512x128xf32>
    %get3A_293 = arith.constant 0 : index
    %get3A_294 = arith.constant 2432 : index
    %get3A_295 = vector.load %arg3[%get3A_293, %get3A_294] : memref<1x8192xf32, #tpu.memory_space<vmem>>, vector<1x128xf32>
    %add3A_296 = vector.broadcast %get3A_4 : vector<512x1xf32> to vector<512x128xf32>
    %add3A_297 = vector.broadcast %get3A_295 : vector<1x128xf32> to vector<512x128xf32>
    %add3A_298 = arith.addf %add3A_296, %add3A_297 : vector<512x128xf32>
    %slice3A_299 = vector.extract_strided_slice %dot_general3A_250 {offsets = [0, 384], sizes = [512, 128], strides = [1, 1]} : vector<512x512xf32> to vector<512x128xf32>
    %sub3A_300 = arith.subf %add3A_298, %slice3A_299 : vector<512x128xf32>
    %lt3A_301 = arith.cmpf olt, %sub3A_300, %select_n3A_288 : vector<512x128xf32>
    %select_n3A_302 = arith.select %lt3A_301, %sub3A_300, %select_n3A_288 : vector<512x128xi1>, vector<512x128xf32>
    %add3A_303 = arith.constant 2.432000e+03 : f32
    %add3A_304 = vector.broadcast %add3A_303 : f32 to vector<512x128xf32>
    %add3A_305 = arith.addf %convert_element_type3A, %add3A_304 : vector<512x128xf32>
    %select_n3A_306 = arith.select %lt3A_301, %add3A_305, %select_n3A_292 : vector<512x128xi1>, vector<512x128xf32>
    %get3A_307 = arith.constant 0 : index
    %get3A_308 = arith.constant 2560 : index
    %get3A_309 = vector.load %arg4[%get3A_307, %get3A_308] : memref<256x8192xbf16, #tpu.memory_space<vmem>>, vector<256x512xbf16>
    %dot_general3A_310 = arith.constant dense<0.000000e+00> : vector<512x512xf32>
    %dot_general3A_311 = tpu.matmul %get3A_1, %get3A_309, %dot_general3A_310 {dimension_numbers = #tpu.dot_dimension_numbers<[1], [0], [0], [1], [0, 0, 1, 1], [], []>, transpose_lhs_hint = false} : vector<512x256xbf16>, vector<256x512xbf16>, vector<512x512xf32> -> vector<512x512xf32>
    %get3A_312 = arith.constant 0 : index
    %get3A_313 = arith.constant 2560 : index
    %get3A_314 = vector.load %arg3[%get3A_312, %get3A_313] : memref<1x8192xf32, #tpu.memory_space<vmem>>, vector<1x128xf32>
    %add3A_315 = vector.broadcast %get3A_4 : vector<512x1xf32> to vector<512x128xf32>
    %add3A_316 = vector.broadcast %get3A_314 : vector<1x128xf32> to vector<512x128xf32>
    %add3A_317 = arith.addf %add3A_315, %add3A_316 : vector<512x128xf32>
    %slice3A_318 = vector.extract_strided_slice %dot_general3A_311 {offsets = [0, 0], sizes = [512, 128], strides = [1, 1]} : vector<512x512xf32> to vector<512x128xf32>
    %sub3A_319 = arith.subf %add3A_317, %slice3A_318 : vector<512x128xf32>
    %lt3A_320 = arith.cmpf olt, %sub3A_319, %select_n3A_302 : vector<512x128xf32>
    %select_n3A_321 = arith.select %lt3A_320, %sub3A_319, %select_n3A_302 : vector<512x128xi1>, vector<512x128xf32>
    %add3A_322 = arith.constant 2.560000e+03 : f32
    %add3A_323 = vector.broadcast %add3A_322 : f32 to vector<512x128xf32>
    %add3A_324 = arith.addf %convert_element_type3A, %add3A_323 : vector<512x128xf32>
    %select_n3A_325 = arith.select %lt3A_320, %add3A_324, %select_n3A_306 : vector<512x128xi1>, vector<512x128xf32>
    %get3A_326 = arith.constant 0 : index
    %get3A_327 = arith.constant 2688 : index
    %get3A_328 = vector.load %arg3[%get3A_326, %get3A_327] : memref<1x8192xf32, #tpu.memory_space<vmem>>, vector<1x128xf32>
    %add3A_329 = vector.broadcast %get3A_4 : vector<512x1xf32> to vector<512x128xf32>
    %add3A_330 = vector.broadcast %get3A_328 : vector<1x128xf32> to vector<512x128xf32>
    %add3A_331 = arith.addf %add3A_329, %add3A_330 : vector<512x128xf32>
    %slice3A_332 = vector.extract_strided_slice %dot_general3A_311 {offsets = [0, 128], sizes = [512, 128], strides = [1, 1]} : vector<512x512xf32> to vector<512x128xf32>
    %sub3A_333 = arith.subf %add3A_331, %slice3A_332 : vector<512x128xf32>
    %lt3A_334 = arith.cmpf olt, %sub3A_333, %select_n3A_321 : vector<512x128xf32>
    %select_n3A_335 = arith.select %lt3A_334, %sub3A_333, %select_n3A_321 : vector<512x128xi1>, vector<512x128xf32>
    %add3A_336 = arith.constant 2.688000e+03 : f32
    %add3A_337 = vector.broadcast %add3A_336 : f32 to vector<512x128xf32>
    %add3A_338 = arith.addf %convert_element_type3A, %add3A_337 : vector<512x128xf32>
    %select_n3A_339 = arith.select %lt3A_334, %add3A_338, %select_n3A_325 : vector<512x128xi1>, vector<512x128xf32>
    %get3A_340 = arith.constant 0 : index
    %get3A_341 = arith.constant 2816 : index
    %get3A_342 = vector.load %arg3[%get3A_340, %get3A_341] : memref<1x8192xf32, #tpu.memory_space<vmem>>, vector<1x128xf32>
    %add3A_343 = vector.broadcast %get3A_4 : vector<512x1xf32> to vector<512x128xf32>
    %add3A_344 = vector.broadcast %get3A_342 : vector<1x128xf32> to vector<512x128xf32>
    %add3A_345 = arith.addf %add3A_343, %add3A_344 : vector<512x128xf32>
    %slice3A_346 = vector.extract_strided_slice %dot_general3A_311 {offsets = [0, 256], sizes = [512, 128], strides = [1, 1]} : vector<512x512xf32> to vector<512x128xf32>
    %sub3A_347 = arith.subf %add3A_345, %slice3A_346 : vector<512x128xf32>
    %lt3A_348 = arith.cmpf olt, %sub3A_347, %select_n3A_335 : vector<512x128xf32>
    %select_n3A_349 = arith.select %lt3A_348, %sub3A_347, %select_n3A_335 : vector<512x128xi1>, vector<512x128xf32>
    %add3A_350 = arith.constant 2.816000e+03 : f32
    %add3A_351 = vector.broadcast %add3A_350 : f32 to vector<512x128xf32>
    %add3A_352 = arith.addf %convert_element_type3A, %add3A_351 : vector<512x128xf32>
    %select_n3A_353 = arith.select %lt3A_348, %add3A_352, %select_n3A_339 : vector<512x128xi1>, vector<512x128xf32>
    %get3A_354 = arith.constant 0 : index
    %get3A_355 = arith.constant 2944 : index
    %get3A_356 = vector.load %arg3[%get3A_354, %get3A_355] : memref<1x8192xf32, #tpu.memory_space<vmem>>, vector<1x128xf32>
    %add3A_357 = vector.broadcast %get3A_4 : vector<512x1xf32> to vector<512x128xf32>
    %add3A_358 = vector.broadcast %get3A_356 : vector<1x128xf32> to vector<512x128xf32>
    %add3A_359 = arith.addf %add3A_357, %add3A_358 : vector<512x128xf32>
    %slice3A_360 = vector.extract_strided_slice %dot_general3A_311 {offsets = [0, 384], sizes = [512, 128], strides = [1, 1]} : vector<512x512xf32> to vector<512x128xf32>
    %sub3A_361 = arith.subf %add3A_359, %slice3A_360 : vector<512x128xf32>
    %lt3A_362 = arith.cmpf olt, %sub3A_361, %select_n3A_349 : vector<512x128xf32>
    %select_n3A_363 = arith.select %lt3A_362, %sub3A_361, %select_n3A_349 : vector<512x128xi1>, vector<512x128xf32>
    %add3A_364 = arith.constant 2.944000e+03 : f32
    %add3A_365 = vector.broadcast %add3A_364 : f32 to vector<512x128xf32>
    %add3A_366 = arith.addf %convert_element_type3A, %add3A_365 : vector<512x128xf32>
    %select_n3A_367 = arith.select %lt3A_362, %add3A_366, %select_n3A_353 : vector<512x128xi1>, vector<512x128xf32>
    %get3A_368 = arith.constant 0 : index
    %get3A_369 = arith.constant 3072 : index
    %get3A_370 = vector.load %arg4[%get3A_368, %get3A_369] : memref<256x8192xbf16, #tpu.memory_space<vmem>>, vector<256x512xbf16>
    %dot_general3A_371 = arith.constant dense<0.000000e+00> : vector<512x512xf32>
    %dot_general3A_372 = tpu.matmul %get3A_1, %get3A_370, %dot_general3A_371 {dimension_numbers = #tpu.dot_dimension_numbers<[1], [0], [0], [1], [0, 0, 1, 1], [], []>, transpose_lhs_hint = false} : vector<512x256xbf16>, vector<256x512xbf16>, vector<512x512xf32> -> vector<512x512xf32>
    %get3A_373 = arith.constant 0 : index
    %get3A_374 = arith.constant 3072 : index
    %get3A_375 = vector.load %arg3[%get3A_373, %get3A_374] : memref<1x8192xf32, #tpu.memory_space<vmem>>, vector<1x128xf32>
    %add3A_376 = vector.broadcast %get3A_4 : vector<512x1xf32> to vector<512x128xf32>
    %add3A_377 = vector.broadcast %get3A_375 : vector<1x128xf32> to vector<512x128xf32>
    %add3A_378 = arith.addf %add3A_376, %add3A_377 : vector<512x128xf32>
    %slice3A_379 = vector.extract_strided_slice %dot_general3A_372 {offsets = [0, 0], sizes = [512, 128], strides = [1, 1]} : vector<512x512xf32> to vector<512x128xf32>
    %sub3A_380 = arith.subf %add3A_378, %slice3A_379 : vector<512x128xf32>
    %lt3A_381 = arith.cmpf olt, %sub3A_380, %select_n3A_363 : vector<512x128xf32>
    %select_n3A_382 = arith.select %lt3A_381, %sub3A_380, %select_n3A_363 : vector<512x128xi1>, vector<512x128xf32>
    %add3A_383 = arith.constant 3.072000e+03 : f32
    %add3A_384 = vector.broadcast %add3A_383 : f32 to vector<512x128xf32>
    %add3A_385 = arith.addf %convert_element_type3A, %add3A_384 : vector<512x128xf32>
    %select_n3A_386 = arith.select %lt3A_381, %add3A_385, %select_n3A_367 : vector<512x128xi1>, vector<512x128xf32>
    %get3A_387 = arith.constant 0 : index
    %get3A_388 = arith.constant 3200 : index
    %get3A_389 = vector.load %arg3[%get3A_387, %get3A_388] : memref<1x8192xf32, #tpu.memory_space<vmem>>, vector<1x128xf32>
    %add3A_390 = vector.broadcast %get3A_4 : vector<512x1xf32> to vector<512x128xf32>
    %add3A_391 = vector.broadcast %get3A_389 : vector<1x128xf32> to vector<512x128xf32>
    %add3A_392 = arith.addf %add3A_390, %add3A_391 : vector<512x128xf32>
    %slice3A_393 = vector.extract_strided_slice %dot_general3A_372 {offsets = [0, 128], sizes = [512, 128], strides = [1, 1]} : vector<512x512xf32> to vector<512x128xf32>
    %sub3A_394 = arith.subf %add3A_392, %slice3A_393 : vector<512x128xf32>
    %lt3A_395 = arith.cmpf olt, %sub3A_394, %select_n3A_382 : vector<512x128xf32>
    %select_n3A_396 = arith.select %lt3A_395, %sub3A_394, %select_n3A_382 : vector<512x128xi1>, vector<512x128xf32>
    %add3A_397 = arith.constant 3.200000e+03 : f32
    %add3A_398 = vector.broadcast %add3A_397 : f32 to vector<512x128xf32>
    %add3A_399 = arith.addf %convert_element_type3A, %add3A_398 : vector<512x128xf32>
    %select_n3A_400 = arith.select %lt3A_395, %add3A_399, %select_n3A_386 : vector<512x128xi1>, vector<512x128xf32>
    %get3A_401 = arith.constant 0 : index
    %get3A_402 = arith.constant 3328 : index
    %get3A_403 = vector.load %arg3[%get3A_401, %get3A_402] : memref<1x8192xf32, #tpu.memory_space<vmem>>, vector<1x128xf32>
    %add3A_404 = vector.broadcast %get3A_4 : vector<512x1xf32> to vector<512x128xf32>
    %add3A_405 = vector.broadcast %get3A_403 : vector<1x128xf32> to vector<512x128xf32>
    %add3A_406 = arith.addf %add3A_404, %add3A_405 : vector<512x128xf32>
    %slice3A_407 = vector.extract_strided_slice %dot_general3A_372 {offsets = [0, 256], sizes = [512, 128], strides = [1, 1]} : vector<512x512xf32> to vector<512x128xf32>
    %sub3A_408 = arith.subf %add3A_406, %slice3A_407 : vector<512x128xf32>
    %lt3A_409 = arith.cmpf olt, %sub3A_408, %select_n3A_396 : vector<512x128xf32>
    %select_n3A_410 = arith.select %lt3A_409, %sub3A_408, %select_n3A_396 : vector<512x128xi1>, vector<512x128xf32>
    %add3A_411 = arith.constant 3.328000e+03 : f32
    %add3A_412 = vector.broadcast %add3A_411 : f32 to vector<512x128xf32>
    %add3A_413 = arith.addf %convert_element_type3A, %add3A_412 : vector<512x128xf32>
    %select_n3A_414 = arith.select %lt3A_409, %add3A_413, %select_n3A_400 : vector<512x128xi1>, vector<512x128xf32>
    %get3A_415 = arith.constant 0 : index
    %get3A_416 = arith.constant 3456 : index
    %get3A_417 = vector.load %arg3[%get3A_415, %get3A_416] : memref<1x8192xf32, #tpu.memory_space<vmem>>, vector<1x128xf32>
    %add3A_418 = vector.broadcast %get3A_4 : vector<512x1xf32> to vector<512x128xf32>
    %add3A_419 = vector.broadcast %get3A_417 : vector<1x128xf32> to vector<512x128xf32>
    %add3A_420 = arith.addf %add3A_418, %add3A_419 : vector<512x128xf32>
    %slice3A_421 = vector.extract_strided_slice %dot_general3A_372 {offsets = [0, 384], sizes = [512, 128], strides = [1, 1]} : vector<512x512xf32> to vector<512x128xf32>
    %sub3A_422 = arith.subf %add3A_420, %slice3A_421 : vector<512x128xf32>
    %lt3A_423 = arith.cmpf olt, %sub3A_422, %select_n3A_410 : vector<512x128xf32>
    %select_n3A_424 = arith.select %lt3A_423, %sub3A_422, %select_n3A_410 : vector<512x128xi1>, vector<512x128xf32>
    %add3A_425 = arith.constant 3.456000e+03 : f32
    %add3A_426 = vector.broadcast %add3A_425 : f32 to vector<512x128xf32>
    %add3A_427 = arith.addf %convert_element_type3A, %add3A_426 : vector<512x128xf32>
    %select_n3A_428 = arith.select %lt3A_423, %add3A_427, %select_n3A_414 : vector<512x128xi1>, vector<512x128xf32>
    %get3A_429 = arith.constant 0 : index
    %get3A_430 = arith.constant 3584 : index
    %get3A_431 = vector.load %arg4[%get3A_429, %get3A_430] : memref<256x8192xbf16, #tpu.memory_space<vmem>>, vector<256x512xbf16>
    %dot_general3A_432 = arith.constant dense<0.000000e+00> : vector<512x512xf32>
    %dot_general3A_433 = tpu.matmul %get3A_1, %get3A_431, %dot_general3A_432 {dimension_numbers = #tpu.dot_dimension_numbers<[1], [0], [0], [1], [0, 0, 1, 1], [], []>, transpose_lhs_hint = false} : vector<512x256xbf16>, vector<256x512xbf16>, vector<512x512xf32> -> vector<512x512xf32>
    %get3A_434 = arith.constant 0 : index
    %get3A_435 = arith.constant 3584 : index
    %get3A_436 = vector.load %arg3[%get3A_434, %get3A_435] : memref<1x8192xf32, #tpu.memory_space<vmem>>, vector<1x128xf32>
    %add3A_437 = vector.broadcast %get3A_4 : vector<512x1xf32> to vector<512x128xf32>
    %add3A_438 = vector.broadcast %get3A_436 : vector<1x128xf32> to vector<512x128xf32>
    %add3A_439 = arith.addf %add3A_437, %add3A_438 : vector<512x128xf32>
    %slice3A_440 = vector.extract_strided_slice %dot_general3A_433 {offsets = [0, 0], sizes = [512, 128], strides = [1, 1]} : vector<512x512xf32> to vector<512x128xf32>
    %sub3A_441 = arith.subf %add3A_439, %slice3A_440 : vector<512x128xf32>
    %lt3A_442 = arith.cmpf olt, %sub3A_441, %select_n3A_424 : vector<512x128xf32>
    %select_n3A_443 = arith.select %lt3A_442, %sub3A_441, %select_n3A_424 : vector<512x128xi1>, vector<512x128xf32>
    %add3A_444 = arith.constant 3.584000e+03 : f32
    %add3A_445 = vector.broadcast %add3A_444 : f32 to vector<512x128xf32>
    %add3A_446 = arith.addf %convert_element_type3A, %add3A_445 : vector<512x128xf32>
    %select_n3A_447 = arith.select %lt3A_442, %add3A_446, %select_n3A_428 : vector<512x128xi1>, vector<512x128xf32>
    %get3A_448 = arith.constant 0 : index
    %get3A_449 = arith.constant 3712 : index
    %get3A_450 = vector.load %arg3[%get3A_448, %get3A_449] : memref<1x8192xf32, #tpu.memory_space<vmem>>, vector<1x128xf32>
    %add3A_451 = vector.broadcast %get3A_4 : vector<512x1xf32> to vector<512x128xf32>
    %add3A_452 = vector.broadcast %get3A_450 : vector<1x128xf32> to vector<512x128xf32>
    %add3A_453 = arith.addf %add3A_451, %add3A_452 : vector<512x128xf32>
    %slice3A_454 = vector.extract_strided_slice %dot_general3A_433 {offsets = [0, 128], sizes = [512, 128], strides = [1, 1]} : vector<512x512xf32> to vector<512x128xf32>
    %sub3A_455 = arith.subf %add3A_453, %slice3A_454 : vector<512x128xf32>
    %lt3A_456 = arith.cmpf olt, %sub3A_455, %select_n3A_443 : vector<512x128xf32>
    %select_n3A_457 = arith.select %lt3A_456, %sub3A_455, %select_n3A_443 : vector<512x128xi1>, vector<512x128xf32>
    %add3A_458 = arith.constant 3.712000e+03 : f32
    %add3A_459 = vector.broadcast %add3A_458 : f32 to vector<512x128xf32>
    %add3A_460 = arith.addf %convert_element_type3A, %add3A_459 : vector<512x128xf32>
    %select_n3A_461 = arith.select %lt3A_456, %add3A_460, %select_n3A_447 : vector<512x128xi1>, vector<512x128xf32>
    %get3A_462 = arith.constant 0 : index
    %get3A_463 = arith.constant 3840 : index
    %get3A_464 = vector.load %arg3[%get3A_462, %get3A_463] : memref<1x8192xf32, #tpu.memory_space<vmem>>, vector<1x128xf32>
    %add3A_465 = vector.broadcast %get3A_4 : vector<512x1xf32> to vector<512x128xf32>
    %add3A_466 = vector.broadcast %get3A_464 : vector<1x128xf32> to vector<512x128xf32>
    %add3A_467 = arith.addf %add3A_465, %add3A_466 : vector<512x128xf32>
    %slice3A_468 = vector.extract_strided_slice %dot_general3A_433 {offsets = [0, 256], sizes = [512, 128], strides = [1, 1]} : vector<512x512xf32> to vector<512x128xf32>
    %sub3A_469 = arith.subf %add3A_467, %slice3A_468 : vector<512x128xf32>
    %lt3A_470 = arith.cmpf olt, %sub3A_469, %select_n3A_457 : vector<512x128xf32>
    %select_n3A_471 = arith.select %lt3A_470, %sub3A_469, %select_n3A_457 : vector<512x128xi1>, vector<512x128xf32>
    %add3A_472 = arith.constant 3.840000e+03 : f32
    %add3A_473 = vector.broadcast %add3A_472 : f32 to vector<512x128xf32>
    %add3A_474 = arith.addf %convert_element_type3A, %add3A_473 : vector<512x128xf32>
    %select_n3A_475 = arith.select %lt3A_470, %add3A_474, %select_n3A_461 : vector<512x128xi1>, vector<512x128xf32>
    %get3A_476 = arith.constant 0 : index
    %get3A_477 = arith.constant 3968 : index
    %get3A_478 = vector.load %arg3[%get3A_476, %get3A_477] : memref<1x8192xf32, #tpu.memory_space<vmem>>, vector<1x128xf32>
    %add3A_479 = vector.broadcast %get3A_4 : vector<512x1xf32> to vector<512x128xf32>
    %add3A_480 = vector.broadcast %get3A_478 : vector<1x128xf32> to vector<512x128xf32>
    %add3A_481 = arith.addf %add3A_479, %add3A_480 : vector<512x128xf32>
    %slice3A_482 = vector.extract_strided_slice %dot_general3A_433 {offsets = [0, 384], sizes = [512, 128], strides = [1, 1]} : vector<512x512xf32> to vector<512x128xf32>
    %sub3A_483 = arith.subf %add3A_481, %slice3A_482 : vector<512x128xf32>
    %lt3A_484 = arith.cmpf olt, %sub3A_483, %select_n3A_471 : vector<512x128xf32>
    %select_n3A_485 = arith.select %lt3A_484, %sub3A_483, %select_n3A_471 : vector<512x128xi1>, vector<512x128xf32>
    %add3A_486 = arith.constant 3.968000e+03 : f32
    %add3A_487 = vector.broadcast %add3A_486 : f32 to vector<512x128xf32>
    %add3A_488 = arith.addf %convert_element_type3A, %add3A_487 : vector<512x128xf32>
    %select_n3A_489 = arith.select %lt3A_484, %add3A_488, %select_n3A_475 : vector<512x128xi1>, vector<512x128xf32>
    %get3A_490 = arith.constant 0 : index
    %get3A_491 = arith.constant 4096 : index
    %get3A_492 = vector.load %arg4[%get3A_490, %get3A_491] : memref<256x8192xbf16, #tpu.memory_space<vmem>>, vector<256x512xbf16>
    %dot_general3A_493 = arith.constant dense<0.000000e+00> : vector<512x512xf32>
    %dot_general3A_494 = tpu.matmul %get3A_1, %get3A_492, %dot_general3A_493 {dimension_numbers = #tpu.dot_dimension_numbers<[1], [0], [0], [1], [0, 0, 1, 1], [], []>, transpose_lhs_hint = false} : vector<512x256xbf16>, vector<256x512xbf16>, vector<512x512xf32> -> vector<512x512xf32>
    %get3A_495 = arith.constant 0 : index
    %get3A_496 = arith.constant 4096 : index
    %get3A_497 = vector.load %arg3[%get3A_495, %get3A_496] : memref<1x8192xf32, #tpu.memory_space<vmem>>, vector<1x128xf32>
    %add3A_498 = vector.broadcast %get3A_4 : vector<512x1xf32> to vector<512x128xf32>
    %add3A_499 = vector.broadcast %get3A_497 : vector<1x128xf32> to vector<512x128xf32>
    %add3A_500 = arith.addf %add3A_498, %add3A_499 : vector<512x128xf32>
    %slice3A_501 = vector.extract_strided_slice %dot_general3A_494 {offsets = [0, 0], sizes = [512, 128], strides = [1, 1]} : vector<512x512xf32> to vector<512x128xf32>
    %sub3A_502 = arith.subf %add3A_500, %slice3A_501 : vector<512x128xf32>
    %lt3A_503 = arith.cmpf olt, %sub3A_502, %select_n3A_485 : vector<512x128xf32>
    %select_n3A_504 = arith.select %lt3A_503, %sub3A_502, %select_n3A_485 : vector<512x128xi1>, vector<512x128xf32>
    %add3A_505 = arith.constant 4.096000e+03 : f32
    %add3A_506 = vector.broadcast %add3A_505 : f32 to vector<512x128xf32>
    %add3A_507 = arith.addf %convert_element_type3A, %add3A_506 : vector<512x128xf32>
    %select_n3A_508 = arith.select %lt3A_503, %add3A_507, %select_n3A_489 : vector<512x128xi1>, vector<512x128xf32>
    %get3A_509 = arith.constant 0 : index
    %get3A_510 = arith.constant 4224 : index
    %get3A_511 = vector.load %arg3[%get3A_509, %get3A_510] : memref<1x8192xf32, #tpu.memory_space<vmem>>, vector<1x128xf32>
    %add3A_512 = vector.broadcast %get3A_4 : vector<512x1xf32> to vector<512x128xf32>
    %add3A_513 = vector.broadcast %get3A_511 : vector<1x128xf32> to vector<512x128xf32>
    %add3A_514 = arith.addf %add3A_512, %add3A_513 : vector<512x128xf32>
    %slice3A_515 = vector.extract_strided_slice %dot_general3A_494 {offsets = [0, 128], sizes = [512, 128], strides = [1, 1]} : vector<512x512xf32> to vector<512x128xf32>
    %sub3A_516 = arith.subf %add3A_514, %slice3A_515 : vector<512x128xf32>
    %lt3A_517 = arith.cmpf olt, %sub3A_516, %select_n3A_504 : vector<512x128xf32>
    %select_n3A_518 = arith.select %lt3A_517, %sub3A_516, %select_n3A_504 : vector<512x128xi1>, vector<512x128xf32>
    %add3A_519 = arith.constant 4.224000e+03 : f32
    %add3A_520 = vector.broadcast %add3A_519 : f32 to vector<512x128xf32>
    %add3A_521 = arith.addf %convert_element_type3A, %add3A_520 : vector<512x128xf32>
    %select_n3A_522 = arith.select %lt3A_517, %add3A_521, %select_n3A_508 : vector<512x128xi1>, vector<512x128xf32>
    %get3A_523 = arith.constant 0 : index
    %get3A_524 = arith.constant 4352 : index
    %get3A_525 = vector.load %arg3[%get3A_523, %get3A_524] : memref<1x8192xf32, #tpu.memory_space<vmem>>, vector<1x128xf32>
    %add3A_526 = vector.broadcast %get3A_4 : vector<512x1xf32> to vector<512x128xf32>
    %add3A_527 = vector.broadcast %get3A_525 : vector<1x128xf32> to vector<512x128xf32>
    %add3A_528 = arith.addf %add3A_526, %add3A_527 : vector<512x128xf32>
    %slice3A_529 = vector.extract_strided_slice %dot_general3A_494 {offsets = [0, 256], sizes = [512, 128], strides = [1, 1]} : vector<512x512xf32> to vector<512x128xf32>
    %sub3A_530 = arith.subf %add3A_528, %slice3A_529 : vector<512x128xf32>
    %lt3A_531 = arith.cmpf olt, %sub3A_530, %select_n3A_518 : vector<512x128xf32>
    %select_n3A_532 = arith.select %lt3A_531, %sub3A_530, %select_n3A_518 : vector<512x128xi1>, vector<512x128xf32>
    %add3A_533 = arith.constant 4.352000e+03 : f32
    %add3A_534 = vector.broadcast %add3A_533 : f32 to vector<512x128xf32>
    %add3A_535 = arith.addf %convert_element_type3A, %add3A_534 : vector<512x128xf32>
    %select_n3A_536 = arith.select %lt3A_531, %add3A_535, %select_n3A_522 : vector<512x128xi1>, vector<512x128xf32>
    %get3A_537 = arith.constant 0 : index
    %get3A_538 = arith.constant 4480 : index
    %get3A_539 = vector.load %arg3[%get3A_537, %get3A_538] : memref<1x8192xf32, #tpu.memory_space<vmem>>, vector<1x128xf32>
    %add3A_540 = vector.broadcast %get3A_4 : vector<512x1xf32> to vector<512x128xf32>
    %add3A_541 = vector.broadcast %get3A_539 : vector<1x128xf32> to vector<512x128xf32>
    %add3A_542 = arith.addf %add3A_540, %add3A_541 : vector<512x128xf32>
    %slice3A_543 = vector.extract_strided_slice %dot_general3A_494 {offsets = [0, 384], sizes = [512, 128], strides = [1, 1]} : vector<512x512xf32> to vector<512x128xf32>
    %sub3A_544 = arith.subf %add3A_542, %slice3A_543 : vector<512x128xf32>
    %lt3A_545 = arith.cmpf olt, %sub3A_544, %select_n3A_532 : vector<512x128xf32>
    %select_n3A_546 = arith.select %lt3A_545, %sub3A_544, %select_n3A_532 : vector<512x128xi1>, vector<512x128xf32>
    %add3A_547 = arith.constant 4.480000e+03 : f32
    %add3A_548 = vector.broadcast %add3A_547 : f32 to vector<512x128xf32>
    %add3A_549 = arith.addf %convert_element_type3A, %add3A_548 : vector<512x128xf32>
    %select_n3A_550 = arith.select %lt3A_545, %add3A_549, %select_n3A_536 : vector<512x128xi1>, vector<512x128xf32>
    %get3A_551 = arith.constant 0 : index
    %get3A_552 = arith.constant 4608 : index
    %get3A_553 = vector.load %arg4[%get3A_551, %get3A_552] : memref<256x8192xbf16, #tpu.memory_space<vmem>>, vector<256x512xbf16>
    %dot_general3A_554 = arith.constant dense<0.000000e+00> : vector<512x512xf32>
    %dot_general3A_555 = tpu.matmul %get3A_1, %get3A_553, %dot_general3A_554 {dimension_numbers = #tpu.dot_dimension_numbers<[1], [0], [0], [1], [0, 0, 1, 1], [], []>, transpose_lhs_hint = false} : vector<512x256xbf16>, vector<256x512xbf16>, vector<512x512xf32> -> vector<512x512xf32>
    %get3A_556 = arith.constant 0 : index
    %get3A_557 = arith.constant 4608 : index
    %get3A_558 = vector.load %arg3[%get3A_556, %get3A_557] : memref<1x8192xf32, #tpu.memory_space<vmem>>, vector<1x128xf32>
    %add3A_559 = vector.broadcast %get3A_4 : vector<512x1xf32> to vector<512x128xf32>
    %add3A_560 = vector.broadcast %get3A_558 : vector<1x128xf32> to vector<512x128xf32>
    %add3A_561 = arith.addf %add3A_559, %add3A_560 : vector<512x128xf32>
    %slice3A_562 = vector.extract_strided_slice %dot_general3A_555 {offsets = [0, 0], sizes = [512, 128], strides = [1, 1]} : vector<512x512xf32> to vector<512x128xf32>
    %sub3A_563 = arith.subf %add3A_561, %slice3A_562 : vector<512x128xf32>
    %lt3A_564 = arith.cmpf olt, %sub3A_563, %select_n3A_546 : vector<512x128xf32>
    %select_n3A_565 = arith.select %lt3A_564, %sub3A_563, %select_n3A_546 : vector<512x128xi1>, vector<512x128xf32>
    %add3A_566 = arith.constant 4.608000e+03 : f32
    %add3A_567 = vector.broadcast %add3A_566 : f32 to vector<512x128xf32>
    %add3A_568 = arith.addf %convert_element_type3A, %add3A_567 : vector<512x128xf32>
    %select_n3A_569 = arith.select %lt3A_564, %add3A_568, %select_n3A_550 : vector<512x128xi1>, vector<512x128xf32>
    %get3A_570 = arith.constant 0 : index
    %get3A_571 = arith.constant 4736 : index
    %get3A_572 = vector.load %arg3[%get3A_570, %get3A_571] : memref<1x8192xf32, #tpu.memory_space<vmem>>, vector<1x128xf32>
    %add3A_573 = vector.broadcast %get3A_4 : vector<512x1xf32> to vector<512x128xf32>
    %add3A_574 = vector.broadcast %get3A_572 : vector<1x128xf32> to vector<512x128xf32>
    %add3A_575 = arith.addf %add3A_573, %add3A_574 : vector<512x128xf32>
    %slice3A_576 = vector.extract_strided_slice %dot_general3A_555 {offsets = [0, 128], sizes = [512, 128], strides = [1, 1]} : vector<512x512xf32> to vector<512x128xf32>
    %sub3A_577 = arith.subf %add3A_575, %slice3A_576 : vector<512x128xf32>
    %lt3A_578 = arith.cmpf olt, %sub3A_577, %select_n3A_565 : vector<512x128xf32>
    %select_n3A_579 = arith.select %lt3A_578, %sub3A_577, %select_n3A_565 : vector<512x128xi1>, vector<512x128xf32>
    %add3A_580 = arith.constant 4.736000e+03 : f32
    %add3A_581 = vector.broadcast %add3A_580 : f32 to vector<512x128xf32>
    %add3A_582 = arith.addf %convert_element_type3A, %add3A_581 : vector<512x128xf32>
    %select_n3A_583 = arith.select %lt3A_578, %add3A_582, %select_n3A_569 : vector<512x128xi1>, vector<512x128xf32>
    %get3A_584 = arith.constant 0 : index
    %get3A_585 = arith.constant 4864 : index
    %get3A_586 = vector.load %arg3[%get3A_584, %get3A_585] : memref<1x8192xf32, #tpu.memory_space<vmem>>, vector<1x128xf32>
    %add3A_587 = vector.broadcast %get3A_4 : vector<512x1xf32> to vector<512x128xf32>
    %add3A_588 = vector.broadcast %get3A_586 : vector<1x128xf32> to vector<512x128xf32>
    %add3A_589 = arith.addf %add3A_587, %add3A_588 : vector<512x128xf32>
    %slice3A_590 = vector.extract_strided_slice %dot_general3A_555 {offsets = [0, 256], sizes = [512, 128], strides = [1, 1]} : vector<512x512xf32> to vector<512x128xf32>
    %sub3A_591 = arith.subf %add3A_589, %slice3A_590 : vector<512x128xf32>
    %lt3A_592 = arith.cmpf olt, %sub3A_591, %select_n3A_579 : vector<512x128xf32>
    %select_n3A_593 = arith.select %lt3A_592, %sub3A_591, %select_n3A_579 : vector<512x128xi1>, vector<512x128xf32>
    %add3A_594 = arith.constant 4.864000e+03 : f32
    %add3A_595 = vector.broadcast %add3A_594 : f32 to vector<512x128xf32>
    %add3A_596 = arith.addf %convert_element_type3A, %add3A_595 : vector<512x128xf32>
    %select_n3A_597 = arith.select %lt3A_592, %add3A_596, %select_n3A_583 : vector<512x128xi1>, vector<512x128xf32>
    %get3A_598 = arith.constant 0 : index
    %get3A_599 = arith.constant 4992 : index
    %get3A_600 = vector.load %arg3[%get3A_598, %get3A_599] : memref<1x8192xf32, #tpu.memory_space<vmem>>, vector<1x128xf32>
    %add3A_601 = vector.broadcast %get3A_4 : vector<512x1xf32> to vector<512x128xf32>
    %add3A_602 = vector.broadcast %get3A_600 : vector<1x128xf32> to vector<512x128xf32>
    %add3A_603 = arith.addf %add3A_601, %add3A_602 : vector<512x128xf32>
    %slice3A_604 = vector.extract_strided_slice %dot_general3A_555 {offsets = [0, 384], sizes = [512, 128], strides = [1, 1]} : vector<512x512xf32> to vector<512x128xf32>
    %sub3A_605 = arith.subf %add3A_603, %slice3A_604 : vector<512x128xf32>
    %lt3A_606 = arith.cmpf olt, %sub3A_605, %select_n3A_593 : vector<512x128xf32>
    %select_n3A_607 = arith.select %lt3A_606, %sub3A_605, %select_n3A_593 : vector<512x128xi1>, vector<512x128xf32>
    %add3A_608 = arith.constant 4.992000e+03 : f32
    %add3A_609 = vector.broadcast %add3A_608 : f32 to vector<512x128xf32>
    %add3A_610 = arith.addf %convert_element_type3A, %add3A_609 : vector<512x128xf32>
    %select_n3A_611 = arith.select %lt3A_606, %add3A_610, %select_n3A_597 : vector<512x128xi1>, vector<512x128xf32>
    %get3A_612 = arith.constant 0 : index
    %get3A_613 = arith.constant 5120 : index
    %get3A_614 = vector.load %arg4[%get3A_612, %get3A_613] : memref<256x8192xbf16, #tpu.memory_space<vmem>>, vector<256x512xbf16>
    %dot_general3A_615 = arith.constant dense<0.000000e+00> : vector<512x512xf32>
    %dot_general3A_616 = tpu.matmul %get3A_1, %get3A_614, %dot_general3A_615 {dimension_numbers = #tpu.dot_dimension_numbers<[1], [0], [0], [1], [0, 0, 1, 1], [], []>, transpose_lhs_hint = false} : vector<512x256xbf16>, vector<256x512xbf16>, vector<512x512xf32> -> vector<512x512xf32>
    %get3A_617 = arith.constant 0 : index
    %get3A_618 = arith.constant 5120 : index
    %get3A_619 = vector.load %arg3[%get3A_617, %get3A_618] : memref<1x8192xf32, #tpu.memory_space<vmem>>, vector<1x128xf32>
    %add3A_620 = vector.broadcast %get3A_4 : vector<512x1xf32> to vector<512x128xf32>
    %add3A_621 = vector.broadcast %get3A_619 : vector<1x128xf32> to vector<512x128xf32>
    %add3A_622 = arith.addf %add3A_620, %add3A_621 : vector<512x128xf32>
    %slice3A_623 = vector.extract_strided_slice %dot_general3A_616 {offsets = [0, 0], sizes = [512, 128], strides = [1, 1]} : vector<512x512xf32> to vector<512x128xf32>
    %sub3A_624 = arith.subf %add3A_622, %slice3A_623 : vector<512x128xf32>
    %lt3A_625 = arith.cmpf olt, %sub3A_624, %select_n3A_607 : vector<512x128xf32>
    %select_n3A_626 = arith.select %lt3A_625, %sub3A_624, %select_n3A_607 : vector<512x128xi1>, vector<512x128xf32>
    %add3A_627 = arith.constant 5.120000e+03 : f32
    %add3A_628 = vector.broadcast %add3A_627 : f32 to vector<512x128xf32>
    %add3A_629 = arith.addf %convert_element_type3A, %add3A_628 : vector<512x128xf32>
    %select_n3A_630 = arith.select %lt3A_625, %add3A_629, %select_n3A_611 : vector<512x128xi1>, vector<512x128xf32>
    %get3A_631 = arith.constant 0 : index
    %get3A_632 = arith.constant 5248 : index
    %get3A_633 = vector.load %arg3[%get3A_631, %get3A_632] : memref<1x8192xf32, #tpu.memory_space<vmem>>, vector<1x128xf32>
    %add3A_634 = vector.broadcast %get3A_4 : vector<512x1xf32> to vector<512x128xf32>
    %add3A_635 = vector.broadcast %get3A_633 : vector<1x128xf32> to vector<512x128xf32>
    %add3A_636 = arith.addf %add3A_634, %add3A_635 : vector<512x128xf32>
    %slice3A_637 = vector.extract_strided_slice %dot_general3A_616 {offsets = [0, 128], sizes = [512, 128], strides = [1, 1]} : vector<512x512xf32> to vector<512x128xf32>
    %sub3A_638 = arith.subf %add3A_636, %slice3A_637 : vector<512x128xf32>
    %lt3A_639 = arith.cmpf olt, %sub3A_638, %select_n3A_626 : vector<512x128xf32>
    %select_n3A_640 = arith.select %lt3A_639, %sub3A_638, %select_n3A_626 : vector<512x128xi1>, vector<512x128xf32>
    %add3A_641 = arith.constant 5.248000e+03 : f32
    %add3A_642 = vector.broadcast %add3A_641 : f32 to vector<512x128xf32>
    %add3A_643 = arith.addf %convert_element_type3A, %add3A_642 : vector<512x128xf32>
    %select_n3A_644 = arith.select %lt3A_639, %add3A_643, %select_n3A_630 : vector<512x128xi1>, vector<512x128xf32>
    %get3A_645 = arith.constant 0 : index
    %get3A_646 = arith.constant 5376 : index
    %get3A_647 = vector.load %arg3[%get3A_645, %get3A_646] : memref<1x8192xf32, #tpu.memory_space<vmem>>, vector<1x128xf32>
    %add3A_648 = vector.broadcast %get3A_4 : vector<512x1xf32> to vector<512x128xf32>
    %add3A_649 = vector.broadcast %get3A_647 : vector<1x128xf32> to vector<512x128xf32>
    %add3A_650 = arith.addf %add3A_648, %add3A_649 : vector<512x128xf32>
    %slice3A_651 = vector.extract_strided_slice %dot_general3A_616 {offsets = [0, 256], sizes = [512, 128], strides = [1, 1]} : vector<512x512xf32> to vector<512x128xf32>
    %sub3A_652 = arith.subf %add3A_650, %slice3A_651 : vector<512x128xf32>
    %lt3A_653 = arith.cmpf olt, %sub3A_652, %select_n3A_640 : vector<512x128xf32>
    %select_n3A_654 = arith.select %lt3A_653, %sub3A_652, %select_n3A_640 : vector<512x128xi1>, vector<512x128xf32>
    %add3A_655 = arith.constant 5.376000e+03 : f32
    %add3A_656 = vector.broadcast %add3A_655 : f32 to vector<512x128xf32>
    %add3A_657 = arith.addf %convert_element_type3A, %add3A_656 : vector<512x128xf32>
    %select_n3A_658 = arith.select %lt3A_653, %add3A_657, %select_n3A_644 : vector<512x128xi1>, vector<512x128xf32>
    %get3A_659 = arith.constant 0 : index
    %get3A_660 = arith.constant 5504 : index
    %get3A_661 = vector.load %arg3[%get3A_659, %get3A_660] : memref<1x8192xf32, #tpu.memory_space<vmem>>, vector<1x128xf32>
    %add3A_662 = vector.broadcast %get3A_4 : vector<512x1xf32> to vector<512x128xf32>
    %add3A_663 = vector.broadcast %get3A_661 : vector<1x128xf32> to vector<512x128xf32>
    %add3A_664 = arith.addf %add3A_662, %add3A_663 : vector<512x128xf32>
    %slice3A_665 = vector.extract_strided_slice %dot_general3A_616 {offsets = [0, 384], sizes = [512, 128], strides = [1, 1]} : vector<512x512xf32> to vector<512x128xf32>
    %sub3A_666 = arith.subf %add3A_664, %slice3A_665 : vector<512x128xf32>
    %lt3A_667 = arith.cmpf olt, %sub3A_666, %select_n3A_654 : vector<512x128xf32>
    %select_n3A_668 = arith.select %lt3A_667, %sub3A_666, %select_n3A_654 : vector<512x128xi1>, vector<512x128xf32>
    %add3A_669 = arith.constant 5.504000e+03 : f32
    %add3A_670 = vector.broadcast %add3A_669 : f32 to vector<512x128xf32>
    %add3A_671 = arith.addf %convert_element_type3A, %add3A_670 : vector<512x128xf32>
    %select_n3A_672 = arith.select %lt3A_667, %add3A_671, %select_n3A_658 : vector<512x128xi1>, vector<512x128xf32>
    %get3A_673 = arith.constant 0 : index
    %get3A_674 = arith.constant 5632 : index
    %get3A_675 = vector.load %arg4[%get3A_673, %get3A_674] : memref<256x8192xbf16, #tpu.memory_space<vmem>>, vector<256x512xbf16>
    %dot_general3A_676 = arith.constant dense<0.000000e+00> : vector<512x512xf32>
    %dot_general3A_677 = tpu.matmul %get3A_1, %get3A_675, %dot_general3A_676 {dimension_numbers = #tpu.dot_dimension_numbers<[1], [0], [0], [1], [0, 0, 1, 1], [], []>, transpose_lhs_hint = false} : vector<512x256xbf16>, vector<256x512xbf16>, vector<512x512xf32> -> vector<512x512xf32>
    %get3A_678 = arith.constant 0 : index
    %get3A_679 = arith.constant 5632 : index
    %get3A_680 = vector.load %arg3[%get3A_678, %get3A_679] : memref<1x8192xf32, #tpu.memory_space<vmem>>, vector<1x128xf32>
    %add3A_681 = vector.broadcast %get3A_4 : vector<512x1xf32> to vector<512x128xf32>
    %add3A_682 = vector.broadcast %get3A_680 : vector<1x128xf32> to vector<512x128xf32>
    %add3A_683 = arith.addf %add3A_681, %add3A_682 : vector<512x128xf32>
    %slice3A_684 = vector.extract_strided_slice %dot_general3A_677 {offsets = [0, 0], sizes = [512, 128], strides = [1, 1]} : vector<512x512xf32> to vector<512x128xf32>
    %sub3A_685 = arith.subf %add3A_683, %slice3A_684 : vector<512x128xf32>
    %lt3A_686 = arith.cmpf olt, %sub3A_685, %select_n3A_668 : vector<512x128xf32>
    %select_n3A_687 = arith.select %lt3A_686, %sub3A_685, %select_n3A_668 : vector<512x128xi1>, vector<512x128xf32>
    %add3A_688 = arith.constant 5.632000e+03 : f32
    %add3A_689 = vector.broadcast %add3A_688 : f32 to vector<512x128xf32>
    %add3A_690 = arith.addf %convert_element_type3A, %add3A_689 : vector<512x128xf32>
    %select_n3A_691 = arith.select %lt3A_686, %add3A_690, %select_n3A_672 : vector<512x128xi1>, vector<512x128xf32>
    %get3A_692 = arith.constant 0 : index
    %get3A_693 = arith.constant 5760 : index
    %get3A_694 = vector.load %arg3[%get3A_692, %get3A_693] : memref<1x8192xf32, #tpu.memory_space<vmem>>, vector<1x128xf32>
    %add3A_695 = vector.broadcast %get3A_4 : vector<512x1xf32> to vector<512x128xf32>
    %add3A_696 = vector.broadcast %get3A_694 : vector<1x128xf32> to vector<512x128xf32>
    %add3A_697 = arith.addf %add3A_695, %add3A_696 : vector<512x128xf32>
    %slice3A_698 = vector.extract_strided_slice %dot_general3A_677 {offsets = [0, 128], sizes = [512, 128], strides = [1, 1]} : vector<512x512xf32> to vector<512x128xf32>
    %sub3A_699 = arith.subf %add3A_697, %slice3A_698 : vector<512x128xf32>
    %lt3A_700 = arith.cmpf olt, %sub3A_699, %select_n3A_687 : vector<512x128xf32>
    %select_n3A_701 = arith.select %lt3A_700, %sub3A_699, %select_n3A_687 : vector<512x128xi1>, vector<512x128xf32>
    %add3A_702 = arith.constant 5.760000e+03 : f32
    %add3A_703 = vector.broadcast %add3A_702 : f32 to vector<512x128xf32>
    %add3A_704 = arith.addf %convert_element_type3A, %add3A_703 : vector<512x128xf32>
    %select_n3A_705 = arith.select %lt3A_700, %add3A_704, %select_n3A_691 : vector<512x128xi1>, vector<512x128xf32>
    %get3A_706 = arith.constant 0 : index
    %get3A_707 = arith.constant 5888 : index
    %get3A_708 = vector.load %arg3[%get3A_706, %get3A_707] : memref<1x8192xf32, #tpu.memory_space<vmem>>, vector<1x128xf32>
    %add3A_709 = vector.broadcast %get3A_4 : vector<512x1xf32> to vector<512x128xf32>
    %add3A_710 = vector.broadcast %get3A_708 : vector<1x128xf32> to vector<512x128xf32>
    %add3A_711 = arith.addf %add3A_709, %add3A_710 : vector<512x128xf32>
    %slice3A_712 = vector.extract_strided_slice %dot_general3A_677 {offsets = [0, 256], sizes = [512, 128], strides = [1, 1]} : vector<512x512xf32> to vector<512x128xf32>
    %sub3A_713 = arith.subf %add3A_711, %slice3A_712 : vector<512x128xf32>
    %lt3A_714 = arith.cmpf olt, %sub3A_713, %select_n3A_701 : vector<512x128xf32>
    %select_n3A_715 = arith.select %lt3A_714, %sub3A_713, %select_n3A_701 : vector<512x128xi1>, vector<512x128xf32>
    %add3A_716 = arith.constant 5.888000e+03 : f32
    %add3A_717 = vector.broadcast %add3A_716 : f32 to vector<512x128xf32>
    %add3A_718 = arith.addf %convert_element_type3A, %add3A_717 : vector<512x128xf32>
    %select_n3A_719 = arith.select %lt3A_714, %add3A_718, %select_n3A_705 : vector<512x128xi1>, vector<512x128xf32>
    %get3A_720 = arith.constant 0 : index
    %get3A_721 = arith.constant 6016 : index
    %get3A_722 = vector.load %arg3[%get3A_720, %get3A_721] : memref<1x8192xf32, #tpu.memory_space<vmem>>, vector<1x128xf32>
    %add3A_723 = vector.broadcast %get3A_4 : vector<512x1xf32> to vector<512x128xf32>
    %add3A_724 = vector.broadcast %get3A_722 : vector<1x128xf32> to vector<512x128xf32>
    %add3A_725 = arith.addf %add3A_723, %add3A_724 : vector<512x128xf32>
    %slice3A_726 = vector.extract_strided_slice %dot_general3A_677 {offsets = [0, 384], sizes = [512, 128], strides = [1, 1]} : vector<512x512xf32> to vector<512x128xf32>
    %sub3A_727 = arith.subf %add3A_725, %slice3A_726 : vector<512x128xf32>
    %lt3A_728 = arith.cmpf olt, %sub3A_727, %select_n3A_715 : vector<512x128xf32>
    %select_n3A_729 = arith.select %lt3A_728, %sub3A_727, %select_n3A_715 : vector<512x128xi1>, vector<512x128xf32>
    %add3A_730 = arith.constant 6.016000e+03 : f32
    %add3A_731 = vector.broadcast %add3A_730 : f32 to vector<512x128xf32>
    %add3A_732 = arith.addf %convert_element_type3A, %add3A_731 : vector<512x128xf32>
    %select_n3A_733 = arith.select %lt3A_728, %add3A_732, %select_n3A_719 : vector<512x128xi1>, vector<512x128xf32>
    %get3A_734 = arith.constant 0 : index
    %get3A_735 = arith.constant 6144 : index
    %get3A_736 = vector.load %arg4[%get3A_734, %get3A_735] : memref<256x8192xbf16, #tpu.memory_space<vmem>>, vector<256x512xbf16>
    %dot_general3A_737 = arith.constant dense<0.000000e+00> : vector<512x512xf32>
    %dot_general3A_738 = tpu.matmul %get3A_1, %get3A_736, %dot_general3A_737 {dimension_numbers = #tpu.dot_dimension_numbers<[1], [0], [0], [1], [0, 0, 1, 1], [], []>, transpose_lhs_hint = false} : vector<512x256xbf16>, vector<256x512xbf16>, vector<512x512xf32> -> vector<512x512xf32>
    %get3A_739 = arith.constant 0 : index
    %get3A_740 = arith.constant 6144 : index
    %get3A_741 = vector.load %arg3[%get3A_739, %get3A_740] : memref<1x8192xf32, #tpu.memory_space<vmem>>, vector<1x128xf32>
    %add3A_742 = vector.broadcast %get3A_4 : vector<512x1xf32> to vector<512x128xf32>
    %add3A_743 = vector.broadcast %get3A_741 : vector<1x128xf32> to vector<512x128xf32>
    %add3A_744 = arith.addf %add3A_742, %add3A_743 : vector<512x128xf32>
    %slice3A_745 = vector.extract_strided_slice %dot_general3A_738 {offsets = [0, 0], sizes = [512, 128], strides = [1, 1]} : vector<512x512xf32> to vector<512x128xf32>
    %sub3A_746 = arith.subf %add3A_744, %slice3A_745 : vector<512x128xf32>
    %lt3A_747 = arith.cmpf olt, %sub3A_746, %select_n3A_729 : vector<512x128xf32>
    %select_n3A_748 = arith.select %lt3A_747, %sub3A_746, %select_n3A_729 : vector<512x128xi1>, vector<512x128xf32>
    %add3A_749 = arith.constant 6.144000e+03 : f32
    %add3A_750 = vector.broadcast %add3A_749 : f32 to vector<512x128xf32>
    %add3A_751 = arith.addf %convert_element_type3A, %add3A_750 : vector<512x128xf32>
    %select_n3A_752 = arith.select %lt3A_747, %add3A_751, %select_n3A_733 : vector<512x128xi1>, vector<512x128xf32>
    %get3A_753 = arith.constant 0 : index
    %get3A_754 = arith.constant 6272 : index
    %get3A_755 = vector.load %arg3[%get3A_753, %get3A_754] : memref<1x8192xf32, #tpu.memory_space<vmem>>, vector<1x128xf32>
    %add3A_756 = vector.broadcast %get3A_4 : vector<512x1xf32> to vector<512x128xf32>
    %add3A_757 = vector.broadcast %get3A_755 : vector<1x128xf32> to vector<512x128xf32>
    %add3A_758 = arith.addf %add3A_756, %add3A_757 : vector<512x128xf32>
    %slice3A_759 = vector.extract_strided_slice %dot_general3A_738 {offsets = [0, 128], sizes = [512, 128], strides = [1, 1]} : vector<512x512xf32> to vector<512x128xf32>
    %sub3A_760 = arith.subf %add3A_758, %slice3A_759 : vector<512x128xf32>
    %lt3A_761 = arith.cmpf olt, %sub3A_760, %select_n3A_748 : vector<512x128xf32>
    %select_n3A_762 = arith.select %lt3A_761, %sub3A_760, %select_n3A_748 : vector<512x128xi1>, vector<512x128xf32>
    %add3A_763 = arith.constant 6.272000e+03 : f32
    %add3A_764 = vector.broadcast %add3A_763 : f32 to vector<512x128xf32>
    %add3A_765 = arith.addf %convert_element_type3A, %add3A_764 : vector<512x128xf32>
    %select_n3A_766 = arith.select %lt3A_761, %add3A_765, %select_n3A_752 : vector<512x128xi1>, vector<512x128xf32>
    %get3A_767 = arith.constant 0 : index
    %get3A_768 = arith.constant 6400 : index
    %get3A_769 = vector.load %arg3[%get3A_767, %get3A_768] : memref<1x8192xf32, #tpu.memory_space<vmem>>, vector<1x128xf32>
    %add3A_770 = vector.broadcast %get3A_4 : vector<512x1xf32> to vector<512x128xf32>
    %add3A_771 = vector.broadcast %get3A_769 : vector<1x128xf32> to vector<512x128xf32>
    %add3A_772 = arith.addf %add3A_770, %add3A_771 : vector<512x128xf32>
    %slice3A_773 = vector.extract_strided_slice %dot_general3A_738 {offsets = [0, 256], sizes = [512, 128], strides = [1, 1]} : vector<512x512xf32> to vector<512x128xf32>
    %sub3A_774 = arith.subf %add3A_772, %slice3A_773 : vector<512x128xf32>
    %lt3A_775 = arith.cmpf olt, %sub3A_774, %select_n3A_762 : vector<512x128xf32>
    %select_n3A_776 = arith.select %lt3A_775, %sub3A_774, %select_n3A_762 : vector<512x128xi1>, vector<512x128xf32>
    %add3A_777 = arith.constant 6.400000e+03 : f32
    %add3A_778 = vector.broadcast %add3A_777 : f32 to vector<512x128xf32>
    %add3A_779 = arith.addf %convert_element_type3A, %add3A_778 : vector<512x128xf32>
    %select_n3A_780 = arith.select %lt3A_775, %add3A_779, %select_n3A_766 : vector<512x128xi1>, vector<512x128xf32>
    %get3A_781 = arith.constant 0 : index
    %get3A_782 = arith.constant 6528 : index
    %get3A_783 = vector.load %arg3[%get3A_781, %get3A_782] : memref<1x8192xf32, #tpu.memory_space<vmem>>, vector<1x128xf32>
    %add3A_784 = vector.broadcast %get3A_4 : vector<512x1xf32> to vector<512x128xf32>
    %add3A_785 = vector.broadcast %get3A_783 : vector<1x128xf32> to vector<512x128xf32>
    %add3A_786 = arith.addf %add3A_784, %add3A_785 : vector<512x128xf32>
    %slice3A_787 = vector.extract_strided_slice %dot_general3A_738 {offsets = [0, 384], sizes = [512, 128], strides = [1, 1]} : vector<512x512xf32> to vector<512x128xf32>
    %sub3A_788 = arith.subf %add3A_786, %slice3A_787 : vector<512x128xf32>
    %lt3A_789 = arith.cmpf olt, %sub3A_788, %select_n3A_776 : vector<512x128xf32>
    %select_n3A_790 = arith.select %lt3A_789, %sub3A_788, %select_n3A_776 : vector<512x128xi1>, vector<512x128xf32>
    %add3A_791 = arith.constant 6.528000e+03 : f32
    %add3A_792 = vector.broadcast %add3A_791 : f32 to vector<512x128xf32>
    %add3A_793 = arith.addf %convert_element_type3A, %add3A_792 : vector<512x128xf32>
    %select_n3A_794 = arith.select %lt3A_789, %add3A_793, %select_n3A_780 : vector<512x128xi1>, vector<512x128xf32>
    %get3A_795 = arith.constant 0 : index
    %get3A_796 = arith.constant 6656 : index
    %get3A_797 = vector.load %arg4[%get3A_795, %get3A_796] : memref<256x8192xbf16, #tpu.memory_space<vmem>>, vector<256x512xbf16>
    %dot_general3A_798 = arith.constant dense<0.000000e+00> : vector<512x512xf32>
    %dot_general3A_799 = tpu.matmul %get3A_1, %get3A_797, %dot_general3A_798 {dimension_numbers = #tpu.dot_dimension_numbers<[1], [0], [0], [1], [0, 0, 1, 1], [], []>, transpose_lhs_hint = false} : vector<512x256xbf16>, vector<256x512xbf16>, vector<512x512xf32> -> vector<512x512xf32>
    %get3A_800 = arith.constant 0 : index
    %get3A_801 = arith.constant 6656 : index
    %get3A_802 = vector.load %arg3[%get3A_800, %get3A_801] : memref<1x8192xf32, #tpu.memory_space<vmem>>, vector<1x128xf32>
    %add3A_803 = vector.broadcast %get3A_4 : vector<512x1xf32> to vector<512x128xf32>
    %add3A_804 = vector.broadcast %get3A_802 : vector<1x128xf32> to vector<512x128xf32>
    %add3A_805 = arith.addf %add3A_803, %add3A_804 : vector<512x128xf32>
    %slice3A_806 = vector.extract_strided_slice %dot_general3A_799 {offsets = [0, 0], sizes = [512, 128], strides = [1, 1]} : vector<512x512xf32> to vector<512x128xf32>
    %sub3A_807 = arith.subf %add3A_805, %slice3A_806 : vector<512x128xf32>
    %lt3A_808 = arith.cmpf olt, %sub3A_807, %select_n3A_790 : vector<512x128xf32>
    %select_n3A_809 = arith.select %lt3A_808, %sub3A_807, %select_n3A_790 : vector<512x128xi1>, vector<512x128xf32>
    %add3A_810 = arith.constant 6.656000e+03 : f32
    %add3A_811 = vector.broadcast %add3A_810 : f32 to vector<512x128xf32>
    %add3A_812 = arith.addf %convert_element_type3A, %add3A_811 : vector<512x128xf32>
    %select_n3A_813 = arith.select %lt3A_808, %add3A_812, %select_n3A_794 : vector<512x128xi1>, vector<512x128xf32>
    %get3A_814 = arith.constant 0 : index
    %get3A_815 = arith.constant 6784 : index
    %get3A_816 = vector.load %arg3[%get3A_814, %get3A_815] : memref<1x8192xf32, #tpu.memory_space<vmem>>, vector<1x128xf32>
    %add3A_817 = vector.broadcast %get3A_4 : vector<512x1xf32> to vector<512x128xf32>
    %add3A_818 = vector.broadcast %get3A_816 : vector<1x128xf32> to vector<512x128xf32>
    %add3A_819 = arith.addf %add3A_817, %add3A_818 : vector<512x128xf32>
    %slice3A_820 = vector.extract_strided_slice %dot_general3A_799 {offsets = [0, 128], sizes = [512, 128], strides = [1, 1]} : vector<512x512xf32> to vector<512x128xf32>
    %sub3A_821 = arith.subf %add3A_819, %slice3A_820 : vector<512x128xf32>
    %lt3A_822 = arith.cmpf olt, %sub3A_821, %select_n3A_809 : vector<512x128xf32>
    %select_n3A_823 = arith.select %lt3A_822, %sub3A_821, %select_n3A_809 : vector<512x128xi1>, vector<512x128xf32>
    %add3A_824 = arith.constant 6.784000e+03 : f32
    %add3A_825 = vector.broadcast %add3A_824 : f32 to vector<512x128xf32>
    %add3A_826 = arith.addf %convert_element_type3A, %add3A_825 : vector<512x128xf32>
    %select_n3A_827 = arith.select %lt3A_822, %add3A_826, %select_n3A_813 : vector<512x128xi1>, vector<512x128xf32>
    %get3A_828 = arith.constant 0 : index
    %get3A_829 = arith.constant 6912 : index
    %get3A_830 = vector.load %arg3[%get3A_828, %get3A_829] : memref<1x8192xf32, #tpu.memory_space<vmem>>, vector<1x128xf32>
    %add3A_831 = vector.broadcast %get3A_4 : vector<512x1xf32> to vector<512x128xf32>
    %add3A_832 = vector.broadcast %get3A_830 : vector<1x128xf32> to vector<512x128xf32>
    %add3A_833 = arith.addf %add3A_831, %add3A_832 : vector<512x128xf32>
    %slice3A_834 = vector.extract_strided_slice %dot_general3A_799 {offsets = [0, 256], sizes = [512, 128], strides = [1, 1]} : vector<512x512xf32> to vector<512x128xf32>
    %sub3A_835 = arith.subf %add3A_833, %slice3A_834 : vector<512x128xf32>
    %lt3A_836 = arith.cmpf olt, %sub3A_835, %select_n3A_823 : vector<512x128xf32>
    %select_n3A_837 = arith.select %lt3A_836, %sub3A_835, %select_n3A_823 : vector<512x128xi1>, vector<512x128xf32>
    %add3A_838 = arith.constant 6.912000e+03 : f32
    %add3A_839 = vector.broadcast %add3A_838 : f32 to vector<512x128xf32>
    %add3A_840 = arith.addf %convert_element_type3A, %add3A_839 : vector<512x128xf32>
    %select_n3A_841 = arith.select %lt3A_836, %add3A_840, %select_n3A_827 : vector<512x128xi1>, vector<512x128xf32>
    %get3A_842 = arith.constant 0 : index
    %get3A_843 = arith.constant 7040 : index
    %get3A_844 = vector.load %arg3[%get3A_842, %get3A_843] : memref<1x8192xf32, #tpu.memory_space<vmem>>, vector<1x128xf32>
    %add3A_845 = vector.broadcast %get3A_4 : vector<512x1xf32> to vector<512x128xf32>
    %add3A_846 = vector.broadcast %get3A_844 : vector<1x128xf32> to vector<512x128xf32>
    %add3A_847 = arith.addf %add3A_845, %add3A_846 : vector<512x128xf32>
    %slice3A_848 = vector.extract_strided_slice %dot_general3A_799 {offsets = [0, 384], sizes = [512, 128], strides = [1, 1]} : vector<512x512xf32> to vector<512x128xf32>
    %sub3A_849 = arith.subf %add3A_847, %slice3A_848 : vector<512x128xf32>
    %lt3A_850 = arith.cmpf olt, %sub3A_849, %select_n3A_837 : vector<512x128xf32>
    %select_n3A_851 = arith.select %lt3A_850, %sub3A_849, %select_n3A_837 : vector<512x128xi1>, vector<512x128xf32>
    %add3A_852 = arith.constant 7.040000e+03 : f32
    %add3A_853 = vector.broadcast %add3A_852 : f32 to vector<512x128xf32>
    %add3A_854 = arith.addf %convert_element_type3A, %add3A_853 : vector<512x128xf32>
    %select_n3A_855 = arith.select %lt3A_850, %add3A_854, %select_n3A_841 : vector<512x128xi1>, vector<512x128xf32>
    %get3A_856 = arith.constant 0 : index
    %get3A_857 = arith.constant 7168 : index
    %get3A_858 = vector.load %arg4[%get3A_856, %get3A_857] : memref<256x8192xbf16, #tpu.memory_space<vmem>>, vector<256x512xbf16>
    %dot_general3A_859 = arith.constant dense<0.000000e+00> : vector<512x512xf32>
    %dot_general3A_860 = tpu.matmul %get3A_1, %get3A_858, %dot_general3A_859 {dimension_numbers = #tpu.dot_dimension_numbers<[1], [0], [0], [1], [0, 0, 1, 1], [], []>, transpose_lhs_hint = false} : vector<512x256xbf16>, vector<256x512xbf16>, vector<512x512xf32> -> vector<512x512xf32>
    %get3A_861 = arith.constant 0 : index
    %get3A_862 = arith.constant 7168 : index
    %get3A_863 = vector.load %arg3[%get3A_861, %get3A_862] : memref<1x8192xf32, #tpu.memory_space<vmem>>, vector<1x128xf32>
    %add3A_864 = vector.broadcast %get3A_4 : vector<512x1xf32> to vector<512x128xf32>
    %add3A_865 = vector.broadcast %get3A_863 : vector<1x128xf32> to vector<512x128xf32>
    %add3A_866 = arith.addf %add3A_864, %add3A_865 : vector<512x128xf32>
    %slice3A_867 = vector.extract_strided_slice %dot_general3A_860 {offsets = [0, 0], sizes = [512, 128], strides = [1, 1]} : vector<512x512xf32> to vector<512x128xf32>
    %sub3A_868 = arith.subf %add3A_866, %slice3A_867 : vector<512x128xf32>
    %lt3A_869 = arith.cmpf olt, %sub3A_868, %select_n3A_851 : vector<512x128xf32>
    %select_n3A_870 = arith.select %lt3A_869, %sub3A_868, %select_n3A_851 : vector<512x128xi1>, vector<512x128xf32>
    %add3A_871 = arith.constant 7.168000e+03 : f32
    %add3A_872 = vector.broadcast %add3A_871 : f32 to vector<512x128xf32>
    %add3A_873 = arith.addf %convert_element_type3A, %add3A_872 : vector<512x128xf32>
    %select_n3A_874 = arith.select %lt3A_869, %add3A_873, %select_n3A_855 : vector<512x128xi1>, vector<512x128xf32>
    %get3A_875 = arith.constant 0 : index
    %get3A_876 = arith.constant 7296 : index
    %get3A_877 = vector.load %arg3[%get3A_875, %get3A_876] : memref<1x8192xf32, #tpu.memory_space<vmem>>, vector<1x128xf32>
    %add3A_878 = vector.broadcast %get3A_4 : vector<512x1xf32> to vector<512x128xf32>
    %add3A_879 = vector.broadcast %get3A_877 : vector<1x128xf32> to vector<512x128xf32>
    %add3A_880 = arith.addf %add3A_878, %add3A_879 : vector<512x128xf32>
    %slice3A_881 = vector.extract_strided_slice %dot_general3A_860 {offsets = [0, 128], sizes = [512, 128], strides = [1, 1]} : vector<512x512xf32> to vector<512x128xf32>
    %sub3A_882 = arith.subf %add3A_880, %slice3A_881 : vector<512x128xf32>
    %lt3A_883 = arith.cmpf olt, %sub3A_882, %select_n3A_870 : vector<512x128xf32>
    %select_n3A_884 = arith.select %lt3A_883, %sub3A_882, %select_n3A_870 : vector<512x128xi1>, vector<512x128xf32>
    %add3A_885 = arith.constant 7.296000e+03 : f32
    %add3A_886 = vector.broadcast %add3A_885 : f32 to vector<512x128xf32>
    %add3A_887 = arith.addf %convert_element_type3A, %add3A_886 : vector<512x128xf32>
    %select_n3A_888 = arith.select %lt3A_883, %add3A_887, %select_n3A_874 : vector<512x128xi1>, vector<512x128xf32>
    %get3A_889 = arith.constant 0 : index
    %get3A_890 = arith.constant 7424 : index
    %get3A_891 = vector.load %arg3[%get3A_889, %get3A_890] : memref<1x8192xf32, #tpu.memory_space<vmem>>, vector<1x128xf32>
    %add3A_892 = vector.broadcast %get3A_4 : vector<512x1xf32> to vector<512x128xf32>
    %add3A_893 = vector.broadcast %get3A_891 : vector<1x128xf32> to vector<512x128xf32>
    %add3A_894 = arith.addf %add3A_892, %add3A_893 : vector<512x128xf32>
    %slice3A_895 = vector.extract_strided_slice %dot_general3A_860 {offsets = [0, 256], sizes = [512, 128], strides = [1, 1]} : vector<512x512xf32> to vector<512x128xf32>
    %sub3A_896 = arith.subf %add3A_894, %slice3A_895 : vector<512x128xf32>
    %lt3A_897 = arith.cmpf olt, %sub3A_896, %select_n3A_884 : vector<512x128xf32>
    %select_n3A_898 = arith.select %lt3A_897, %sub3A_896, %select_n3A_884 : vector<512x128xi1>, vector<512x128xf32>
    %add3A_899 = arith.constant 7.424000e+03 : f32
    %add3A_900 = vector.broadcast %add3A_899 : f32 to vector<512x128xf32>
    %add3A_901 = arith.addf %convert_element_type3A, %add3A_900 : vector<512x128xf32>
    %select_n3A_902 = arith.select %lt3A_897, %add3A_901, %select_n3A_888 : vector<512x128xi1>, vector<512x128xf32>
    %get3A_903 = arith.constant 0 : index
    %get3A_904 = arith.constant 7552 : index
    %get3A_905 = vector.load %arg3[%get3A_903, %get3A_904] : memref<1x8192xf32, #tpu.memory_space<vmem>>, vector<1x128xf32>
    %add3A_906 = vector.broadcast %get3A_4 : vector<512x1xf32> to vector<512x128xf32>
    %add3A_907 = vector.broadcast %get3A_905 : vector<1x128xf32> to vector<512x128xf32>
    %add3A_908 = arith.addf %add3A_906, %add3A_907 : vector<512x128xf32>
    %slice3A_909 = vector.extract_strided_slice %dot_general3A_860 {offsets = [0, 384], sizes = [512, 128], strides = [1, 1]} : vector<512x512xf32> to vector<512x128xf32>
    %sub3A_910 = arith.subf %add3A_908, %slice3A_909 : vector<512x128xf32>
    %lt3A_911 = arith.cmpf olt, %sub3A_910, %select_n3A_898 : vector<512x128xf32>
    %select_n3A_912 = arith.select %lt3A_911, %sub3A_910, %select_n3A_898 : vector<512x128xi1>, vector<512x128xf32>
    %add3A_913 = arith.constant 7.552000e+03 : f32
    %add3A_914 = vector.broadcast %add3A_913 : f32 to vector<512x128xf32>
    %add3A_915 = arith.addf %convert_element_type3A, %add3A_914 : vector<512x128xf32>
    %select_n3A_916 = arith.select %lt3A_911, %add3A_915, %select_n3A_902 : vector<512x128xi1>, vector<512x128xf32>
    %get3A_917 = arith.constant 0 : index
    %get3A_918 = arith.constant 7680 : index
    %get3A_919 = vector.load %arg4[%get3A_917, %get3A_918] : memref<256x8192xbf16, #tpu.memory_space<vmem>>, vector<256x512xbf16>
    %dot_general3A_920 = arith.constant dense<0.000000e+00> : vector<512x512xf32>
    %dot_general3A_921 = tpu.matmul %get3A_1, %get3A_919, %dot_general3A_920 {dimension_numbers = #tpu.dot_dimension_numbers<[1], [0], [0], [1], [0, 0, 1, 1], [], []>, transpose_lhs_hint = false} : vector<512x256xbf16>, vector<256x512xbf16>, vector<512x512xf32> -> vector<512x512xf32>
    %get3A_922 = arith.constant 0 : index
    %get3A_923 = arith.constant 7680 : index
    %get3A_924 = vector.load %arg3[%get3A_922, %get3A_923] : memref<1x8192xf32, #tpu.memory_space<vmem>>, vector<1x128xf32>
    %add3A_925 = vector.broadcast %get3A_4 : vector<512x1xf32> to vector<512x128xf32>
    %add3A_926 = vector.broadcast %get3A_924 : vector<1x128xf32> to vector<512x128xf32>
    %add3A_927 = arith.addf %add3A_925, %add3A_926 : vector<512x128xf32>
    %slice3A_928 = vector.extract_strided_slice %dot_general3A_921 {offsets = [0, 0], sizes = [512, 128], strides = [1, 1]} : vector<512x512xf32> to vector<512x128xf32>
    %sub3A_929 = arith.subf %add3A_927, %slice3A_928 : vector<512x128xf32>
    %lt3A_930 = arith.cmpf olt, %sub3A_929, %select_n3A_912 : vector<512x128xf32>
    %select_n3A_931 = arith.select %lt3A_930, %sub3A_929, %select_n3A_912 : vector<512x128xi1>, vector<512x128xf32>
    %add3A_932 = arith.constant 7.680000e+03 : f32
    %add3A_933 = vector.broadcast %add3A_932 : f32 to vector<512x128xf32>
    %add3A_934 = arith.addf %convert_element_type3A, %add3A_933 : vector<512x128xf32>
    %select_n3A_935 = arith.select %lt3A_930, %add3A_934, %select_n3A_916 : vector<512x128xi1>, vector<512x128xf32>
    %get3A_936 = arith.constant 0 : index
    %get3A_937 = arith.constant 7808 : index
    %get3A_938 = vector.load %arg3[%get3A_936, %get3A_937] : memref<1x8192xf32, #tpu.memory_space<vmem>>, vector<1x128xf32>
    %add3A_939 = vector.broadcast %get3A_4 : vector<512x1xf32> to vector<512x128xf32>
    %add3A_940 = vector.broadcast %get3A_938 : vector<1x128xf32> to vector<512x128xf32>
    %add3A_941 = arith.addf %add3A_939, %add3A_940 : vector<512x128xf32>
    %slice3A_942 = vector.extract_strided_slice %dot_general3A_921 {offsets = [0, 128], sizes = [512, 128], strides = [1, 1]} : vector<512x512xf32> to vector<512x128xf32>
    %sub3A_943 = arith.subf %add3A_941, %slice3A_942 : vector<512x128xf32>
    %lt3A_944 = arith.cmpf olt, %sub3A_943, %select_n3A_931 : vector<512x128xf32>
    %select_n3A_945 = arith.select %lt3A_944, %sub3A_943, %select_n3A_931 : vector<512x128xi1>, vector<512x128xf32>
    %add3A_946 = arith.constant 7.808000e+03 : f32
    %add3A_947 = vector.broadcast %add3A_946 : f32 to vector<512x128xf32>
    %add3A_948 = arith.addf %convert_element_type3A, %add3A_947 : vector<512x128xf32>
    %select_n3A_949 = arith.select %lt3A_944, %add3A_948, %select_n3A_935 : vector<512x128xi1>, vector<512x128xf32>
    %get3A_950 = arith.constant 0 : index
    %get3A_951 = arith.constant 7936 : index
    %get3A_952 = vector.load %arg3[%get3A_950, %get3A_951] : memref<1x8192xf32, #tpu.memory_space<vmem>>, vector<1x128xf32>
    %add3A_953 = vector.broadcast %get3A_4 : vector<512x1xf32> to vector<512x128xf32>
    %add3A_954 = vector.broadcast %get3A_952 : vector<1x128xf32> to vector<512x128xf32>
    %add3A_955 = arith.addf %add3A_953, %add3A_954 : vector<512x128xf32>
    %slice3A_956 = vector.extract_strided_slice %dot_general3A_921 {offsets = [0, 256], sizes = [512, 128], strides = [1, 1]} : vector<512x512xf32> to vector<512x128xf32>
    %sub3A_957 = arith.subf %add3A_955, %slice3A_956 : vector<512x128xf32>
    %lt3A_958 = arith.cmpf olt, %sub3A_957, %select_n3A_945 : vector<512x128xf32>
    %select_n3A_959 = arith.select %lt3A_958, %sub3A_957, %select_n3A_945 : vector<512x128xi1>, vector<512x128xf32>
    %add3A_960 = arith.constant 7.936000e+03 : f32
    %add3A_961 = vector.broadcast %add3A_960 : f32 to vector<512x128xf32>
    %add3A_962 = arith.addf %convert_element_type3A, %add3A_961 : vector<512x128xf32>
    %select_n3A_963 = arith.select %lt3A_958, %add3A_962, %select_n3A_949 : vector<512x128xi1>, vector<512x128xf32>
    %get3A_964 = arith.constant 0 : index
    %get3A_965 = arith.constant 8064 : index
    %get3A_966 = vector.load %arg3[%get3A_964, %get3A_965] : memref<1x8192xf32, #tpu.memory_space<vmem>>, vector<1x128xf32>
    %add3A_967 = vector.broadcast %get3A_4 : vector<512x1xf32> to vector<512x128xf32>
    %add3A_968 = vector.broadcast %get3A_966 : vector<1x128xf32> to vector<512x128xf32>
    %add3A_969 = arith.addf %add3A_967, %add3A_968 : vector<512x128xf32>
    %slice3A_970 = vector.extract_strided_slice %dot_general3A_921 {offsets = [0, 384], sizes = [512, 128], strides = [1, 1]} : vector<512x512xf32> to vector<512x128xf32>
    %sub3A_971 = arith.subf %add3A_969, %slice3A_970 : vector<512x128xf32>
    %lt3A_972 = arith.cmpf olt, %sub3A_971, %select_n3A_959 : vector<512x128xf32>
    %select_n3A_973 = arith.select %lt3A_972, %sub3A_971, %select_n3A_959 : vector<512x128xi1>, vector<512x128xf32>
    %add3A_974 = arith.constant 8.064000e+03 : f32
    %add3A_975 = vector.broadcast %add3A_974 : f32 to vector<512x128xf32>
    %add3A_976 = arith.addf %convert_element_type3A, %add3A_975 : vector<512x128xf32>
    %select_n3A_977 = arith.select %lt3A_972, %add3A_976, %select_n3A_963 : vector<512x128xi1>, vector<512x128xf32>
    %reduce_min3A = arith.constant dense<0x7F800000> : vector<512xf32>
    %reduce_min3A_978 = vector.multi_reduction <minimumf>, %select_n3A_973, %reduce_min3A [1] : vector<512x128xf32> to vector<512xf32>
    %broadcast_in_dim3A_979 = vector.shape_cast %reduce_min3A_978 : vector<512xf32> to vector<512x1xf32>
    %eq3A = vector.broadcast %broadcast_in_dim3A_979 : vector<512x1xf32> to vector<512x128xf32>
    %eq3A_980 = arith.cmpf oeq, %select_n3A_973, %eq3A : vector<512x128xf32>
    %jit3A = arith.constant 8.192000e+03 : f32
    %broadcast_in_dim3A_981 = vector.broadcast %jit3A : f32 to vector<512x128xf32>
    %select_n3A_982 = arith.select %eq3A_980, %select_n3A_977, %broadcast_in_dim3A_981 : vector<512x128xi1>, vector<512x128xf32>
    %reduce_min3A_983 = arith.constant dense<0x7F800000> : vector<512xf32>
    %reduce_min3A_984 = vector.multi_reduction <minimumf>, %select_n3A_982, %reduce_min3A_983 [1] : vector<512x128xf32> to vector<512xf32>
    %broadcast_in_dim3A_985 = vector.shape_cast %reduce_min3A_984 : vector<512xf32> to vector<512x1xf32>
    %convert_element_type3A_986 = arith.fptosi %broadcast_in_dim3A_985 : vector<512x1xf32> to vector<512x1xi32>
    %swap3A = arith.constant 0 : index
    %swap3A_987 = arith.constant 0 : index
    %swap3A_988 = vector.load %arg5[%swap3A, %swap3A_987] : memref<512x1xi32, #tpu.memory_space<vmem>>, vector<512x1xi32>
    tpu.vector_store %arg5[%swap3A, %swap3A_987], %convert_element_type3A_986 {strides = array<i32>} : memref<512x1xi32, #tpu.memory_space<vmem>>, vector<512x1xi32>,
    %reduce_sum3A = vector.shape_cast %broadcast_in_dim3A_979 : vector<512x1xf32> to vector<1x512x1xf32>
    %reduce_sum3A_989 = arith.constant dense<0.000000e+00> : vector<1xf32>
    %reduce_sum3A_990 = vector.multi_reduction <add>, %reduce_sum3A, %reduce_sum3A_989 [1, 2] : vector<1x512x1xf32> to vector<1xf32>
    %reduce_sum3A_991 = vector.shape_cast %reduce_sum3A_990 : vector<1xf32> to vector<1x1x1xf32>
    %reduce_sum3A_992 = vector.extract %reduce_sum3A_991[0, 0, 0] : f32 from vector<1x1x1xf32>
    %reshape3A = vector.broadcast %reduce_sum3A_992 : f32 to vector<1x1xf32>
    %eq3A_993 = arith.constant 0 : i32
    %eq3A_994 = arith.cmpi eq, %arg0, %eq3A_993 : i32
    %convert_element_type3A_995 = arith.extui %eq3A_994 : i1 to i32
    %cond3A = arith.constant 0 : i32
    %cond3A_996 = arith.cmpi ne, %convert_element_type3A_995, %cond3A : i32
    scf.if %cond3A_996 {
      %swap3A_1001 = arith.constant 0 : index
      %swap3A_1002 = arith.constant 0 : index
      %swap3A_1003 = vector.load %arg6[%swap3A_1001, %swap3A_1002] : memref<1x1xf32, #tpu.memory_space<vmem>>, vector<1x1xf32>
      tpu.vector_store %arg6[%swap3A_1001, %swap3A_1002], %reshape3A {strides = array<i32>} : memref<1x1xf32, #tpu.memory_space<vmem>>, vector<1x1xf32>,
    } else {
    }
    %ne3A = arith.constant 0 : i32
    %ne3A_997 = arith.cmpi ne, %arg0, %ne3A : i32
    %convert_element_type3A_998 = arith.extui %ne3A_997 : i1 to i32
    %cond3A_999 = arith.constant 0 : i32
    %cond3A_1000 = arith.cmpi ne, %convert_element_type3A_998, %cond3A_999 : i32
    scf.if %cond3A_1000 {
      %get3A_1001 = arith.constant 0 : index
      %get3A_1002 = arith.constant 0 : index
      %get3A_1003 = vector.load %arg6[%get3A_1001, %get3A_1002] : memref<1x1xf32, #tpu.memory_space<vmem>>, vector<1x1xf32>
      %add3A_1004 = arith.addf %get3A_1003, %reshape3A : vector<1x1xf32>
      %swap3A_1005 = arith.constant 0 : index
      %swap3A_1006 = arith.constant 0 : index
      %swap3A_1007 = vector.load %arg6[%swap3A_1005, %swap3A_1006] : memref<1x1xf32, #tpu.memory_space<vmem>>, vector<1x1xf32>
      tpu.vector_store %arg6[%swap3A_1005, %swap3A_1006], %add3A_1004 {strides = array<i32>} : memref<1x1xf32, #tpu.memory_space<vmem>>, vector<1x1xf32>,
    } else {
    }
    return
  }
  func.func @transform_0(%arg0: i32) -> (i32, i32) {
    %c0_i32 = arith.constant 0 : i32
    %c0_i32_0 = arith.constant 0 : i32
    return %arg0, %c0_i32 : i32, i32
  }
  func.func @transform_1(%arg0: i32) -> (i32, i32) {
    %c0_i32 = arith.constant 0 : i32
    %c0_i32_0 = arith.constant 0 : i32
    return %arg0, %c0_i32 : i32, i32
  }
  func.func @transform_2(%arg0: i32) -> (i32, i32) {
    %c0_i32 = arith.constant 0 : i32
    %c0_i32_0 = arith.constant 0 : i32
    %c0_i32_1 = arith.constant 0 : i32
    return %c0_i32, %c0_i32_0 : i32, i32
  }
  func.func @transform_3(%arg0: i32) -> (i32, i32) {
    %c0_i32 = arith.constant 0 : i32
    %c0_i32_0 = arith.constant 0 : i32
    %c0_i32_1 = arith.constant 0 : i32
    return %c0_i32, %c0_i32_0 : i32, i32
  }
  func.func @transform_4(%arg0: i32) -> (i32, i32) {
    %c0_i32 = arith.constant 0 : i32
    %c0_i32_0 = arith.constant 0 : i32
    return %arg0, %c0_i32 : i32, i32
  }
  func.func @transform_5(%arg0: i32) -> (i32, i32) {
    %c0_i32 = arith.constant 0 : i32
    %c0_i32_0 = arith.constant 0 : i32
    %c0_i32_1 = arith.constant 0 : i32
    return %c0_i32, %c0_i32_0 : i32, i32
  }
}

</mosaic_0001>

<sc_bundles>
// kernel: kernel.4.cloned.1.call-start
scs
__scs_entry_jumppad:
0x0: {  	(pc) =	sbr.rel $0x88, $3  }
0x1: {  	(tag) =	ssettag $0x0;
	lr =	simm.s32 $0x1  }
0x2: {  	[smem:$0x3F9F] =	sst lr;
	_ =	strace $0xD0000000  }
0x3: {  	_ = 	snop  }
0x4: {  	_ = 	snop  }
0x5: {  	_ = 	snop  }
0x6: {  	_ = 	snop  }
0x7: {  	_ = 	snop  }
__scs_overlays_trampoline_lowered:
0x8: {  	[smem:$0x3FAE] =	sst s0  }
0x9: {  	[smem:$0x3FAF] =	sst s1  }
0xa: {  	[smem:$0x3FB0] =	sst s2  }
0xb: {  	[smem:$0x3FB1] =	sst s3  }
0xc: {  	[smem:$0x3FB2] =	sst s4  }
0xd: {  	[smem:$0x3FB3] =	sst s5  }
0xe: {  	[smem:$0x3FB4] =	sst s6  }
0xf: {  	[smem:$0x3FB5] =	sst s7  }
0x10: {  	[smem:$0x3FB6] =	sst s8  }
0x11: {  	[smem:$0x3FB7] =	sst s9;
	s0 =	simm.s32 @!p0 $0x0  }
0x12: {  	s1 =	sld [smem:$0x3F9D];
	s0 =	simm.s32 @p0 $0x1  }
0x13: {  	[smem:$0x3FB8] =	sst s0;
	s0 =	simm.s32 @!p1 $0x0  }
0x14: {  	s2 =	sld [smem:$0x3F9C];
	s0 =	simm.s32 @p1 $0x1  }
0x15: {  	[smem:$0x3FB9] =	sst s0;
	s0 =	simm.s32 @!p2 $0x0  }
0x16: {  	s3 =	sld [smem:$0x3FDB];
	s0 =	simm.s32 @p2 $0x1  }
0x17: {  	s4 =	simm.s32 $0x1BF5;
	[smem:$0x3FBB] =	sst s0  }
0x18: {  	s0 =	sld [smem:$0x3F9E];
	_ =	swait.ge [sflag:s4], $0x0  }
0x19: {  	s7 =	sld [smem:$0x3F9F]  }
0x1a: {  	s8 =	sadd.s32 $0xFFFFE003, lr  }
0x1b: {  	s9 =	sadd.s32 $0xFFFFFEF7, lr;
	s5 =	simm.s32 $0xFFFFFFFF;
	p2 =	slt.u32 s8, $0xFFFFF086  }
0x1c: {  	p1 =	slt.u32 s9, $0xF7A;
	s5 =	simm.s32 @!p2 $0x0  }
0x1d: {  	s5 =	simm.s32 @p1 $0x1;
	p0 =	seq.s32 s7, s2  }
0x1e: {  	s7 =	smul.u32 @!p0 $0xF7A, s2;
	p2 =	seq.s32 @!p0 s5, $0x0  }
0x1f: {  	s9 =	smul.u32 $0xF7A, s1;
	s8 =	simm.s32 @!p0 $0x1BF5;
	p2 =	por !p2, p0  }
0x20: {  	[sflag:s8] =	ssyncset.s32 @!p0 $0xFFFFF086;
	s6 =	sadd.s32 @!p0 s3, s7;
	s7 =	simm.s32 @!p0 $0x108  }
0x21: {  	s3 =	sadd.s32 s3, s9;
	s6 =	sadd.s32 @!p0 $0x88, s6;
	s7 =	simm.s32 @p2 $0x1082  }
0x22: {  	[simem:s7], [sflag:s8] =	dma.local @!p0 [hbm:s6], $0xF7A  }
0x23: {  	s9 =	sor.u32 $0xD0000000, s2;
	s6 =	simm.s32 $0x108;
	_ =	swait.ge @!p0 [sflag:s8], $0x0  }
0x24: {  	s3 =	sadd.s32 $0x88, s3;
	s6 =	simm.s32 @!p1 $0x1082;
	[sflag:s4] =	ssyncset.s32 $0xFFFFF086  }
0x25: {  	[simem:s6], [sflag:s4] =	dma.local [hbm:s3], $0xF7A  }
0x26: {  	[smem:$0x3F9F] =	sst s1;
	(tag) =	ssettag s2;
	_ =	strace s9  }
0x27: {  	s1 =	sld [smem:$0x3FAF]  }
0x28: {  	s2 =	sld [smem:$0x3FB0]  }
0x29: {  	s4 =	sld [smem:$0x3FB2]  }
0x2a: {  	p0 =	seq.s32 s5, $0x0;
	s5 =	sld [smem:$0x3FB3]  }
0x2b: {  	s6 =	sld [smem:$0x3FB4]  }
0x2c: {  	s7 =	sld [smem:$0x3FB5]  }
0x2d: {  	s3 =	simm.s32 $0x108;
	s8 =	sld [smem:$0x3FB6]  }
0x2e: {  	s3 =	simm.s32 @!p0 $0x1082;
	s9 =	sld [smem:$0x3FB7]  }
0x2f: {  	lr =	sadd.s32 s0, s3;
	s0 =	sld [smem:$0x3FAE]  }
0x30: {  	s3 =	sld [smem:$0x3FB1]  }
0x31: {  	[smem:$0x3FBA] =	sst s10  }
0x32: {  	s10 =	sld [smem:$0x3FB8];
	_ =	sdelay $0x3  }
0x33: {  	p0 =	seq.s32 s10, $0x1;
	s10 =	sld [smem:$0x3FBA];
	_ =	sdelay $0x3  }
0x34: {  	[smem:$0x3FBA] =	sst s10  }
0x35: {  	s10 =	sld [smem:$0x3FB9];
	_ =	sdelay $0x3  }
0x36: {  	p1 =	seq.s32 s10, $0x1;
	s10 =	sld [smem:$0x3FBA];
	_ =	sdelay $0x3  }
0x37: {  	[smem:$0x3FBA] =	sst s10  }
0x38: {  	s10 =	sld [smem:$0x3FBB]  }
0x39: {  	_ = 	snop;
	(pc) =	sbr.ind lr, $3  }
0x3a: {  	_ = 	snop  }
0x3b: {  	_ = 	snop  }
0x3c: {  	p2 =	seq.s32 s10, $0x1;
	s10 =	sld [smem:$0x3FBA]  }
0x3d: {  	_ =	shalt  }
0x3e: {  	_ =	shalt  }
0x3f: {  	_ =	shalt  }
0x40: {  	_ =	shalt  }
0x41: {  	_ =	shalt  }
0x42: {  	_ =	shalt  }
0x43: {  	_ =	shalt  }
0x44: {  	_ =	shalt  }
0x45: {  	_ =	shalt  }
0x46: {  	_ =	shalt  }
0x47: {  	_ =	shalt  }
0x48: {  	_ =	shalt  }
0x49: {  	_ =	shalt  }
0x4a: {  	_ =	shalt  }
0x4b: {  	_ =	shalt  }
0x4c: {  	_ =	shalt  }
0x4d: {  	_ =	shalt  }
0x4e: {  	_ =	shalt  }
0x4f: {  	_ =	shalt  }
0x50: {  	_ =	shalt  }
0x51: {  	_ =	shalt  }
0x52: {  	_ =	shalt  }
0x53: {  	_ =	shalt  }
0x54: {  	_ =	shalt  }
0x55: {  	_ =	shalt  }
0x56: {  	_ =	shalt  }
0x57: {  	_ =	shalt  }
0x58: {  	_ =	shalt  }
0x59: {  	_ =	shalt  }
0x5a: {  	_ =	shalt  }
0x5b: {  	_ =	shalt  }
0x5c: {  	_ =	shalt  }
0x5d: {  	_ =	shalt  }
0x5e: {  	_ =	shalt  }
0x5f: {  	_ =	shalt  }
0x60: {  	_ =	shalt  }
0x61: {  	_ =	shalt  }
0x62: {  	_ =	shalt  }
0x63: {  	_ =	shalt  }
0x64: {  	_ =	shalt  }
0x65: {  	_ =	shalt  }
0x66: {  	_ =	shalt  }
0x67: {  	_ =	shalt  }
0x68: {  	_ =	shalt  }
0x69: {  	_ =	shalt  }
0x6a: {  	_ =	shalt  }
0x6b: {  	_ =	shalt  }
0x6c: {  	_ =	shalt  }
0x6d: {  	_ =	shalt  }
0x6e: {  	_ =	shalt  }
0x6f: {  	_ =	shalt  }
0x70: {  	_ =	shalt  }
0x71: {  	_ =	shalt  }
0x72: {  	_ =	shalt  }
0x73: {  	_ =	shalt  }
0x74: {  	_ =	shalt  }
0x75: {  	_ =	shalt  }
0x76: {  	_ =	shalt  }
0x77: {  	_ =	shalt  }
0x78: {  	_ =	shalt  }
0x79: {  	_ =	shalt  }
0x7a: {  	_ =	shalt  }
0x7b: {  	_ =	shalt  }
0x7c: {  	_ =	shalt  }
0x7d: {  	_ =	shalt  }
0x7e: {  	_ =	shalt  }
0x7f: {  	_ =	shalt  }
0x80: {  	_ =	shalt  }
0x81: {  	_ =	shalt  }
0x82: {  	_ =	shalt  }
0x83: {  	_ =	shalt  }
0x84: {  	_ =	shalt  }
0x85: {  	_ =	shalt  }
0x86: {  	_ =	shalt  }
0x87: {  	_ =	shalt  }
.Lfunc_end0:
.L_simem_size_0:
called_computation_lowered:
.L_overlay_start_0:
0x88: {  	s2 =	sld [smem:$0x3FD9]  }
0x89: {  	s3 =	sld [smem:$0x3FFE];
	_ =	sdelay $0x1  }
0x8a: {  	s1 =	srdreg.scid  }
0x8b: {  	s0 =	sand.u32 $0x1, s1  }
0x8c: {  	s14 =	sshll.u32 s0, $0xA;
	s2 =	sadd.s32 s3, s2  }
0x8d: {  	s2 =	sadd.s32 s2, s14  }
0x8e: {  	[smem:$0x3FC6] =	sst s2  }
0x8f: {  	_ = 	snop  }
0x90: {  	s2 =	sld [smem:$0x3FD0];
	_ =	sdelay $0x2  }
0x91: {  	s4 =	simm.s32 $0xA;
	s5 =	simm.s32 $0x10;
	s15 =	sld [smem:$0x3FC8]  }
0x92: {  	[smem:s5], [sflag:s4] =	dma.local [hbm:s2], $0x1  }
0x93: {  	_ =	swait.eq [sflag:s4], $0x1  }
0x94: {  	[sflag:s4] =	ssyncset.done $0x0  }
0x95: {  	s16 =	sld [smem:$0x10];
	[sflag:s4] =	ssyncadd.s32 $0xFFFFFFFF  }
0x96: {  	s17 =	sld [smem:$0x13];
	(tm) =	ssettm $0x1  }
0x97: {  	s18 =	sld [smem:$0x3FFB];
	_ =	sdelay $0x3  }
0x98: {  	_ =	strace s18  }
0x99: {  	s5 =	sld [smem:$0x3FFC];
	_ =	sdelay $0x3  }
0x9a: {  	_ =	strace s5  }
0x9b: {  	s5 =	sld [smem:$0x3FFD];
	_ =	sdelay $0x3  }
0x9c: {  	_ =	strace s5  }
0x9d: {  	_ =	strace $0x8FFFFFFF  }
0x9e: {  	s19 =	sld [smem:$0x3FDB];
	_ =	sdelay $0x1  }
0x9f: {  	s6 =	simm.s32 $_scs_section_size  }
0xa0: {  	s7 =	simm.s32 $_size__tile_overlayer_lowered;
	s8 =	simm.s32 $_tile_overlayer_lowered  }
0xa1: {  	s22 =	simm.s32 $0x1BFF;
	s21 =	sshll.u32 s8, $0x1;
	s5 =	sadd.s32 s6, s19  }
0xa2: {  	s9 =	simm.s32 $0x0;
	s20 =	sshll.u32 s7, $0x1;
	s7 =	sadd.s32 s21, s5  }
0xa3: {  	[timem:s9], [sflag:s22] =	dma.local [hbm:s7], s20  }
0xa4: {  	_ =	swait.ge [sflag:s22], s20  }
0xa5: {  	s6 =	ssub.s32 $0x0, s20;
	[sflag:s22] =	ssyncset.done $0x0  }
0xa6: {  	[sflag:s22] =	ssyncadd.s32 s6;
	_ =	sdelay $0x1  }
0xa7: {  	s23 =	simm.s32 $0x1B8B  }
0xa8: {  	_ =	swait.ge [sflag:s23], $0x1  }
0xa9: {  	[sflag:s23] =	ssyncset.done $0x0  }
0xaa: {  	s25 =	simm.s32 $0x1B8E;
	s24 =	sld [smem:$0x3FFE];
	[sflag:s23] =	ssyncadd.s32 $0xFFFFFFFF  }
0xab: {  	s26 =	simm.s32 $execute0_lowered;
	[smem:$0x3FD2] =	sst s25  }
0xac: {  	s7 =	sshll.u32 s26, $0x1;
	_ =	strace $0x80000046;
	[dreg:$0x1] =	wrdreg $0xFFFFFFFF  }
0xad: {  	s28 =	simm.s32 $_size_execute0_lowered;
	s5 =	sadd.s32 s5, s7;
	[dreg:$0x0] =	wrdreg $0x0  }
0xae: {  	s7 =	sshll.u32 s28, $0x1;
	[dreg:$0x2] =	wrdreg s5  }
0xaf: {  	[dreg:$0x3] =	wrdreg s7  }
0xb0: {  	[dreg:$0x4] =	wrdreg $0xC0  }
0xb1: {  	_ =	task [dreg:s9], $0x5FFFF  }
0xb2: {  	[dreg:$0x1] =	wrdreg $0xFFFFFFFF  }
0xb3: {  	[dreg:$0x0] =	wrdreg $0x60  }
0xb4: {  	[dreg:$0x2] =	wrdreg s15  }
0xb5: {  	[dreg:$0x3] =	wrdreg s17  }
0xb6: {  	[dreg:$0x4] =	wrdreg s16  }
0xb7: {  	[dreg:$0x5] =	wrdreg s24  }
0xb8: {  	[dreg:$0x6] =	wrdreg $0x109800  }
0xb9: {  	[dreg:$0x7] =	wrdreg $0x9  }
0xba: {  	_ =	task.clear_ibuf [dreg:s9], $0x8FFFF;
	_ =	strace $0x90000046  }
0xbb: {  	s29 =	simm.s32 $0x9;
	_ =	strace $0x80000048  }
0xbc: {  	_ =	swait.ge [sflag:s29], $0x1  }
0xbd: {  	[sflag:s29] =	ssyncadd.s32 $0xFFFFFFFF  }
0xbe: {  	_ =	strace $0x90000048  }
0xbf: {  	_ =	sfence  }
0xc0: {  	s30 =	sld [smem:$0x0];
	_ =	sdelay $0x2  }
0xc1: {  	s31 =	sshll.u32 s1, $0xD;
	s1 =	sshrl.u32 s1, $0x2  }
0xc2: {  	s3 =	sand.u32 $0x4000, s31;
	s1 =	sadd.s32 s1, s30  }
0xc3: {  	s0 =	sor.u32 s3, s0;
	s1 =	sshll.u32 s1, $0x11  }
0xc4: {  	s0 =	sor.u32 s1, s0  }
0xc5: {  	s0 =	sadd.s32 $0x8F2B, s0  }
0xc6: {  	[sflag:s0] =	ssyncadd.remote.s32 $0x1  }
0xc7: {  	_ =	sfence.sel $0xFFFF  }
0xc8: {  	[dreg:$0x0] =	wrdreg $0xFFFFFFFF;
	(pc) =	sbr.abs _section_cstart, $3  }
0xc9: {  	[dreg:$0x1] =	wrdreg $0xFFFFFFFF  }
0xca: {  	_ =	task.clear_ibuf [dreg:s9], $0x2FFFF;
	_ =	strace $0x9FFFFFFF  }
0xcb: {  	(tm) =	ssettm $0x7FFFFFFF  }
tec
execute0_lowered:
.L_overlay_start_1:
0x0: {  	(tag) =	ssettag $0x1  }
0x1: {  	s1 =	rddreg [dreg:$0x0]  }
0x2: {  	s0 =	rddreg [dreg:$0x1]  }
0x3: {  	s3 =	rddreg [dreg:$0x2]  }
0x4: {  	s5 =	rddreg [dreg:$0x3]  }
0x5: {  	s2 =	rddreg [dreg:$0x4]  }
0x6: {  	s4 =	simm.s32 $0x0;
	s6 =	srdreg.scid;
	s12 =	stileid.u32  }
0x7: {  	s28 =	simm.s32 $0x7900;
	s29 =	simm.s32 $0x8100;
	s30 =	simm.s32 $0x8900  }
0x8: {  	s31 =	simm.s32 $0x9100;
	s13 =	simm.s32 $0xA900;
	s14 =	simm.s32 $0xB100  }
0x9: {  	s15 =	simm.s32 $0xB900;
	s16 =	simm.s32 $0xC100;
	s17 =	simm.s32 $0xC900  }
0xa: {  	s18 =	simm.s32 $0xD100;
	s19 =	simm.s32 $0xD900;
	[smem:$0x7FF] =	sst s4  }
0xb: {  	s8 =	sand.u32 $0x1, s6;
	s20 =	sshll.u32 s12, $0x4;
	s22 =	sshll.u32 s12, $0x5  }
0xc: {  	s24 =	sshll.u32 s12, $0x9;
	s25 =	sshll.u32 s12, $0x6;
	_ =	strace $0x80000047  }
0xd: {  	s7 =	sshll.u32 s8, $0x4;
	s9 =	sadd.s32 s20, s5;
	s23 =	ssub.s32 $0x2, s8  }
0xe: {  	s5 =	sand.u32 $0x60, s22;
	p0 =	sne.s32 s8, $0x0;
	s20 =	simm.s32 $0xE100  }
0xf: {  	s8 =	simm.s32 $0xF100;
	s22 =	simm.s32 $0xF900;
	s21 =	sor.u32 s12, s7  }
0x10: {  	s11 =	sshrl.u32 s23, $0x1;
	s5 =	sadd.s32 s0, s5;
	s7 =	sadd.s32 s24, s2  }
0x11: {  	s0 =	sadd.s32 s0, s25;
	s26 =	sadd.s32 $0xA00, s9;
	s12 =	simm.s32 $0x100  }
0x12: {  	s25 =	simm.s32 $0x900;
	s9 =	simm.s32 $0x1;
	s24 =	simm.s32 $0x80  }
.Ltmp0:
0x13: {  	s10 =	sshll.u32 s21, $0x5;
	[dreg:$0x6] =	wrdreg s0;
	(pc) =	sbr.rel .LBB2_1-.Ltmp0, $4  }
0x14: {  	s11 =	ssub.s32 s23, s11;
	s6 =	sshll.u32 s21, $0xD;
	[dreg:$0x7] =	wrdreg s26  }
0x15: {  	v2 =	vlaneseq.u32;
	vm0 =	vmmov $0xffff;
	s0 =	simm.s32 $0x9900;
	s21 =	simm.s32 $0xE900;
	s23 =	simm.s32 $0x10100  }
0x16: {  	v3 =	vimm.s32 $0x1;
	v4 =	vimm.s32 $0x0;
	v1 =	vshrl.u32 v2, $0x3;
	s10 =	sand.u32 $0x380, s10;
	s6 =	sadd.s32 s3, s6;
	s3 =	simm.s32 $0xA100  }
0x17: {  	v0 =	vand.u32 $0x7, v2;
	v2 =	vor.u32 $0x8, v2;
	v1 =	vmul.u32 $0x8, v1;
	s5 =	sadd.s32 s10, s5;
	s10 =	smax.u32 s11, $0x1;
	s11 =	simm.s32 $0x2  }
.LBB2_3:
0x18: {  	s10 =	sadd.s32 $0xFFFFFFFF, s10  }
0x19: {  	p1 =	sne.s32 s10, $0x0  }
.Ltmp1:
0x1a: {  	_ = 	snop;
	(pc) =	sbr.rel @!p1 .LBB2_4-.Ltmp1, $1  }
0x1b: {  	_ =	sdelay $0x3  }
.LBB2_1:
0x1c: {  	[tilespmem:s4], [sflag:$0x2] =	stream.linear.gather [hbm4b:s5+s4], $0x100, $0x38;
	[tilespmem:$0x10B80] =	vst v63  }
0x1d: {  	_ =	swait.ge [sflag:s11], $0x100  }
0x1e: {  	[sflag:s11] =	ssyncset.done $0x0  }
0x1f: {  	[sflag:s11] =	ssyncadd.s32 $0xFFFFFF00  }
0x20: {  	v5 =	vld [tilespmem:$0x0];
	_ =	sdelay $0x4  }
0x21: {  	v6 =	vshll.u32 v5, $0x1  }
0x22: {  	v5 =	vand.u32 $0x7, v5;
	v6 =	vand.u32 $0xFFFFFFF0, v6  }
0x23: {  	v5 =	vor.u32 v5, v6  }
0x24: {  	v6 =	vperm.xlane v5, v0;
	_ =	sdelay $0x1  }
0x25: {  	v5 =	vperm.xlane v5, v2;
	v6 =	vadd.s32 v1, v6;
	_ =	sdelay $0x1  }
0x26: {  	v5 =	vadd.s32 v1, v5;
	_ =	sdelay $0x2  }
0x27: {  	[tilespmem:s12], [sflag:$0x1] =	stream.indirect_vreg.gather [hbm4b:s1+s4], $0x80, v6, vm0, $0xb8;
	[tilespmem:$0x10B80] =	vst v63  }
0x28: {  	_ = 	snop  }
0x29: {  	[tilespmem:s25], [sflag:$0x1] =	stream.indirect_vreg.gather [hbm4b:s1+s4], $0x80, v5, vm0, $0xb8;
	[tilespmem:$0x10B80] =	vst v63  }
0x2a: {  	v5 =	vld [tilespmem:$0x10];
	_ =	sdelay $0x4  }
0x2b: {  	v6 =	vshll.u32 v5, $0x1  }
0x2c: {  	v5 =	vand.u32 $0x7, v5;
	v6 =	vand.u32 $0xFFFFFFF0, v6  }
0x2d: {  	v5 =	vor.u32 v5, v6  }
0x2e: {  	v6 =	vperm.xlane v5, v0;
	_ =	sdelay $0x1  }
0x2f: {  	v5 =	vperm.xlane v5, v2;
	v6 =	vadd.s32 v1, v6;
	_ =	sdelay $0x1  }
0x30: {  	v5 =	vadd.s32 v1, v5;
	_ =	sdelay $0x1  }
0x31: {  	s26 =	simm.s32 $0x1100  }
0x32: {  	[tilespmem:s26], [sflag:$0x1] =	stream.indirect_vreg.gather [hbm4b:s1+s4], $0x80, v6, vm0, $0xb8;
	[tilespmem:$0x10B80] =	vst v63  }
0x33: {  	s26 =	simm.s32 $0x1900  }
0x34: {  	[tilespmem:s26], [sflag:$0x1] =	stream.indirect_vreg.gather [hbm4b:s1+s4], $0x80, v5, vm0, $0xb8;
	[tilespmem:$0x10B80] =	vst v63  }
0x35: {  	v5 =	vld [tilespmem:$0x20];
	_ =	sdelay $0x4  }
0x36: {  	v6 =	vshll.u32 v5, $0x1  }
0x37: {  	v5 =	vand.u32 $0x7, v5;
	v6 =	vand.u32 $0xFFFFFFF0, v6  }
0x38: {  	v5 =	vor.u32 v5, v6  }
0x39: {  	v6 =	vperm.xlane v5, v0;
	_ =	sdelay $0x1  }
0x3a: {  	v5 =	vperm.xlane v5, v2;
	v6 =	vadd.s32 v1, v6;
	_ =	sdelay $0x1  }
0x3b: {  	v5 =	vadd.s32 v1, v5;
	_ =	sdelay $0x1  }
0x3c: {  	s26 =	simm.s32 $0x2100  }
0x3d: {  	[tilespmem:s26], [sflag:$0x1] =	stream.indirect_vreg.gather [hbm4b:s1+s4], $0x80, v6, vm0, $0xb8;
	[tilespmem:$0x10B80] =	vst v63  }
0x3e: {  	s26 =	simm.s32 $0x2900  }
0x3f: {  	[tilespmem:s26], [sflag:$0x1] =	stream.indirect_vreg.gather [hbm4b:s1+s4], $0x80, v5, vm0, $0xb8;
	[tilespmem:$0x10B80] =	vst v63  }
0x40: {  	v5 =	vld [tilespmem:$0x30];
	_ =	sdelay $0x4  }
0x41: {  	v6 =	vshll.u32 v5, $0x1  }
0x42: {  	v5 =	vand.u32 $0x7, v5;
	v6 =	vand.u32 $0xFFFFFFF0, v6  }
0x43: {  	v5 =	vor.u32 v5, v6  }
0x44: {  	v6 =	vperm.xlane v5, v0;
	_ =	sdelay $0x1  }
0x45: {  	v5 =	vperm.xlane v5, v2;
	v6 =	vadd.s32 v1, v6;
	_ =	sdelay $0x1  }
0x46: {  	v5 =	vadd.s32 v1, v5;
	_ =	sdelay $0x1  }
0x47: {  	s26 =	simm.s32 $0x3100  }
0x48: {  	[tilespmem:s26], [sflag:$0x1] =	stream.indirect_vreg.gather [hbm4b:s1+s4], $0x80, v6, vm0, $0xb8;
	[tilespmem:$0x10B80] =	vst v63  }
0x49: {  	s26 =	simm.s32 $0x3900  }
0x4a: {  	[tilespmem:s26], [sflag:$0x1] =	stream.indirect_vreg.gather [hbm4b:s1+s4], $0x80, v5, vm0, $0xb8;
	[tilespmem:$0x10B80] =	vst v63  }
0x4b: {  	v5 =	vld [tilespmem:$0x40];
	_ =	sdelay $0x4  }
0x4c: {  	v6 =	vshll.u32 v5, $0x1  }
0x4d: {  	v5 =	vand.u32 $0x7, v5;
	v6 =	vand.u32 $0xFFFFFFF0, v6  }
0x4e: {  	v5 =	vor.u32 v5, v6  }
0x4f: {  	v6 =	vperm.xlane v5, v0;
	_ =	sdelay $0x1  }
0x50: {  	v5 =	vperm.xlane v5, v2;
	v6 =	vadd.s32 v1, v6;
	_ =	sdelay $0x1  }
0x51: {  	v5 =	vadd.s32 v1, v5;
	_ =	sdelay $0x1  }
0x52: {  	s26 =	simm.s32 $0x4100  }
0x53: {  	[tilespmem:s26], [sflag:$0x1] =	stream.indirect_vreg.gather [hbm4b:s1+s4], $0x80, v6, vm0, $0xb8;
	[tilespmem:$0x10B80] =	vst v63  }
0x54: {  	s26 =	simm.s32 $0x4900  }
0x55: {  	[tilespmem:s26], [sflag:$0x1] =	stream.indirect_vreg.gather [hbm4b:s1+s4], $0x80, v5, vm0, $0xb8;
	[tilespmem:$0x10B80] =	vst v63  }
0x56: {  	v5 =	vld [tilespmem:$0x50];
	_ =	sdelay $0x4  }
0x57: {  	v6 =	vshll.u32 v5, $0x1  }
0x58: {  	v5 =	vand.u32 $0x7, v5;
	v6 =	vand.u32 $0xFFFFFFF0, v6  }
0x59: {  	v5 =	vor.u32 v5, v6  }
0x5a: {  	v6 =	vperm.xlane v5, v0;
	_ =	sdelay $0x1  }
0x5b: {  	v5 =	vperm.xlane v5, v2;
	v6 =	vadd.s32 v1, v6;
	_ =	sdelay $0x1  }
0x5c: {  	v5 =	vadd.s32 v1, v5;
	_ =	sdelay $0x1  }
0x5d: {  	s26 =	simm.s32 $0x5100  }
0x5e: {  	[tilespmem:s26], [sflag:$0x1] =	stream.indirect_vreg.gather [hbm4b:s1+s4], $0x80, v6, vm0, $0xb8;
	[tilespmem:$0x10B80] =	vst v63  }
0x5f: {  	s26 =	simm.s32 $0x5900  }
0x60: {  	[tilespmem:s26], [sflag:$0x1] =	stream.indirect_vreg.gather [hbm4b:s1+s4], $0x80, v5, vm0, $0xb8;
	[tilespmem:$0x10B80] =	vst v63  }
0x61: {  	v5 =	vld [tilespmem:$0x60];
	_ =	sdelay $0x4  }
0x62: {  	v6 =	vshll.u32 v5, $0x1  }
0x63: {  	v5 =	vand.u32 $0x7, v5;
	v6 =	vand.u32 $0xFFFFFFF0, v6  }
0x64: {  	v5 =	vor.u32 v5, v6  }
0x65: {  	v6 =	vperm.xlane v5, v0;
	_ =	sdelay $0x1  }
0x66: {  	v5 =	vperm.xlane v5, v2;
	v6 =	vadd.s32 v1, v6;
	_ =	sdelay $0x1  }
0x67: {  	v5 =	vadd.s32 v1, v5;
	_ =	sdelay $0x1  }
0x68: {  	s26 =	simm.s32 $0x6100  }
0x69: {  	[tilespmem:s26], [sflag:$0x1] =	stream.indirect_vreg.gather [hbm4b:s1+s4], $0x80, v6, vm0, $0xb8;
	[tilespmem:$0x10B80] =	vst v63  }
0x6a: {  	s26 =	simm.s32 $0x6900  }
0x6b: {  	[tilespmem:s26], [sflag:$0x1] =	stream.indirect_vreg.gather [hbm4b:s1+s4], $0x80, v5, vm0, $0xb8;
	[tilespmem:$0x10B80] =	vst v63  }
0x6c: {  	v5 =	vld [tilespmem:$0x70];
	_ =	sdelay $0x4  }
0x6d: {  	v6 =	vshll.u32 v5, $0x1  }
0x6e: {  	v5 =	vand.u32 $0x7, v5;
	v6 =	vand.u32 $0xFFFFFFF0, v6  }
0x6f: {  	v5 =	vor.u32 v5, v6  }
0x70: {  	v6 =	vperm.xlane v5, v0;
	_ =	sdelay $0x1  }
0x71: {  	v5 =	vperm.xlane v5, v2;
	v6 =	vadd.s32 v1, v6;
	_ =	sdelay $0x1  }
0x72: {  	v5 =	vadd.s32 v1, v5;
	_ =	sdelay $0x1  }
0x73: {  	s26 =	simm.s32 $0x7100  }
0x74: {  	[tilespmem:s26], [sflag:$0x1] =	stream.indirect_vreg.gather [hbm4b:s1+s4], $0x80, v6, vm0, $0xb8;
	[tilespmem:$0x10B80] =	vst v63  }
0x75: {  	_ = 	snop  }
0x76: {  	[tilespmem:s28], [sflag:$0x1] =	stream.indirect_vreg.gather [hbm4b:s1+s4], $0x80, v5, vm0, $0xb8;
	[tilespmem:$0x10B80] =	vst v63  }
0x77: {  	v5 =	vld [tilespmem:$0x80];
	_ =	sdelay $0x4  }
0x78: {  	v6 =	vshll.u32 v5, $0x1  }
0x79: {  	v5 =	vand.u32 $0x7, v5;
	v6 =	vand.u32 $0xFFFFFFF0, v6  }
0x7a: {  	v5 =	vor.u32 v5, v6  }
0x7b: {  	v6 =	vperm.xlane v5, v0;
	_ =	sdelay $0x1  }
0x7c: {  	v5 =	vperm.xlane v5, v2;
	v6 =	vadd.s32 v1, v6;
	_ =	sdelay $0x1  }
0x7d: {  	v5 =	vadd.s32 v1, v5;
	_ =	sdelay $0x2  }
0x7e: {  	[tilespmem:s29], [sflag:$0x1] =	stream.indirect_vreg.gather [hbm4b:s1+s4], $0x80, v6, vm0, $0xb8;
	[tilespmem:$0x10B80] =	vst v63  }
0x7f: {  	_ = 	snop  }
0x80: {  	[tilespmem:s30], [sflag:$0x1] =	stream.indirect_vreg.gather [hbm4b:s1+s4], $0x80, v5, vm0, $0xb8;
	[tilespmem:$0x10B80] =	vst v63  }
0x81: {  	v5 =	vld [tilespmem:$0x90];
	_ =	sdelay $0x4  }
0x82: {  	v6 =	vshll.u32 v5, $0x1  }
0x83: {  	v5 =	vand.u32 $0x7, v5;
	v6 =	vand.u32 $0xFFFFFFF0, v6  }
0x84: {  	v5 =	vor.u32 v5, v6  }
0x85: {  	v6 =	vperm.xlane v5, v0;
	_ =	sdelay $0x1  }
0x86: {  	v5 =	vperm.xlane v5, v2;
	v6 =	vadd.s32 v1, v6;
	_ =	sdelay $0x1  }
0x87: {  	v5 =	vadd.s32 v1, v5;
	_ =	sdelay $0x2  }
0x88: {  	[tilespmem:s31], [sflag:$0x1] =	stream.indirect_vreg.gather [hbm4b:s1+s4], $0x80, v6, vm0, $0xb8;
	[tilespmem:$0x10B80] =	vst v63  }
0x89: {  	_ = 	snop  }
0x8a: {  	[tilespmem:s0], [sflag:$0x1] =	stream.indirect_vreg.gather [hbm4b:s1+s4], $0x80, v5, vm0, $0xb8;
	[tilespmem:$0x10B80] =	vst v63  }
0x8b: {  	v5 =	vld [tilespmem:$0xA0];
	_ =	sdelay $0x4  }
0x8c: {  	v6 =	vshll.u32 v5, $0x1  }
0x8d: {  	v5 =	vand.u32 $0x7, v5;
	v6 =	vand.u32 $0xFFFFFFF0, v6  }
0x8e: {  	v5 =	vor.u32 v5, v6  }
0x8f: {  	v6 =	vperm.xlane v5, v0;
	_ =	sdelay $0x1  }
0x90: {  	v5 =	vperm.xlane v5, v2;
	v6 =	vadd.s32 v1, v6;
	_ =	sdelay $0x1  }
0x91: {  	v5 =	vadd.s32 v1, v5;
	_ =	sdelay $0x2  }
0x92: {  	[tilespmem:s3], [sflag:$0x1] =	stream.indirect_vreg.gather [hbm4b:s1+s4], $0x80, v6, vm0, $0xb8;
	[tilespmem:$0x10B80] =	vst v63  }
0x93: {  	_ = 	snop  }
0x94: {  	[tilespmem:s13], [sflag:$0x1] =	stream.indirect_vreg.gather [hbm4b:s1+s4], $0x80, v5, vm0, $0xb8;
	[tilespmem:$0x10B80] =	vst v63  }
0x95: {  	v5 =	vld [tilespmem:$0xB0];
	_ =	sdelay $0x4  }
0x96: {  	v6 =	vshll.u32 v5, $0x1  }
0x97: {  	v5 =	vand.u32 $0x7, v5;
	v6 =	vand.u32 $0xFFFFFFF0, v6  }
0x98: {  	v5 =	vor.u32 v5, v6  }
0x99: {  	v6 =	vperm.xlane v5, v0;
	_ =	sdelay $0x1  }
0x9a: {  	v5 =	vperm.xlane v5, v2;
	v6 =	vadd.s32 v1, v6;
	_ =	sdelay $0x1  }
0x9b: {  	v5 =	vadd.s32 v1, v5;
	_ =	sdelay $0x2  }
0x9c: {  	[tilespmem:s14], [sflag:$0x1] =	stream.indirect_vreg.gather [hbm4b:s1+s4], $0x80, v6, vm0, $0xb8;
	[tilespmem:$0x10B80] =	vst v63  }
0x9d: {  	_ = 	snop  }
0x9e: {  	[tilespmem:s15], [sflag:$0x1] =	stream.indirect_vreg.gather [hbm4b:s1+s4], $0x80, v5, vm0, $0xb8;
	[tilespmem:$0x10B80] =	vst v63  }
0x9f: {  	v5 =	vld [tilespmem:$0xC0];
	_ =	sdelay $0x4  }
0xa0: {  	v6 =	vshll.u32 v5, $0x1  }
0xa1: {  	v5 =	vand.u32 $0x7, v5;
	v6 =	vand.u32 $0xFFFFFFF0, v6  }
0xa2: {  	v5 =	vor.u32 v5, v6  }
0xa3: {  	v6 =	vperm.xlane v5, v0;
	_ =	sdelay $0x1  }
0xa4: {  	v5 =	vperm.xlane v5, v2;
	v6 =	vadd.s32 v1, v6;
	_ =	sdelay $0x1  }
0xa5: {  	v5 =	vadd.s32 v1, v5;
	_ =	sdelay $0x2  }
0xa6: {  	[tilespmem:s16], [sflag:$0x1] =	stream.indirect_vreg.gather [hbm4b:s1+s4], $0x80, v6, vm0, $0xb8;
	[tilespmem:$0x10B80] =	vst v63  }
0xa7: {  	_ = 	snop  }
0xa8: {  	[tilespmem:s17], [sflag:$0x1] =	stream.indirect_vreg.gather [hbm4b:s1+s4], $0x80, v5, vm0, $0xb8;
	[tilespmem:$0x10B80] =	vst v63  }
0xa9: {  	v5 =	vld [tilespmem:$0xD0];
	_ =	sdelay $0x4  }
0xaa: {  	v6 =	vshll.u32 v5, $0x1  }
0xab: {  	v5 =	vand.u32 $0x7, v5;
	v6 =	vand.u32 $0xFFFFFFF0, v6  }
0xac: {  	v5 =	vor.u32 v5, v6  }
0xad: {  	v6 =	vperm.xlane v5, v0;
	_ =	sdelay $0x1  }
0xae: {  	v5 =	vperm.xlane v5, v2;
	v6 =	vadd.s32 v1, v6;
	_ =	sdelay $0x1  }
0xaf: {  	v5 =	vadd.s32 v1, v5;
	_ =	sdelay $0x2  }
0xb0: {  	[tilespmem:s18], [sflag:$0x1] =	stream.indirect_vreg.gather [hbm4b:s1+s4], $0x80, v6, vm0, $0xb8;
	[tilespmem:$0x10B80] =	vst v63  }
0xb1: {  	_ = 	snop  }
0xb2: {  	[tilespmem:s19], [sflag:$0x1] =	stream.indirect_vreg.gather [hbm4b:s1+s4], $0x80, v5, vm0, $0xb8;
	[tilespmem:$0x10B80] =	vst v63  }
0xb3: {  	v5 =	vld [tilespmem:$0xE0];
	_ =	sdelay $0x4  }
0xb4: {  	v6 =	vshll.u32 v5, $0x1  }
0xb5: {  	v5 =	vand.u32 $0x7, v5;
	v6 =	vand.u32 $0xFFFFFFF0, v6  }
0xb6: {  	v5 =	vor.u32 v5, v6  }
0xb7: {  	v6 =	vperm.xlane v5, v0;
	_ =	sdelay $0x1  }
0xb8: {  	v5 =	vperm.xlane v5, v2;
	v6 =	vadd.s32 v1, v6;
	_ =	sdelay $0x1  }
0xb9: {  	v5 =	vadd.s32 v1, v5;
	_ =	sdelay $0x2  }
0xba: {  	[tilespmem:s20], [sflag:$0x1] =	stream.indirect_vreg.gather [hbm4b:s1+s4], $0x80, v6, vm0, $0xb8;
	[tilespmem:$0x10B80] =	vst v63  }
0xbb: {  	_ = 	snop  }
0xbc: {  	[tilespmem:s21], [sflag:$0x1] =	stream.indirect_vreg.gather [hbm4b:s1+s4], $0x80, v5, vm0, $0xb8;
	[tilespmem:$0x10B80] =	vst v63  }
0xbd: {  	v5 =	vld [tilespmem:$0xF0];
	_ =	sdelay $0x4  }
0xbe: {  	v6 =	vshll.u32 v5, $0x1  }
0xbf: {  	v5 =	vand.u32 $0x7, v5;
	v6 =	vand.u32 $0xFFFFFFF0, v6  }
0xc0: {  	v5 =	vor.u32 v5, v6  }
0xc1: {  	v6 =	vperm.xlane v5, v0;
	_ =	sdelay $0x1  }
0xc2: {  	v5 =	vperm.xlane v5, v2;
	v6 =	vadd.s32 v1, v6;
	_ =	sdelay $0x1  }
0xc3: {  	v5 =	vadd.s32 v1, v5;
	_ =	sdelay $0x2  }
0xc4: {  	[tilespmem:s8], [sflag:$0x1] =	stream.indirect_vreg.gather [hbm4b:s1+s4], $0x80, v6, vm0, $0xb8;
	[tilespmem:$0x10B80] =	vst v63  }
0xc5: {  	_ = 	snop  }
0xc6: {  	[tilespmem:s22], [sflag:$0x1] =	stream.indirect_vreg.gather [hbm4b:s1+s4], $0x80, v5, vm0, $0xb8;
	[tilespmem:$0x10B80] =	vst v63  }
0xc7: {  	_ =	swait.ge [sflag:s9], $0x8000  }
0xc8: {  	[sflag:s9] =	ssyncset.done $0x0  }
0xc9: {  	[sflag:s9] =	ssyncadd.s32 $0xFFFF8000  }
0xca: {  	_ =	swait.ge [sflag:s9], $0x8000  }
0xcb: {  	[sflag:s9] =	ssyncset.done $0x0  }
.Ltmp2:
0xcc: {  	[sflag:s9] =	ssyncadd.s32 $0xFFFF8000;
	(pc) =	sbr.rel @p0 .LBB2_3-.Ltmp2, $4  }
0xcd: {  	[hbm4b:s6+s4] =	stream.linear.scatter [tilespmem:s12], [sflag:$0x2], $0x10000, $0x38;
	[tilespmem:$0x10B80] =	vst v63  }
0xce: {  	_ =	swait.ge [sflag:s11], $0x10000  }
0xcf: {  	[sflag:s11] =	ssyncset.done $0x0  }
0xd0: {  	[sflag:s11] =	ssyncadd.s32 $0xFFFF0000  }
0xd1: {  	[tilespmem:$0x10300] =	vst v3  }
0xd2: {  	[tilespmem:$0x10500] =	vst v4  }
0xd3: {  	[tilespmem:$0x10310] =	vst v3  }
0xd4: {  	[tilespmem:$0x10510] =	vst v4  }
0xd5: {  	[tilespmem:$0x10320] =	vst v3  }
0xd6: {  	[tilespmem:$0x10520] =	vst v4  }
0xd7: {  	[tilespmem:$0x10330] =	vst v3  }
0xd8: {  	[tilespmem:$0x10530] =	vst v4  }
0xd9: {  	[tilespmem:$0x10340] =	vst v3  }
0xda: {  	[tilespmem:$0x10540] =	vst v4  }
0xdb: {  	[tilespmem:$0x10350] =	vst v3  }
0xdc: {  	[tilespmem:$0x10550] =	vst v4  }
0xdd: {  	[tilespmem:$0x10360] =	vst v3  }
0xde: {  	[tilespmem:$0x10560] =	vst v4  }
0xdf: {  	[tilespmem:$0x10370] =	vst v3  }
0xe0: {  	[tilespmem:$0x10570] =	vst v4  }
0xe1: {  	[tilespmem:$0x10380] =	vst v3  }
0xe2: {  	[tilespmem:$0x10580] =	vst v4  }
0xe3: {  	[tilespmem:$0x10390] =	vst v3  }
0xe4: {  	[tilespmem:$0x10590] =	vst v4  }
0xe5: {  	[tilespmem:$0x103A0] =	vst v3  }
0xe6: {  	[tilespmem:$0x105A0] =	vst v4  }
0xe7: {  	[tilespmem:$0x103B0] =	vst v3  }
0xe8: {  	[tilespmem:$0x105B0] =	vst v4  }
0xe9: {  	[tilespmem:$0x103C0] =	vst v3  }
0xea: {  	[tilespmem:$0x105C0] =	vst v4  }
0xeb: {  	[tilespmem:$0x103D0] =	vst v3  }
0xec: {  	[tilespmem:$0x105D0] =	vst v4  }
0xed: {  	[tilespmem:$0x103E0] =	vst v3  }
0xee: {  	[tilespmem:$0x105E0] =	vst v4  }
0xef: {  	[tilespmem:$0x103F0] =	vst v3  }
0xf0: {  	[tilespmem:$0x105F0] =	vst v4  }
0xf1: {  	[tilespmem:$0x10400] =	vst v3  }
0xf2: {  	[tilespmem:$0x10600] =	vst v4  }
0xf3: {  	[tilespmem:$0x10410] =	vst v3  }
0xf4: {  	[tilespmem:$0x10610] =	vst v4  }
0xf5: {  	[tilespmem:$0x10420] =	vst v3  }
0xf6: {  	[tilespmem:$0x10620] =	vst v4  }
0xf7: {  	[tilespmem:$0x10430] =	vst v3  }
0xf8: {  	[tilespmem:$0x10630] =	vst v4  }
0xf9: {  	[tilespmem:$0x10440] =	vst v3  }
0xfa: {  	[tilespmem:$0x10640] =	vst v4  }
0xfb: {  	[tilespmem:$0x10450] =	vst v3  }
0xfc: {  	[tilespmem:$0x10650] =	vst v4  }
0xfd: {  	[tilespmem:$0x10460] =	vst v3  }
0xfe: {  	[tilespmem:$0x10660] =	vst v4  }
0xff: {  	[tilespmem:$0x10470] =	vst v3  }
0x100: {  	[tilespmem:$0x10670] =	vst v4  }
0x101: {  	[tilespmem:$0x10480] =	vst v3  }
0x102: {  	[tilespmem:$0x10680] =	vst v4  }
0x103: {  	[tilespmem:$0x10490] =	vst v3  }
0x104: {  	[tilespmem:$0x10690] =	vst v4  }
0x105: {  	[tilespmem:$0x104A0] =	vst v3  }
0x106: {  	[tilespmem:$0x106A0] =	vst v4  }
0x107: {  	[tilespmem:$0x104B0] =	vst v3  }
0x108: {  	[tilespmem:$0x106B0] =	vst v4  }
0x109: {  	[tilespmem:$0x104C0] =	vst v3  }
0x10a: {  	[tilespmem:$0x106C0] =	vst v4  }
0x10b: {  	[tilespmem:$0x104D0] =	vst v3  }
0x10c: {  	[tilespmem:$0x106D0] =	vst v4  }
0x10d: {  	[tilespmem:$0x104E0] =	vst v3  }
0x10e: {  	[tilespmem:$0x106E0] =	vst v4  }
0x10f: {  	[tilespmem:$0x104F0] =	vst v3  }
0x110: {  	[tilespmem:$0x106F0] =	vst v4;
	s25 =	simm.s32 $0x10500  }
0x111: {  	[spmem:s7] =	stream.linear.scatter [tilespmem:s25], [sflag:$0x2], $0x200, $0x38;
	[tilespmem:$0x10B80] =	vst v63  }
0x112: {  	_ =	swait.ge [sflag:s11], $0x200  }
0x113: {  	[sflag:s11] =	ssyncset.done $0x0  }
0x114: {  	[sflag:s11] =	ssyncadd.s32 $0xFFFFFE00  }
0x115: {  	[bflag:$0x0] =	sbarrier.arrive $0xFFFF  }
0x116: {  	s26 =	rddreg [dreg:$0x6]  }
0x117: {  	[tilespmem:s23], [sflag:$0x2] =	stream.linear.gather [hbm4b:s26+s4], $0x200, $0x38;
	[tilespmem:$0x10B80] =	vst v63  }
0x118: {  	_ =	swait.ge [sflag:s11], $0x200  }
0x119: {  	[sflag:s11] =	ssyncset.done $0x0  }
0x11a: {  	s26 =	simm.s32 $0x10300;
	[sflag:s11] =	ssyncadd.s32 $0xFFFFFE00  }
0x11b: {  	[spmem:s2] =	stream.indirect.scatter.add.s32 [tilespmem:s26], [sflag:$0x2], $0x1, s23, s24, $0xb8;
	[tilespmem:$0x10B80] =	vst v63  }
0x11c: {  	_ =	swait.ge [sflag:s11], $0x80  }
0x11d: {  	[sflag:s11] =	ssyncset.done $0x0  }
0x11e: {  	s25 =	simm.s32 $0x10180;
	s26 =	simm.s32 $0x10380;
	[sflag:s11] =	ssyncadd.s32 $0xFFFFFF80  }
0x11f: {  	[spmem:s2] =	stream.indirect.scatter.add.s32 [tilespmem:s26], [sflag:$0x2], $0x1, s25, s24, $0xb8;
	[tilespmem:$0x10B80] =	vst v63  }
0x120: {  	_ =	swait.ge [sflag:s11], $0x80  }
0x121: {  	[sflag:s11] =	ssyncset.done $0x0  }
0x122: {  	s25 =	simm.s32 $0x10200;
	s26 =	simm.s32 $0x10400;
	[sflag:s11] =	ssyncadd.s32 $0xFFFFFF80  }
0x123: {  	[spmem:s2] =	stream.indirect.scatter.add.s32 [tilespmem:s26], [sflag:$0x2], $0x1, s25, s24, $0xb8;
	[tilespmem:$0x10B80] =	vst v63  }
0x124: {  	_ =	swait.ge [sflag:s11], $0x80  }
0x125: {  	[sflag:s11] =	ssyncset.done $0x0  }
0x126: {  	s25 =	simm.s32 $0x10280;
	s26 =	simm.s32 $0x10480;
	[sflag:s11] =	ssyncadd.s32 $0xFFFFFF80  }
0x127: {  	[spmem:s2] =	stream.indirect.scatter.add.s32 [tilespmem:s26], [sflag:$0x2], $0x1, s25, s24, $0xb8;
	[tilespmem:$0x10B80] =	vst v63  }
0x128: {  	_ =	swait.ge [sflag:s11], $0x80  }
0x129: {  	[sflag:s11] =	ssyncset.done $0x0  }
0x12a: {  	[sflag:s11] =	ssyncadd.s32 $0xFFFFFF80  }
0x12b: {  	s26 =	simm.s32 $0x10700;
	[bflag:$0x0] =	sbarrier.arrive $0xFFFF  }
0x12c: {  	[tilespmem:s26], [sflag:$0x2] =	stream.linear.gather [spmem:s7], $0x200, $0x38;
	[tilespmem:$0x10B80] =	vst v63  }
0x12d: {  	_ =	swait.ge [sflag:s11], $0x200  }
0x12e: {  	[sflag:s11] =	ssyncset.done $0x0  }
0x12f: {  	[sflag:s11] =	ssyncadd.s32 $0xFFFFFE00  }
0x130: {  	v5 =	vld [tilespmem:$0x10700]  }
0x131: {  	v6 =	vld [tilespmem:$0x10710]  }
0x132: {  	v7 =	vld [tilespmem:$0x10720]  }
0x133: {  	v8 =	vld [tilespmem:$0x10730]  }
0x134: {  	v9 =	vld [tilespmem:$0x10740]  }
0x135: {  	v10 =	vld [tilespmem:$0x10750]  }
0x136: {  	v11 =	vld [tilespmem:$0x10760];
	vm1 =	vlt.s32 v5, $0x1;
	vm2 =	vlt.s32 v6, $0x1  }
0x137: {  	v12 =	vld [tilespmem:$0x10770];
	v5 =	vnsel vm1, $0x1, v5;
	v6 =	vnsel vm2, $0x1, v6;
	vm1 =	vlt.s32 v7, $0x1  }
0x138: {  	v5 =	vadd.s32 v5, v6;
	v6 =	vnsel vm1, $0x1, v7;
	vm1 =	vlt.s32 v8, $0x1;
	v7 =	vld [tilespmem:$0x10780]  }
0x139: {  	v44 =	vld [tilespmem:$0x10790];
	v5 =	vadd.s32 v6, v5;
	v6 =	vnsel vm1, $0x1, v8;
	vm1 =	vlt.s32 v9, $0x1  }
0x13a: {  	v45 =	vld [tilespmem:$0x107A0];
	v5 =	vadd.s32 v6, v5;
	v6 =	vnsel vm1, $0x1, v9;
	vm1 =	vlt.s32 v10, $0x1  }
0x13b: {  	v46 =	vld [tilespmem:$0x107B0];
	v5 =	vadd.s32 v6, v5;
	v6 =	vnsel vm1, $0x1, v10;
	vm1 =	vlt.s32 v11, $0x1  }
0x13c: {  	v47 =	vld [tilespmem:$0x107C0];
	v5 =	vadd.s32 v6, v5;
	v6 =	vnsel vm1, $0x1, v11;
	vm1 =	vlt.s32 v12, $0x1  }
0x13d: {  	v48 =	vld [tilespmem:$0x107D0];
	v5 =	vadd.s32 v6, v5;
	v6 =	vnsel vm1, $0x1, v12;
	vm1 =	vlt.s32 v7, $0x1  }
0x13e: {  	v5 =	vadd.s32 v6, v5;
	v6 =	vnsel vm1, $0x1, v7;
	vm1 =	vlt.s32 v44, $0x1;
	v7 =	vld [tilespmem:$0x107E0]  }
0x13f: {  	v49 =	vld [tilespmem:$0x107F0];
	v5 =	vadd.s32 v6, v5;
	v6 =	vnsel vm1, $0x1, v44;
	vm1 =	vlt.s32 v45, $0x1  }
0x140: {  	v50 =	vld [tilespmem:$0x10800];
	v5 =	vadd.s32 v6, v5;
	v6 =	vnsel vm1, $0x1, v45;
	vm1 =	vlt.s32 v46, $0x1  }
0x141: {  	v51 =	vld [tilespmem:$0x10810];
	v5 =	vadd.s32 v6, v5;
	v6 =	vnsel vm1, $0x1, v46;
	vm1 =	vlt.s32 v47, $0x1  }
0x142: {  	v52 =	vld [tilespmem:$0x10820];
	v5 =	vadd.s32 v6, v5;
	v6 =	vnsel vm1, $0x1, v47;
	vm1 =	vlt.s32 v48, $0x1  }
0x143: {  	v53 =	vld [tilespmem:$0x10830];
	v5 =	vadd.s32 v6, v5;
	v6 =	vnsel vm1, $0x1, v48;
	vm1 =	vlt.s32 v7, $0x1  }
0x144: {  	v5 =	vadd.s32 v6, v5;
	v6 =	vnsel vm1, $0x1, v7;
	vm1 =	vlt.s32 v49, $0x1;
	v7 =	vld [tilespmem:$0x10840]  }
0x145: {  	v54 =	vld [tilespmem:$0x10850];
	v5 =	vadd.s32 v6, v5;
	v6 =	vnsel vm1, $0x1, v49;
	vm1 =	vlt.s32 v50, $0x1  }
0x146: {  	v55 =	vld [tilespmem:$0x10860];
	v5 =	vadd.s32 v6, v5;
	v6 =	vnsel vm1, $0x1, v50;
	vm1 =	vlt.s32 v51, $0x1  }
0x147: {  	v56 =	vld [tilespmem:$0x10870];
	v5 =	vadd.s32 v6, v5;
	v6 =	vnsel vm1, $0x1, v51;
	vm1 =	vlt.s32 v52, $0x1  }
0x148: {  	v57 =	vld [tilespmem:$0x10880];
	v5 =	vadd.s32 v6, v5;
	v6 =	vnsel vm1, $0x1, v52;
	vm1 =	vlt.s32 v53, $0x1  }
0x149: {  	v58 =	vld [tilespmem:$0x10890];
	v5 =	vadd.s32 v6, v5;
	v6 =	vnsel vm1, $0x1, v53;
	vm1 =	vlt.s32 v7, $0x1  }
0x14a: {  	v5 =	vadd.s32 v6, v5;
	v6 =	vnsel vm1, $0x1, v7;
	vm1 =	vlt.s32 v54, $0x1;
	v7 =	vld [tilespmem:$0x108A0]  }
0x14b: {  	v59 =	vld [tilespmem:$0x108B0];
	v5 =	vadd.s32 v6, v5;
	v6 =	vnsel vm1, $0x1, v54;
	vm1 =	vlt.s32 v55, $0x1  }
0x14c: {  	v60 =	vld [tilespmem:$0x108C0];
	v5 =	vadd.s32 v6, v5;
	v6 =	vnsel vm1, $0x1, v55;
	vm1 =	vlt.s32 v56, $0x1  }
0x14d: {  	v61 =	vld [tilespmem:$0x108D0];
	v5 =	vadd.s32 v6, v5;
	v6 =	vnsel vm1, $0x1, v56;
	vm1 =	vlt.s32 v57, $0x1  }
0x14e: {  	v62 =	vld [tilespmem:$0x108E0];
	v5 =	vadd.s32 v6, v5;
	v6 =	vnsel vm1, $0x1, v57;
	vm1 =	vlt.s32 v58, $0x1  }
0x14f: {  	v63 =	vld [tilespmem:$0x108F0];
	v5 =	vadd.s32 v6, v5;
	v6 =	vnsel vm1, $0x1, v58;
	vm1 =	vlt.s32 v7, $0x1  }
0x150: {  	v5 =	vadd.s32 v6, v5;
	v6 =	vnsel vm1, $0x1, v7;
	vm1 =	vlt.s32 v59, $0x1  }
0x151: {  	v5 =	vadd.s32 v6, v5;
	v6 =	vnsel vm1, $0x1, v59;
	vm1 =	vlt.s32 v60, $0x1  }
0x152: {  	v5 =	vadd.s32 v6, v5;
	v6 =	vnsel vm1, $0x1, v60;
	vm1 =	vlt.s32 v61, $0x1  }
0x153: {  	v5 =	vadd.s32 v6, v5;
	v6 =	vnsel vm1, $0x1, v61;
	vm1 =	vlt.s32 v62, $0x1  }
0x154: {  	v5 =	vadd.s32 v6, v5;
	v6 =	vnsel vm1, $0x1, v62;
	vm1 =	vlt.s32 v63, $0x1  }
0x155: {  	v5 =	vadd.s32 v6, v5;
	v6 =	vnsel vm1, $0x1, v63  }
0x156: {  	v5 =	vadd.s32 v6, v5  }
.Ltmp3:
0x157: {  	s26 =	simm.s32 $0x10900;
	s25 =	rddreg [dreg:$0x7];
	[tilespmem:$0x10900] =	vst v5;
	(pc) =	sbr.rel .LBB2_3-.Ltmp3, $4  }
0x158: {  	[hbm4b:s25+s4] =	stream.linear.scatter [tilespmem:s26], [sflag:$0x2], $0x80, $0x38;
	[tilespmem:$0x10B80] =	vst v63  }
0x159: {  	_ =	swait.ge [sflag:s11], $0x80  }
0x15a: {  	[sflag:s11] =	ssyncset.done $0x0  }
0x15b: {  	s25 =	simm.s32 $0x900;
	[sflag:s11] =	ssyncadd.s32 $0xFFFFFF80  }
.LBB2_4:
0x15c: {  	_ =	sfence.sel $0x180000  }
0x15d: {  	[bflag:$0x0] =	sbarrier.arrive $0xFFFF  }
0x15e: {  	_ =	strace $0x90000047  }
0x15f: {  	s0 =	stileid.u32;
	[bflag:$0x2] =	sbarrier.arrive $0xFFFF  }
0x160: {  	p0 =	sne.s32 s0, $0x0;
	s0 =	rddreg [dreg:$0x5]  }
0x161: {  	s0 =	sadd.s32 @!p0 $0x100000, s0  }
0x162: {  	[sflag:s0] =	ssyncadd.tile.s32 @!p0 $0x1;
	_ =	shalt  }
.Lfunc_end2:
_tile_overlayer_lowered:
.L_overlay_start_2:
0x163: {  	(tag) =	ssettag $0x2  }
0x164: {  	s0 =	rddreg [dreg:$0x0];
	s2 =	stileid.u32  }
0x165: {  	s1 =	rddreg [dreg:$0x1];
	p0 =	sne.s32 s2, $0x0  }
0x166: {  	s3 =	rddreg [dreg:$0x2];
	[bflag:$0x3] =	sbarrier.arrive $0xFFFF;
	s2 =	simm.s32 @!p0 $0x1C02  }
0x167: {  	[timem:s3], [sflag:s2] =	dma.local @!p0 [hbm:s0], s1  }
0x168: {  	s0 =	simm.s32 @!p0 $0x2  }
0x169: {  	_ =	swait.ge @!p0 [sflag:s0], s1  }
0x16a: {  	s1 =	ssub.s32 @!p0 $0x0, s1;
	[sflag:s0] =	ssyncset.done @!p0 $0x0  }
0x16b: {  	[sflag:s0] =	ssyncadd.s32 @!p0 s1  }
0x16c: {  	[bflag:$0x3] =	sbarrier.arrive $0xFFFF  }
0x16d: {  	_ =	shalt  }

</sc_bundles>
